<compile_context>
chip_gen: v7x
topology: tpu7x:2x2x1
jax: 0.10.2.dev20260603
libtpu: 0.0.44.dev20260713+nightly
codegen_flags: <defaults>
</compile_context>

<pallas_src>
import functools

import jax
import jax.numpy as jnp
from jax import lax
from jax.experimental import pallas as pl
from jax.experimental.pallas import tpu as pltpu
from jax.experimental.pallas import tpu_sc as plsc

N = 10000
E = 320000
D = 128

NC = 2
NS = 16
CH = 128
NW = NC * NS

N_PAD = 10240
_ITERS_ALL = -(-E // (NS * CH))
_ITERS_ALL += (-_ITERS_ALL) % 4
E_PAD = _ITERS_ALL * NS * CH
EPT = E_PAD // NW
_ITERS_DEG = EPT // CH
ROWS_PT = N_PAD // NS

_SC_PARAMS = dict(use_tc_tiling_on_sc=False)


@functools.cache
def _sc_degree_kernel():
    mesh = plsc.VectorSubcoreMesh(core_axis_name="c", subcore_axis_name="s")
    return pl.kernel(
        _sc_degree_body,
        out_type=jax.ShapeDtypeStruct((NC * N_PAD, D), jnp.float32),
        mesh=mesh,
        compiler_params=pltpu.CompilerParams(**_SC_PARAMS),
        scratch_types=(
            [pltpu.VMEM((CH,), jnp.int32)] * 4
            + [
                pltpu.VMEM((CH, 16), jnp.float32),
                pltpu.VMEM((ROWS_PT, 16), jnp.float32),
                pltpu.VMEM_SHARED((N_PAD, 16), jnp.float32),
            ]
            + [pltpu.SemaphoreType.DMA] * 8
        ),
    )


def _sc_degree_body(dst_hbm, out_hbm, dst0, dst1, dst2, dst3, ones_v,
                    zero_v, deg_sh, i0, i1, i2, i3, s0, s1, s2, s3):
    c = lax.axis_index("c")
    s = lax.axis_index("s")
    base = (c * NS + s) * _ITERS_DEG
    DST = [dst0, dst1, dst2, dst3]
    ISEM = [i0, i1, i2, i3]
    SSEM = [s0, s1, s2, s3]

    def _fill(i, _):
        ones_v[i] = jnp.ones((16,), jnp.float32)
        return _
    lax.fori_loop(0, CH, _fill, None)

    def _zero(i, _):
        zero_v[i] = jnp.zeros((16,), jnp.float32)
        return _
    lax.fori_loop(0, ROWS_PT, _zero, None)

    pltpu.sync_copy(zero_v, deg_sh.at[pl.ds(s * ROWS_PT, ROWS_PT)])
    plsc.subcore_barrier()

    def _idx_start(j, t):
        pltpu.async_copy(dst_hbm.at[pl.ds((base + j) * CH, CH)], DST[t],
                         ISEM[t])

    def _idx_wait(j, t):
        pltpu.make_async_copy(dst_hbm.at[pl.ds((base + j) * CH, CH)],
                              DST[t], ISEM[t]).wait()

    def _scat_wait(t):
        pltpu.make_async_copy(ones_v, deg_sh.at[DST[t]], SSEM[t]).wait()

    _idx_start(0, 0)
    _idx_start(1, 1)

    def _step(j, t):
        X, Z = t % 4, (t + 2) % 4
        _idx_wait(j, X)

        @pl.when(j >= 2)
        def _():
            _scat_wait(Z)
        pltpu.async_copy(ones_v, deg_sh.at[DST[X]], SSEM[X], add=True)

        @pl.when(j + 2 < _ITERS_DEG)
        def _():
            _idx_start(j + 2, Z)

    def _quad(k, _):
        j = 4 * k
        for t in range(4):
            _step(j + t, t)
        return _
    lax.fori_loop(0, _ITERS_DEG // 4, _quad, None)

    _scat_wait((_ITERS_DEG - 2) % 4)
    _scat_wait((_ITERS_DEG - 1) % 4)
    plsc.subcore_barrier()
    pltpu.sync_copy(deg_sh.at[pl.ds(s * ROWS_PT, ROWS_PT)],
                    out_hbm.at[pl.ds(c * N_PAD + s * ROWS_PT, ROWS_PT),
                               pl.ds(0, 16)])


DH = D // NC
ITERS_ALL = E_PAD // CH // NS


@functools.cache
def _sc_scatter_kernel():
    mesh = plsc.VectorSubcoreMesh(core_axis_name="c", subcore_axis_name="s")
    return pl.kernel(
        _sc_scatter_body,
        out_type=jax.ShapeDtypeStruct((N_PAD, D), jnp.float32),
        mesh=mesh,
        compiler_params=pltpu.CompilerParams(**_SC_PARAMS),
        scratch_types=(
            [pltpu.VMEM((CH,), jnp.int32)] * 8
            + [pltpu.VMEM((CH, DH), jnp.float32)] * 4
            + [
                pltpu.VMEM_SHARED((N_PAD, DH), jnp.float32),
                pltpu.VMEM_SHARED((N_PAD, DH), jnp.float32),
            ]
            + [pltpu.SemaphoreType.DMA] * 12
        ),
    )


def _sc_scatter_body(hs_hbm, src_hbm, dst_hbm, out_hbm,
                     src0, dst0, src1, dst1, src2, dst2, src3, dst3,
                     rows0, rows1, rows2, rows3, hs_sh, acc_sh,
                     g0, g1, g2, g3, s0, s1, s2, s3, i0, i1, i2, i3):
    c = lax.axis_index("c")
    s = lax.axis_index("s")
    base = s * ITERS_ALL
    SRC = [src0, src1, src2, src3]
    DST = [dst0, dst1, dst2, dst3]
    ROWS = [rows0, rows1, rows2, rows3]
    GSEM = [g0, g1, g2, g3]
    SSEM = [s0, s1, s2, s3]
    ISEM = [i0, i1, i2, i3]

    pltpu.sync_copy(hs_hbm.at[pl.ds(s * ROWS_PT, ROWS_PT),
                              pl.ds(c * DH, DH)],
                    hs_sh.at[pl.ds(s * ROWS_PT, ROWS_PT)])

    def _zrow(r, _):
        def _zcol(k, __):
            rows0[r, pl.ds(k * 16, 16)] = jnp.zeros((16,), jnp.float32)
            return __
        lax.fori_loop(0, DH // 16, _zcol, None)
        return _
    lax.fori_loop(0, CH, _zrow, None)

    def _zacc(j, _):
        pltpu.sync_copy(rows0, acc_sh.at[pl.ds(s * ROWS_PT + j * CH, CH)])
        return _
    lax.fori_loop(0, ROWS_PT // CH, _zacc, None)
    plsc.subcore_barrier()

    def _idx_start(j, t):
        off = (base + j) * CH
        pltpu.async_copy(src_hbm.at[pl.ds(off, CH)], SRC[t], ISEM[t])
        pltpu.async_copy(dst_hbm.at[pl.ds(off, CH)], DST[t], ISEM[t])

    def _idx_wait(j, t):
        off = (base + j) * CH
        pltpu.make_async_copy(src_hbm.at[pl.ds(off, CH)], SRC[t],
                              ISEM[t]).wait()
        pltpu.make_async_copy(dst_hbm.at[pl.ds(off, CH)], DST[t],
                              ISEM[t]).wait()

    def _scat_wait(t):
        pltpu.make_async_copy(ROWS[t], acc_sh.at[DST[t]], SSEM[t]).wait()

    _idx_start(0, 0)
    _idx_start(1, 1)
    _idx_wait(0, 0)
    pltpu.async_copy(hs_sh.at[src0], rows0, GSEM[0])

    def _step(j, t):
        X, Y, Z = t % 4, (t + 1) % 4, (t + 2) % 4
        pltpu.make_async_copy(hs_sh.at[SRC[X]], ROWS[X], GSEM[X]).wait()

        @pl.when(j + 1 < ITERS_ALL)
        def _():
            _idx_wait(j + 1, Y)

        @pl.when(j >= 2)
        def _():
            _scat_wait(Z)

        @pl.when(j + 1 < ITERS_ALL)
        def _():
            pltpu.async_copy(hs_sh.at[SRC[Y]], ROWS[Y], GSEM[Y])
        pltpu.async_copy(ROWS[X], acc_sh.at[DST[X]], SSEM[X], add=True)

        @pl.when(j + 2 < ITERS_ALL)
        def _():
            _idx_start(j + 2, Z)

    def _quad(k, _):
        j = 4 * k
        for t in range(4):
            _step(j + t, t)
        return _
    lax.fori_loop(0, ITERS_ALL // 4, _quad, None)

    _scat_wait((ITERS_ALL - 2) % 4)
    _scat_wait((ITERS_ALL - 1) % 4)
    plsc.subcore_barrier()
    pltpu.sync_copy(acc_sh.at[pl.ds(s * ROWS_PT, ROWS_PT)],
                    out_hbm.at[pl.ds(s * ROWS_PT, ROWS_PT),
                               pl.ds(c * DH, DH)])


BM = 1024


def _pre_body(x_ref, w_ref, degp_ref, hs_ref, dinv_ref):
    deg = (jnp.sum(degp_ref[0], axis=1)
           + jnp.sum(degp_ref[1], axis=1)) * (1.0 / 16.0) + 1.0
    dinv = lax.rsqrt(deg)
    h = jnp.dot(x_ref[...], w_ref[...], preferred_element_type=jnp.float32)
    hs_ref[...] = h * dinv[:, None]
    dinv_ref[...] = dinv[:, None]


def _pre(x_pad, w0, degp):
    return pl.pallas_call(
        _pre_body,
        grid=(N_PAD // BM,),
        in_specs=[
            pl.BlockSpec((BM, D), lambda i: (i, 0)),
            pl.BlockSpec((D, D), lambda i: (0, 0)),
            pl.BlockSpec((NC, BM, 16), lambda i: (0, i, 0)),
        ],
        out_specs=[
            pl.BlockSpec((BM, D), lambda i: (i, 0)),
            pl.BlockSpec((BM, 1), lambda i: (i, 0)),
        ],
        out_shape=[
            jax.ShapeDtypeStruct((N_PAD, D), jnp.float32),
            jax.ShapeDtypeStruct((N_PAD, 1), jnp.float32),
        ],
    )(x_pad, w0, degp)


def _mid_body(acc_ref, hs_ref, dinv_ref, b_ref, w_ref, out_ref):
    dinv = dinv_ref[...]
    o = (acc_ref[...] + hs_ref[...]) * dinv + b_ref[...]
    x = jnp.maximum(o, 0.0)
    out_ref[...] = jnp.dot(x, w_ref[...],
                           preferred_element_type=jnp.float32) * dinv


def _mid(acc, hs, dinv, b, w_next):
    return pl.pallas_call(
        _mid_body,
        grid=(N_PAD // BM,),
        in_specs=[
            pl.BlockSpec((BM, D), lambda i: (i, 0)),
            pl.BlockSpec((BM, D), lambda i: (i, 0)),
            pl.BlockSpec((BM, 1), lambda i: (i, 0)),
            pl.BlockSpec((1, D), lambda i: (0, 0)),
            pl.BlockSpec((D, D), lambda i: (0, 0)),
        ],
        out_specs=pl.BlockSpec((BM, D), lambda i: (i, 0)),
        out_shape=jax.ShapeDtypeStruct((N_PAD, D), jnp.float32),
    )(acc, hs, dinv, b, w_next)


def _post_body(acc_ref, hs_ref, dinv_ref, b_ref, out_ref):
    out_ref[...] = ((acc_ref[...] + hs_ref[...]) * dinv_ref[...]
                    + b_ref[...])


def _post(acc, hs, dinv, b):
    return pl.pallas_call(
        _post_body,
        grid=(N_PAD // BM,),
        in_specs=[
            pl.BlockSpec((BM, D), lambda i: (i, 0)),
            pl.BlockSpec((BM, D), lambda i: (i, 0)),
            pl.BlockSpec((BM, 1), lambda i: (i, 0)),
            pl.BlockSpec((1, D), lambda i: (0, 0)),
        ],
        out_specs=pl.BlockSpec((BM, D), lambda i: (i, 0)),
        out_shape=jax.ShapeDtypeStruct((N_PAD, D), jnp.float32),
    )(acc, hs, dinv, b)


def kernel(x, edge_index, W0, b0, W1, b1, W2, b2):
    x_pad = jnp.zeros((N_PAD, D), jnp.float32).at[:N].set(x)
    pad = jnp.full((E_PAD - E,), N, jnp.int32)
    src_p = jnp.concatenate([edge_index[0], pad])
    dst_p = jnp.concatenate([edge_index[1], pad])

    degp = _sc_degree_kernel()(dst_p).reshape(NC, N_PAD, D)[:, :, :16]
    hs, dinv = _pre(x_pad, W0, degp)
    acc = _sc_scatter_kernel()(hs, src_p, dst_p)
    hs = _mid(acc, hs, dinv, b0.reshape(1, D), W1)
    acc = _sc_scatter_kernel()(hs, src_p, dst_p)
    hs = _mid(acc, hs, dinv, b1.reshape(1, D), W2)
    acc = _sc_scatter_kernel()(hs, src_p, dst_p)
    out = _post(acc, hs, dinv, b2.reshape(1, D))
    return out[:N]

# --- scband reference (transcript-rebuilt; emitter-appended) ---
"""Pipeline reference for scband-gcn-86801289052431 (READ-ONLY COPY).

The authoritative reference and input builder live on the scoring server;
editing this copy changes nothing except your own understanding.
"""

import jax, jax.numpy as jnp
import numpy as np

N = 10000
E = 320000
D_IN = 128
D_H = 128


def setup_inputs(seed: int = 0) -> dict:
    key = jax.random.key(seed)
    ks = jax.random.split(key, 8)
    x = jax.random.normal(ks[0], (N, D_IN), dtype=jnp.float32)
    edge_index = jax.random.randint(ks[1], (2, E), 0, N, dtype=jnp.int32)
    # Glorot-ish init for GCNConv weights; convs: (in->hid), (hid->hid), (hid->hid)
    s0 = (6.0 / (D_IN + D_H)) ** 0.5
    s1 = (6.0 / (D_H + D_H)) ** 0.5
    W0 = jax.random.uniform(ks[2], (D_IN, D_H), jnp.float32, -s0, s0)
    b0 = jnp.zeros((D_H,), jnp.float32)
    W1 = jax.random.uniform(ks[3], (D_H, D_H), jnp.float32, -s1, s1)
    b1 = jnp.zeros((D_H,), jnp.float32)
    W2 = jax.random.uniform(ks[4], (D_H, D_H), jnp.float32, -s1, s1)
    b2 = jnp.zeros((D_H,), jnp.float32)
    return {"x": x, "edge_index": edge_index, "W0": W0, "b0": b0,
            "W1": W1, "b1": b1, "W2": W2, "b2": b2}


def _gcn_conv(x, edge_index, W, b):
    # PyG-style GCNConv: linear transform, add self-loops, symmetric norm, scatter-add
    n = x.shape[0]
    loop = jnp.arange(n, dtype=edge_index.dtype)
    src = jnp.concatenate([edge_index[0], loop])
    dst = jnp.concatenate([edge_index[1], loop])
    deg = jnp.zeros((n,), x.dtype).at[dst].add(1.0)
    dinv = jnp.where(deg > 0, deg ** -0.5, 0.0)
    norm = dinv[src] * dinv[dst]
    h = x @ W
    msg = jnp.take(h, src, axis=0) * norm[:, None]
    out = jnp.zeros((n, h.shape[1]), h.dtype).at[dst].add(msg)
    return out + b


def reference(x, edge_index, W0, b0, W1, b1, W2, b2):
    # eval mode: dropout is identity
    h = _gcn_conv(x, edge_index, W0, b0)
    h = jax.nn.relu(h)
    h = _gcn_conv(h, edge_index, W1, b1)
    h = jax.nn.relu(h)
    h = _gcn_conv(h, edge_index, W2, b2)
    return h

if __name__ == "__main__":
    import jax
    _d = setup_inputs()
    print(jax.jit(kernel)(*tuple(_d.values())))

</pallas_src>

<mosaic_0001>
#map = affine_map<(d0, d1) -> (0)>
#map1 = affine_map<(d0, d1) -> (0, 0)>
module attributes {stable_mosaic.version = 14 : i64} {
  func.func @_sc_degree_body(%arg0: i32, %arg1: i32, %arg2: memref<327680xi32, #tpu.memory_space<hbm>>, %arg3: memref<20480x128xf32, #tpu.memory_space<hbm>>, %arg4: memref<128xi32, #tpu.memory_space<vmem>>, %arg5: memref<128xi32, #tpu.memory_space<vmem>>, %arg6: memref<128xi32, #tpu.memory_space<vmem>>, %arg7: memref<128xi32, #tpu.memory_space<vmem>>, %arg8: memref<128x16xf32, #tpu.memory_space<vmem>>, %arg9: memref<640x16xf32, #tpu.memory_space<vmem>>, %arg10: memref<10240x16xf32, #tpu.memory_space<vmem_shared>>, %arg11: memref<!tpu.dma_semaphore, #tpu.memory_space<semaphore_mem>>, %arg12: memref<!tpu.dma_semaphore, #tpu.memory_space<semaphore_mem>>, %arg13: memref<!tpu.dma_semaphore, #tpu.memory_space<semaphore_mem>>, %arg14: memref<!tpu.dma_semaphore, #tpu.memory_space<semaphore_mem>>, %arg15: memref<!tpu.dma_semaphore, #tpu.memory_space<semaphore_mem>>, %arg16: memref<!tpu.dma_semaphore, #tpu.memory_space<semaphore_mem>>, %arg17: memref<!tpu.dma_semaphore, #tpu.memory_space<semaphore_mem>>, %arg18: memref<!tpu.dma_semaphore, #tpu.memory_space<semaphore_mem>>) attributes {dimension_semantics = [#tpu.dimension_semantics<core_parallel>, #tpu.dimension_semantics<subcore_parallel>], iteration_bounds = array<i64: 2, 16>, scalar_prefetch = 0 : i64, scratch_operands = 15 : i64, tpu.core_type = #tpu.core_type<sc_vector_subcore>, window_params = [{transform_indices = #map}, {transform_indices = #map1}]} {
    %mul3A = arith.constant 16 : i32
    %mul3A_0 = arith.muli %arg0, %mul3A : i32
    %add3A = arith.addi %mul3A_0, %arg1 : i32
    %mul3A_1 = arith.constant 80 : i32
    %mul3A_2 = arith.muli %add3A, %mul3A_1 : i32
    %scan3A = arith.constant 0 : i32
    %scan3A_3 = arith.constant 128 : i32
    %scan3A_4 = arith.addi %scan3A, %scan3A_3 : i32
    %scan3A_5 = arith.constant 1 : i32
    scf.for %scan3A_43 = %scan3A to %scan3A_4 step %scan3A_5  : i32 {
      %broadcast_in_dim3A = arith.constant 1.000000e+00 : f32
      %broadcast_in_dim3A_44 = vector.broadcast %broadcast_in_dim3A : f32 to vector<16xf32>
      %swap3A = arith.index_cast %scan3A_43 : i32 to index
      %swap3A_45 = arith.constant 0 : index
      %swap3A_46 = tpu.vector_load %arg8[%swap3A, %swap3A_45] {strides = array<i32>} : memref<128x16xf32, #tpu.memory_space<vmem>>, vector<1x16xf32>,
      %swap3A_47 = vector.shape_cast %swap3A_46 : vector<1x16xf32> to vector<16xf32>
      %swap3A_48 = vector.shape_cast %broadcast_in_dim3A_44 : vector<16xf32> to vector<1x16xf32>
      tpu.vector_store %arg8[%swap3A, %swap3A_45], %swap3A_48 {strides = array<i32>} : memref<128x16xf32, #tpu.memory_space<vmem>>, vector<1x16xf32>,
    }
    %scan3A_6 = arith.constant 128 : i32
    %scan3A_7 = arith.constant 0 : i32
    %scan3A_8 = arith.constant 640 : i32
    %scan3A_9 = arith.addi %scan3A_7, %scan3A_8 : i32
    %scan3A_10 = arith.constant 1 : i32
    scf.for %scan3A_43 = %scan3A_7 to %scan3A_9 step %scan3A_10  : i32 {
      %broadcast_in_dim3A = arith.constant 0.000000e+00 : f32
      %broadcast_in_dim3A_44 = vector.broadcast %broadcast_in_dim3A : f32 to vector<16xf32>
      %swap3A = arith.index_cast %scan3A_43 : i32 to index
      %swap3A_45 = arith.constant 0 : index
      %swap3A_46 = tpu.vector_load %arg9[%swap3A, %swap3A_45] {strides = array<i32>} : memref<640x16xf32, #tpu.memory_space<vmem>>, vector<1x16xf32>,
      %swap3A_47 = vector.shape_cast %swap3A_46 : vector<1x16xf32> to vector<16xf32>
      %swap3A_48 = vector.shape_cast %broadcast_in_dim3A_44 : vector<16xf32> to vector<1x16xf32>
      tpu.vector_store %arg9[%swap3A, %swap3A_45], %swap3A_48 {strides = array<i32>} : memref<640x16xf32, #tpu.memory_space<vmem>>, vector<1x16xf32>,
    }
    %scan3A_11 = arith.constant 640 : i32
    %mul3A_12 = arith.constant 640 : i32
    %mul3A_13 = arith.muli %arg1, %mul3A_12 : i32
    "tpu.region"() ({
      %run_scoped3A = tpu.sem_alloc : memref<!tpu.dma_semaphore, #tpu.memory_space<semaphore_mem>>
      %dma_start3A_43 = arith.constant 0 : i32
      %dma_start3A_44 = tpu.memref_slice %arg10[%mul3A_13, %dma_start3A_43] : memref<10240x16xf32, #tpu.memory_space<vmem_shared>> -> memref<640x16xf32, #tpu.memory_space<vmem_shared>>
      %dma_start3A_45 = arith.constant 0 : i32
      %dma_start3A_46 = tpu.memref_slice %arg10[%mul3A_13, %dma_start3A_45] : memref<10240x16xf32, #tpu.memory_space<vmem_shared>> -> memref<640x16xf32, #tpu.memory_space<vmem_shared>>
      tpu.enqueue_dma source(%arg9 : memref<640x16xf32, #tpu.memory_space<vmem>>) target(%dma_start3A_46 : memref<640x16xf32, #tpu.memory_space<vmem_shared>>) target_semaphore(%run_scoped3A : memref<!tpu.dma_semaphore, #tpu.memory_space<semaphore_mem>>)
      %dma_wait3A_47 = arith.constant 0 : i32
      %dma_wait3A_48 = tpu.memref_slice %arg10[%mul3A_13, %dma_wait3A_47] : memref<10240x16xf32, #tpu.memory_space<vmem_shared>> -> memref<640x16xf32, #tpu.memory_space<vmem_shared>>
      %dma_wait3A_49 = arith.constant 0 : i32
      %dma_wait3A_50 = tpu.memref_slice %arg10[%mul3A_13, %dma_wait3A_49] : memref<10240x16xf32, #tpu.memory_space<vmem_shared>> -> memref<640x16xf32, #tpu.memory_space<vmem_shared>>
      tpu.wait_dma2 semaphore(%run_scoped3A : memref<!tpu.dma_semaphore, #tpu.memory_space<semaphore_mem>>) src(%arg9 : memref<640x16xf32, #tpu.memory_space<vmem>>) dst(%dma_wait3A_50 : memref<640x16xf32, #tpu.memory_space<vmem_shared>>)
      tpu.yield
    }) : () -> ()
    %barrier3A = arith.constant 0 : index
    tpu.barrier barrier_id(%barrier3A)
    %add3A_14 = arith.constant 0 : i32
    %add3A_15 = arith.addi %mul3A_2, %add3A_14 : i32
    %mul3A_16 = arith.constant 128 : i32
    %mul3A_17 = arith.muli %add3A_15, %mul3A_16 : i32
    %dma_start3A = tpu.memref_slice %arg2[%mul3A_17] : memref<327680xi32, #tpu.memory_space<hbm>> -> memref<128xi32, #tpu.memory_space<hbm>>
    %dma_start3A_18 = tpu.memref_slice %arg2[%mul3A_17] : memref<327680xi32, #tpu.memory_space<hbm>> -> memref<128xi32, #tpu.memory_space<hbm>>
    tpu.enqueue_dma source(%dma_start3A_18 : memref<128xi32, #tpu.memory_space<hbm>>) target(%arg4 : memref<128xi32, #tpu.memory_space<vmem>>) target_semaphore(%arg11 : memref<!tpu.dma_semaphore, #tpu.memory_space<semaphore_mem>>)
    %add3A_19 = arith.constant 1 : i32
    %add3A_20 = arith.addi %mul3A_2, %add3A_19 : i32
    %mul3A_21 = arith.constant 128 : i32
    %mul3A_22 = arith.muli %add3A_20, %mul3A_21 : i32
    %dma_start3A_23 = tpu.memref_slice %arg2[%mul3A_22] : memref<327680xi32, #tpu.memory_space<hbm>> -> memref<128xi32, #tpu.memory_space<hbm>>
    %dma_start3A_24 = tpu.memref_slice %arg2[%mul3A_22] : memref<327680xi32, #tpu.memory_space<hbm>> -> memref<128xi32, #tpu.memory_space<hbm>>
    tpu.enqueue_dma source(%dma_start3A_24 : memref<128xi32, #tpu.memory_space<hbm>>) target(%arg5 : memref<128xi32, #tpu.memory_space<vmem>>) target_semaphore(%arg12 : memref<!tpu.dma_semaphore, #tpu.memory_space<semaphore_mem>>)
    %scan3A_25 = arith.constant 0 : i32
    %scan3A_26 = arith.constant 20 : i32
    %scan3A_27 = arith.addi %scan3A_25, %scan3A_26 : i32
    %scan3A_28 = arith.constant 1 : i32
    scf.for %scan3A_43 = %scan3A_25 to %scan3A_27 step %scan3A_28  : i32 {
      %mul3A_44 = arith.constant 4 : i32
      %mul3A_45 = arith.muli %mul3A_44, %scan3A_43 : i32
      %add3A_46 = arith.constant 0 : i32
      %add3A_47 = arith.addi %mul3A_45, %add3A_46 : i32
      %add3A_48 = arith.addi %mul3A_2, %add3A_47 : i32
      %mul3A_49 = arith.constant 128 : i32
      %mul3A_50 = arith.muli %add3A_48, %mul3A_49 : i32
      %dma_wait3A_51 = tpu.memref_slice %arg2[%mul3A_50] : memref<327680xi32, #tpu.memory_space<hbm>> -> memref<128xi32, #tpu.memory_space<hbm>>
      %dma_wait3A_52 = tpu.memref_slice %arg2[%mul3A_50] : memref<327680xi32, #tpu.memory_space<hbm>> -> memref<128xi32, #tpu.memory_space<hbm>>
      tpu.wait_dma2 semaphore(%arg11 : memref<!tpu.dma_semaphore, #tpu.memory_space<semaphore_mem>>) src(%dma_wait3A_52 : memref<128xi32, #tpu.memory_space<hbm>>) dst(%arg4 : memref<128xi32, #tpu.memory_space<vmem>>)
      %ge3A = arith.constant 2 : i32
      %ge3A_53 = arith.cmpi sge, %add3A_47, %ge3A : i32
      %convert_element_type3A = arith.extui %ge3A_53 : i1 to i32
      %cond3A = arith.constant 0 : i32
      %cond3A_54 = arith.cmpi ne, %convert_element_type3A, %cond3A : i32
      scf.if %cond3A_54 {
        %dma_wait3A_130 = arith.constant 0 : i32
        %dma_wait3A_131 = arith.constant 0 : i32
        %dma_wait3A_132 = tpu.memref_slice %arg10[%dma_wait3A_130, %dma_wait3A_131] : memref<10240x16xf32, #tpu.memory_space<vmem_shared>> -> memref<10240x16xf32, #tpu.memory_space<vmem_shared>>
        tpu.wait_indirect_dma semaphore(%arg17 : memref<!tpu.dma_semaphore, #tpu.memory_space<semaphore_mem>>) src(%arg8 : memref<128x16xf32, #tpu.memory_space<vmem>>) dst(%dma_wait3A_132 : memref<10240x16xf32, #tpu.memory_space<vmem_shared>>)
      } else {
      }
      %dma_start3A_55 = arith.constant 0 : i32
      %dma_start3A_56 = arith.constant 0 : i32
      %dma_start3A_57 = tpu.memref_slice %arg10[%dma_start3A_55, %dma_start3A_56] : memref<10240x16xf32, #tpu.memory_space<vmem_shared>> -> memref<10240x16xf32, #tpu.memory_space<vmem_shared>>
      tpu.enqueue_indirect_dma source(%arg8 : memref<128x16xf32, #tpu.memory_space<vmem>>) target(%dma_start3A_57 : memref<10240x16xf32, #tpu.memory_space<vmem_shared>>) offsets(%arg4 : memref<128xi32, #tpu.memory_space<vmem>>) semaphore(%arg15 : memref<!tpu.dma_semaphore, #tpu.memory_space<semaphore_mem>>) {add = true}
      %add3A_58 = arith.constant 2 : i32
      %add3A_59 = arith.addi %add3A_47, %add3A_58 : i32
      %lt3A = arith.constant 80 : i32
      %lt3A_60 = arith.cmpi slt, %add3A_59, %lt3A : i32
      %convert_element_type3A_61 = arith.extui %lt3A_60 : i1 to i32
      %cond3A_62 = arith.constant 0 : i32
      %cond3A_63 = arith.cmpi ne, %convert_element_type3A_61, %cond3A_62 : i32
      scf.if %cond3A_63 {
        %add3A_130 = arith.constant 2 : i32
        %add3A_131 = arith.addi %add3A_47, %add3A_130 : i32
        %add3A_132 = arith.addi %mul3A_2, %add3A_131 : i32
        %mul3A_133 = arith.constant 128 : i32
        %mul3A_134 = arith.muli %add3A_132, %mul3A_133 : i32
        %dma_start3A_135 = tpu.memref_slice %arg2[%mul3A_134] : memref<327680xi32, #tpu.memory_space<hbm>> -> memref<128xi32, #tpu.memory_space<hbm>>
        %dma_start3A_136 = tpu.memref_slice %arg2[%mul3A_134] : memref<327680xi32, #tpu.memory_space<hbm>> -> memref<128xi32, #tpu.memory_space<hbm>>
        tpu.enqueue_dma source(%dma_start3A_136 : memref<128xi32, #tpu.memory_space<hbm>>) target(%arg6 : memref<128xi32, #tpu.memory_space<vmem>>) target_semaphore(%arg13 : memref<!tpu.dma_semaphore, #tpu.memory_space<semaphore_mem>>)
      } else {
      }
      %add3A_64 = arith.constant 1 : i32
      %add3A_65 = arith.addi %mul3A_45, %add3A_64 : i32
      %add3A_66 = arith.addi %mul3A_2, %add3A_65 : i32
      %mul3A_67 = arith.constant 128 : i32
      %mul3A_68 = arith.muli %add3A_66, %mul3A_67 : i32
      %dma_wait3A_69 = tpu.memref_slice %arg2[%mul3A_68] : memref<327680xi32, #tpu.memory_space<hbm>> -> memref<128xi32, #tpu.memory_space<hbm>>
      %dma_wait3A_70 = tpu.memref_slice %arg2[%mul3A_68] : memref<327680xi32, #tpu.memory_space<hbm>> -> memref<128xi32, #tpu.memory_space<hbm>>
      tpu.wait_dma2 semaphore(%arg12 : memref<!tpu.dma_semaphore, #tpu.memory_space<semaphore_mem>>) src(%dma_wait3A_70 : memref<128xi32, #tpu.memory_space<hbm>>) dst(%arg5 : memref<128xi32, #tpu.memory_space<vmem>>)
      %ge3A_71 = arith.constant 2 : i32
      %ge3A_72 = arith.cmpi sge, %add3A_65, %ge3A_71 : i32
      %convert_element_type3A_73 = arith.extui %ge3A_72 : i1 to i32
      %cond3A_74 = arith.constant 0 : i32
      %cond3A_75 = arith.cmpi ne, %convert_element_type3A_73, %cond3A_74 : i32
      scf.if %cond3A_75 {
        %dma_wait3A_130 = arith.constant 0 : i32
        %dma_wait3A_131 = arith.constant 0 : i32
        %dma_wait3A_132 = tpu.memref_slice %arg10[%dma_wait3A_130, %dma_wait3A_131] : memref<10240x16xf32, #tpu.memory_space<vmem_shared>> -> memref<10240x16xf32, #tpu.memory_space<vmem_shared>>
        tpu.wait_indirect_dma semaphore(%arg18 : memref<!tpu.dma_semaphore, #tpu.memory_space<semaphore_mem>>) src(%arg8 : memref<128x16xf32, #tpu.memory_space<vmem>>) dst(%dma_wait3A_132 : memref<10240x16xf32, #tpu.memory_space<vmem_shared>>)
      } else {
      }
      %dma_start3A_76 = arith.constant 0 : i32
      %dma_start3A_77 = arith.constant 0 : i32
      %dma_start3A_78 = tpu.memref_slice %arg10[%dma_start3A_76, %dma_start3A_77] : memref<10240x16xf32, #tpu.memory_space<vmem_shared>> -> memref<10240x16xf32, #tpu.memory_space<vmem_shared>>
      tpu.enqueue_indirect_dma source(%arg8 : memref<128x16xf32, #tpu.memory_space<vmem>>) target(%dma_start3A_78 : memref<10240x16xf32, #tpu.memory_space<vmem_shared>>) offsets(%arg5 : memref<128xi32, #tpu.memory_space<vmem>>) semaphore(%arg16 : memref<!tpu.dma_semaphore, #tpu.memory_space<semaphore_mem>>) {add = true}
      %add3A_79 = arith.constant 2 : i32
      %add3A_80 = arith.addi %add3A_65, %add3A_79 : i32
      %lt3A_81 = arith.constant 80 : i32
      %lt3A_82 = arith.cmpi slt, %add3A_80, %lt3A_81 : i32
      %convert_element_type3A_83 = arith.extui %lt3A_82 : i1 to i32
      %cond3A_84 = arith.constant 0 : i32
      %cond3A_85 = arith.cmpi ne, %convert_element_type3A_83, %cond3A_84 : i32
      scf.if %cond3A_85 {
        %add3A_130 = arith.constant 2 : i32
        %add3A_131 = arith.addi %add3A_65, %add3A_130 : i32
        %add3A_132 = arith.addi %mul3A_2, %add3A_131 : i32
        %mul3A_133 = arith.constant 128 : i32
        %mul3A_134 = arith.muli %add3A_132, %mul3A_133 : i32
        %dma_start3A_135 = tpu.memref_slice %arg2[%mul3A_134] : memref<327680xi32, #tpu.memory_space<hbm>> -> memref<128xi32, #tpu.memory_space<hbm>>
        %dma_start3A_136 = tpu.memref_slice %arg2[%mul3A_134] : memref<327680xi32, #tpu.memory_space<hbm>> -> memref<128xi32, #tpu.memory_space<hbm>>
        tpu.enqueue_dma source(%dma_start3A_136 : memref<128xi32, #tpu.memory_space<hbm>>) target(%arg7 : memref<128xi32, #tpu.memory_space<vmem>>) target_semaphore(%arg14 : memref<!tpu.dma_semaphore, #tpu.memory_space<semaphore_mem>>)
      } else {
      }
      %add3A_86 = arith.constant 2 : i32
      %add3A_87 = arith.addi %mul3A_45, %add3A_86 : i32
      %add3A_88 = arith.addi %mul3A_2, %add3A_87 : i32
      %mul3A_89 = arith.constant 128 : i32
      %mul3A_90 = arith.muli %add3A_88, %mul3A_89 : i32
      %dma_wait3A_91 = tpu.memref_slice %arg2[%mul3A_90] : memref<327680xi32, #tpu.memory_space<hbm>> -> memref<128xi32, #tpu.memory_space<hbm>>
      %dma_wait3A_92 = tpu.memref_slice %arg2[%mul3A_90] : memref<327680xi32, #tpu.memory_space<hbm>> -> memref<128xi32, #tpu.memory_space<hbm>>
      tpu.wait_dma2 semaphore(%arg13 : memref<!tpu.dma_semaphore, #tpu.memory_space<semaphore_mem>>) src(%dma_wait3A_92 : memref<128xi32, #tpu.memory_space<hbm>>) dst(%arg6 : memref<128xi32, #tpu.memory_space<vmem>>)
      %ge3A_93 = arith.constant 2 : i32
      %ge3A_94 = arith.cmpi sge, %add3A_87, %ge3A_93 : i32
      %convert_element_type3A_95 = arith.extui %ge3A_94 : i1 to i32
      %cond3A_96 = arith.constant 0 : i32
      %cond3A_97 = arith.cmpi ne, %convert_element_type3A_95, %cond3A_96 : i32
      scf.if %cond3A_97 {
        %dma_wait3A_130 = arith.constant 0 : i32
        %dma_wait3A_131 = arith.constant 0 : i32
        %dma_wait3A_132 = tpu.memref_slice %arg10[%dma_wait3A_130, %dma_wait3A_131] : memref<10240x16xf32, #tpu.memory_space<vmem_shared>> -> memref<10240x16xf32, #tpu.memory_space<vmem_shared>>
        tpu.wait_indirect_dma semaphore(%arg15 : memref<!tpu.dma_semaphore, #tpu.memory_space<semaphore_mem>>) src(%arg8 : memref<128x16xf32, #tpu.memory_space<vmem>>) dst(%dma_wait3A_132 : memref<10240x16xf32, #tpu.memory_space<vmem_shared>>)
      } else {
      }
      %dma_start3A_98 = arith.constant 0 : i32
      %dma_start3A_99 = arith.constant 0 : i32
      %dma_start3A_100 = tpu.memref_slice %arg10[%dma_start3A_98, %dma_start3A_99] : memref<10240x16xf32, #tpu.memory_space<vmem_shared>> -> memref<10240x16xf32, #tpu.memory_space<vmem_shared>>
      tpu.enqueue_indirect_dma source(%arg8 : memref<128x16xf32, #tpu.memory_space<vmem>>) target(%dma_start3A_100 : memref<10240x16xf32, #tpu.memory_space<vmem_shared>>) offsets(%arg6 : memref<128xi32, #tpu.memory_space<vmem>>) semaphore(%arg17 : memref<!tpu.dma_semaphore, #tpu.memory_space<semaphore_mem>>) {add = true}
      %add3A_101 = arith.constant 2 : i32
      %add3A_102 = arith.addi %add3A_87, %add3A_101 : i32
      %lt3A_103 = arith.constant 80 : i32
      %lt3A_104 = arith.cmpi slt, %add3A_102, %lt3A_103 : i32
      %convert_element_type3A_105 = arith.extui %lt3A_104 : i1 to i32
      %cond3A_106 = arith.constant 0 : i32
      %cond3A_107 = arith.cmpi ne, %convert_element_type3A_105, %cond3A_106 : i32
      scf.if %cond3A_107 {
        %add3A_130 = arith.constant 2 : i32
        %add3A_131 = arith.addi %add3A_87, %add3A_130 : i32
        %add3A_132 = arith.addi %mul3A_2, %add3A_131 : i32
        %mul3A_133 = arith.constant 128 : i32
        %mul3A_134 = arith.muli %add3A_132, %mul3A_133 : i32
        %dma_start3A_135 = tpu.memref_slice %arg2[%mul3A_134] : memref<327680xi32, #tpu.memory_space<hbm>> -> memref<128xi32, #tpu.memory_space<hbm>>
        %dma_start3A_136 = tpu.memref_slice %arg2[%mul3A_134] : memref<327680xi32, #tpu.memory_space<hbm>> -> memref<128xi32, #tpu.memory_space<hbm>>
        tpu.enqueue_dma source(%dma_start3A_136 : memref<128xi32, #tpu.memory_space<hbm>>) target(%arg4 : memref<128xi32, #tpu.memory_space<vmem>>) target_semaphore(%arg11 : memref<!tpu.dma_semaphore, #tpu.memory_space<semaphore_mem>>)
      } else {
      }
      %add3A_108 = arith.constant 3 : i32
      %add3A_109 = arith.addi %mul3A_45, %add3A_108 : i32
      %add3A_110 = arith.addi %mul3A_2, %add3A_109 : i32
      %mul3A_111 = arith.constant 128 : i32
      %mul3A_112 = arith.muli %add3A_110, %mul3A_111 : i32
      %dma_wait3A_113 = tpu.memref_slice %arg2[%mul3A_112] : memref<327680xi32, #tpu.memory_space<hbm>> -> memref<128xi32, #tpu.memory_space<hbm>>
      %dma_wait3A_114 = tpu.memref_slice %arg2[%mul3A_112] : memref<327680xi32, #tpu.memory_space<hbm>> -> memref<128xi32, #tpu.memory_space<hbm>>
      tpu.wait_dma2 semaphore(%arg14 : memref<!tpu.dma_semaphore, #tpu.memory_space<semaphore_mem>>) src(%dma_wait3A_114 : memref<128xi32, #tpu.memory_space<hbm>>) dst(%arg7 : memref<128xi32, #tpu.memory_space<vmem>>)
      %ge3A_115 = arith.constant 2 : i32
      %ge3A_116 = arith.cmpi sge, %add3A_109, %ge3A_115 : i32
      %convert_element_type3A_117 = arith.extui %ge3A_116 : i1 to i32
      %cond3A_118 = arith.constant 0 : i32
      %cond3A_119 = arith.cmpi ne, %convert_element_type3A_117, %cond3A_118 : i32
      scf.if %cond3A_119 {
        %dma_wait3A_130 = arith.constant 0 : i32
        %dma_wait3A_131 = arith.constant 0 : i32
        %dma_wait3A_132 = tpu.memref_slice %arg10[%dma_wait3A_130, %dma_wait3A_131] : memref<10240x16xf32, #tpu.memory_space<vmem_shared>> -> memref<10240x16xf32, #tpu.memory_space<vmem_shared>>
        tpu.wait_indirect_dma semaphore(%arg16 : memref<!tpu.dma_semaphore, #tpu.memory_space<semaphore_mem>>) src(%arg8 : memref<128x16xf32, #tpu.memory_space<vmem>>) dst(%dma_wait3A_132 : memref<10240x16xf32, #tpu.memory_space<vmem_shared>>)
      } else {
      }
      %dma_start3A_120 = arith.constant 0 : i32
      %dma_start3A_121 = arith.constant 0 : i32
      %dma_start3A_122 = tpu.memref_slice %arg10[%dma_start3A_120, %dma_start3A_121] : memref<10240x16xf32, #tpu.memory_space<vmem_shared>> -> memref<10240x16xf32, #tpu.memory_space<vmem_shared>>
      tpu.enqueue_indirect_dma source(%arg8 : memref<128x16xf32, #tpu.memory_space<vmem>>) target(%dma_start3A_122 : memref<10240x16xf32, #tpu.memory_space<vmem_shared>>) offsets(%arg7 : memref<128xi32, #tpu.memory_space<vmem>>) semaphore(%arg18 : memref<!tpu.dma_semaphore, #tpu.memory_space<semaphore_mem>>) {add = true}
      %add3A_123 = arith.constant 2 : i32
      %add3A_124 = arith.addi %add3A_109, %add3A_123 : i32
      %lt3A_125 = arith.constant 80 : i32
      %lt3A_126 = arith.cmpi slt, %add3A_124, %lt3A_125 : i32
      %convert_element_type3A_127 = arith.extui %lt3A_126 : i1 to i32
      %cond3A_128 = arith.constant 0 : i32
      %cond3A_129 = arith.cmpi ne, %convert_element_type3A_127, %cond3A_128 : i32
      scf.if %cond3A_129 {
        %add3A_130 = arith.constant 2 : i32
        %add3A_131 = arith.addi %add3A_109, %add3A_130 : i32
        %add3A_132 = arith.addi %mul3A_2, %add3A_131 : i32
        %mul3A_133 = arith.constant 128 : i32
        %mul3A_134 = arith.muli %add3A_132, %mul3A_133 : i32
        %dma_start3A_135 = tpu.memref_slice %arg2[%mul3A_134] : memref<327680xi32, #tpu.memory_space<hbm>> -> memref<128xi32, #tpu.memory_space<hbm>>
        %dma_start3A_136 = tpu.memref_slice %arg2[%mul3A_134] : memref<327680xi32, #tpu.memory_space<hbm>> -> memref<128xi32, #tpu.memory_space<hbm>>
        tpu.enqueue_dma source(%dma_start3A_136 : memref<128xi32, #tpu.memory_space<hbm>>) target(%arg5 : memref<128xi32, #tpu.memory_space<vmem>>) target_semaphore(%arg12 : memref<!tpu.dma_semaphore, #tpu.memory_space<semaphore_mem>>)
      } else {
      }
    }
    %scan3A_29 = arith.constant 20 : i32
    %dma_wait3A = arith.constant 0 : i32
    %dma_wait3A_30 = arith.constant 0 : i32
    %dma_wait3A_31 = tpu.memref_slice %arg10[%dma_wait3A, %dma_wait3A_30] : memref<10240x16xf32, #tpu.memory_space<vmem_shared>> -> memref<10240x16xf32, #tpu.memory_space<vmem_shared>>
    tpu.wait_indirect_dma semaphore(%arg17 : memref<!tpu.dma_semaphore, #tpu.memory_space<semaphore_mem>>) src(%arg8 : memref<128x16xf32, #tpu.memory_space<vmem>>) dst(%dma_wait3A_31 : memref<10240x16xf32, #tpu.memory_space<vmem_shared>>)
    %dma_wait3A_32 = arith.constant 0 : i32
    %dma_wait3A_33 = arith.constant 0 : i32
    %dma_wait3A_34 = tpu.memref_slice %arg10[%dma_wait3A_32, %dma_wait3A_33] : memref<10240x16xf32, #tpu.memory_space<vmem_shared>> -> memref<10240x16xf32, #tpu.memory_space<vmem_shared>>
    tpu.wait_indirect_dma semaphore(%arg18 : memref<!tpu.dma_semaphore, #tpu.memory_space<semaphore_mem>>) src(%arg8 : memref<128x16xf32, #tpu.memory_space<vmem>>) dst(%dma_wait3A_34 : memref<10240x16xf32, #tpu.memory_space<vmem_shared>>)
    %barrier3A_35 = arith.constant 0 : index
    tpu.barrier barrier_id(%barrier3A_35)
    %mul3A_36 = arith.constant 640 : i32
    %mul3A_37 = arith.muli %arg1, %mul3A_36 : i32
    %mul3A_38 = arith.constant 10240 : i32
    %mul3A_39 = arith.muli %arg0, %mul3A_38 : i32
    %mul3A_40 = arith.constant 640 : i32
    %mul3A_41 = arith.muli %arg1, %mul3A_40 : i32
    %add3A_42 = arith.addi %mul3A_39, %mul3A_41 : i32
    "tpu.region"() ({
      %run_scoped3A = tpu.sem_alloc : memref<!tpu.dma_semaphore, #tpu.memory_space<semaphore_mem>>
      %dma_start3A_43 = arith.constant 0 : i32
      %dma_start3A_44 = tpu.memref_slice %arg3[%add3A_42, %dma_start3A_43] : memref<20480x128xf32, #tpu.memory_space<hbm>> -> memref<640x16xf32, #tpu.memory_space<hbm>>
      %dma_start3A_45 = arith.constant 0 : i32
      %dma_start3A_46 = tpu.memref_slice %arg10[%mul3A_37, %dma_start3A_45] : memref<10240x16xf32, #tpu.memory_space<vmem_shared>> -> memref<640x16xf32, #tpu.memory_space<vmem_shared>>
      tpu.enqueue_dma source(%dma_start3A_46 : memref<640x16xf32, #tpu.memory_space<vmem_shared>>) target(%dma_start3A_44 : memref<640x16xf32, #tpu.memory_space<hbm>>) target_semaphore(%run_scoped3A : memref<!tpu.dma_semaphore, #tpu.memory_space<semaphore_mem>>)
      %dma_wait3A_47 = arith.constant 0 : i32
      %dma_wait3A_48 = tpu.memref_slice %arg3[%add3A_42, %dma_wait3A_47] : memref<20480x128xf32, #tpu.memory_space<hbm>> -> memref<640x16xf32, #tpu.memory_space<hbm>>
      %dma_wait3A_49 = arith.constant 0 : i32
      %dma_wait3A_50 = tpu.memref_slice %arg10[%mul3A_37, %dma_wait3A_49] : memref<10240x16xf32, #tpu.memory_space<vmem_shared>> -> memref<640x16xf32, #tpu.memory_space<vmem_shared>>
      tpu.wait_dma2 semaphore(%run_scoped3A : memref<!tpu.dma_semaphore, #tpu.memory_space<semaphore_mem>>) src(%dma_wait3A_50 : memref<640x16xf32, #tpu.memory_space<vmem_shared>>) dst(%dma_wait3A_48 : memref<640x16xf32, #tpu.memory_space<hbm>>)
      tpu.yield
    }) : () -> ()
    return
  }
}

#map = affine_map<(d0, d1) -> (0, 0)>
#map1 = affine_map<(d0, d1) -> (0)>
module attributes {stable_mosaic.version = 14 : i64} {
  func.func @_sc_scatter_body(%arg0: i32, %arg1: i32, %arg2: memref<10240x128xf32, #tpu.memory_space<hbm>>, %arg3: memref<327680xi32, #tpu.memory_space<hbm>>, %arg4: memref<327680xi32, #tpu.memory_space<hbm>>, %arg5: memref<10240x128xf32, #tpu.memory_space<hbm>>, %arg6: memref<128xi32, #tpu.memory_space<vmem>>, %arg7: memref<128xi32, #tpu.memory_space<vmem>>, %arg8: memref<128xi32, #tpu.memory_space<vmem>>, %arg9: memref<128xi32, #tpu.memory_space<vmem>>, %arg10: memref<128xi32, #tpu.memory_space<vmem>>, %arg11: memref<128xi32, #tpu.memory_space<vmem>>, %arg12: memref<128xi32, #tpu.memory_space<vmem>>, %arg13: memref<128xi32, #tpu.memory_space<vmem>>, %arg14: memref<128x64xf32, #tpu.memory_space<vmem>>, %arg15: memref<128x64xf32, #tpu.memory_space<vmem>>, %arg16: memref<128x64xf32, #tpu.memory_space<vmem>>, %arg17: memref<128x64xf32, #tpu.memory_space<vmem>>, %arg18: memref<10240x64xf32, #tpu.memory_space<vmem_shared>>, %arg19: memref<10240x64xf32, #tpu.memory_space<vmem_shared>>, %arg20: memref<!tpu.dma_semaphore, #tpu.memory_space<semaphore_mem>>, %arg21: memref<!tpu.dma_semaphore, #tpu.memory_space<semaphore_mem>>, %arg22: memref<!tpu.dma_semaphore, #tpu.memory_space<semaphore_mem>>, %arg23: memref<!tpu.dma_semaphore, #tpu.memory_space<semaphore_mem>>, %arg24: memref<!tpu.dma_semaphore, #tpu.memory_space<semaphore_mem>>, %arg25: memref<!tpu.dma_semaphore, #tpu.memory_space<semaphore_mem>>, %arg26: memref<!tpu.dma_semaphore, #tpu.memory_space<semaphore_mem>>, %arg27: memref<!tpu.dma_semaphore, #tpu.memory_space<semaphore_mem>>, %arg28: memref<!tpu.dma_semaphore, #tpu.memory_space<semaphore_mem>>, %arg29: memref<!tpu.dma_semaphore, #tpu.memory_space<semaphore_mem>>, %arg30: memref<!tpu.dma_semaphore, #tpu.memory_space<semaphore_mem>>, %arg31: memref<!tpu.dma_semaphore, #tpu.memory_space<semaphore_mem>>) attributes {dimension_semantics = [#tpu.dimension_semantics<core_parallel>, #tpu.dimension_semantics<subcore_parallel>], iteration_bounds = array<i64: 2, 16>, scalar_prefetch = 0 : i64, scratch_operands = 26 : i64, tpu.core_type = #tpu.core_type<sc_vector_subcore>, window_params = [{transform_indices = #map}, {transform_indices = #map1}, {transform_indices = #map1}, {transform_indices = #map}]} {
    %mul3A = arith.constant 160 : i32
    %mul3A_0 = arith.muli %arg1, %mul3A : i32
    %mul3A_1 = arith.constant 640 : i32
    %mul3A_2 = arith.muli %arg1, %mul3A_1 : i32
    %mul3A_3 = arith.constant 64 : i32
    %mul3A_4 = arith.muli %arg0, %mul3A_3 : i32
    %mul3A_5 = arith.constant 640 : i32
    %mul3A_6 = arith.muli %arg1, %mul3A_5 : i32
    "tpu.region"() ({
      %run_scoped3A = tpu.sem_alloc : memref<!tpu.dma_semaphore, #tpu.memory_space<semaphore_mem>>
      %dma_start3A_58 = arith.constant 0 : i32
      %dma_start3A_59 = tpu.memref_slice %arg18[%mul3A_6, %dma_start3A_58] : memref<10240x64xf32, #tpu.memory_space<vmem_shared>> -> memref<640x64xf32, #tpu.memory_space<vmem_shared>>
      %dma_start3A_60 = tpu.memref_slice %arg2[%mul3A_2, %mul3A_4] : memref<10240x128xf32, #tpu.memory_space<hbm>> -> memref<640x64xf32, #tpu.memory_space<hbm>>
      tpu.enqueue_dma source(%dma_start3A_60 : memref<640x64xf32, #tpu.memory_space<hbm>>) target(%dma_start3A_59 : memref<640x64xf32, #tpu.memory_space<vmem_shared>>) target_semaphore(%run_scoped3A : memref<!tpu.dma_semaphore, #tpu.memory_space<semaphore_mem>>)
      %dma_wait3A_61 = arith.constant 0 : i32
      %dma_wait3A_62 = tpu.memref_slice %arg18[%mul3A_6, %dma_wait3A_61] : memref<10240x64xf32, #tpu.memory_space<vmem_shared>> -> memref<640x64xf32, #tpu.memory_space<vmem_shared>>
      %dma_wait3A_63 = tpu.memref_slice %arg2[%mul3A_2, %mul3A_4] : memref<10240x128xf32, #tpu.memory_space<hbm>> -> memref<640x64xf32, #tpu.memory_space<hbm>>
      tpu.wait_dma2 semaphore(%run_scoped3A : memref<!tpu.dma_semaphore, #tpu.memory_space<semaphore_mem>>) src(%dma_wait3A_63 : memref<640x64xf32, #tpu.memory_space<hbm>>) dst(%dma_wait3A_62 : memref<640x64xf32, #tpu.memory_space<vmem_shared>>)
      tpu.yield
    }) : () -> ()
    %scan3A = arith.constant 0 : i32
    %scan3A_7 = arith.constant 128 : i32
    %scan3A_8 = arith.addi %scan3A, %scan3A_7 : i32
    %scan3A_9 = arith.constant 1 : i32
    scf.for %scan3A_58 = %scan3A to %scan3A_8 step %scan3A_9  : i32 {
      %scan3A_59 = arith.constant 0 : i32
      %scan3A_60 = arith.constant 4 : i32
      %scan3A_61 = arith.addi %scan3A_59, %scan3A_60 : i32
      %scan3A_62 = arith.constant 1 : i32
      scf.for %scan3A_64 = %scan3A_59 to %scan3A_61 step %scan3A_62  : i32 {
        %broadcast_in_dim3A = arith.constant 0.000000e+00 : f32
        %broadcast_in_dim3A_65 = vector.broadcast %broadcast_in_dim3A : f32 to vector<16xf32>
        %mul3A_66 = arith.constant 16 : i32
        %mul3A_67 = arith.muli %scan3A_64, %mul3A_66 : i32
        %swap3A = arith.index_cast %scan3A_58 : i32 to index
        %swap3A_68 = arith.index_cast %mul3A_67 : i32 to index
        %swap3A_69 = tpu.vector_load %arg14[%swap3A, %swap3A_68] {strides = array<i32>} : memref<128x64xf32, #tpu.memory_space<vmem>>, vector<1x16xf32>,
        %swap3A_70 = vector.shape_cast %swap3A_69 : vector<1x16xf32> to vector<16xf32>
        %swap3A_71 = vector.shape_cast %broadcast_in_dim3A_65 : vector<16xf32> to vector<1x16xf32>
        tpu.vector_store %arg14[%swap3A, %swap3A_68], %swap3A_71 {strides = array<i32>} : memref<128x64xf32, #tpu.memory_space<vmem>>, vector<1x16xf32>,
      }
      %scan3A_63 = arith.constant 4 : i32
    }
    %scan3A_10 = arith.constant 128 : i32
    %scan3A_11 = arith.constant 0 : i32
    %scan3A_12 = arith.constant 5 : i32
    %scan3A_13 = arith.addi %scan3A_11, %scan3A_12 : i32
    %scan3A_14 = arith.constant 1 : i32
    scf.for %scan3A_58 = %scan3A_11 to %scan3A_13 step %scan3A_14  : i32 {
      %mul3A_59 = arith.constant 640 : i32
      %mul3A_60 = arith.muli %arg1, %mul3A_59 : i32
      %mul3A_61 = arith.constant 128 : i32
      %mul3A_62 = arith.muli %scan3A_58, %mul3A_61 : i32
      %add3A_63 = arith.addi %mul3A_60, %mul3A_62 : i32
      "tpu.region"() ({
        %run_scoped3A = tpu.sem_alloc : memref<!tpu.dma_semaphore, #tpu.memory_space<semaphore_mem>>
        %dma_start3A_64 = arith.constant 0 : i32
        %dma_start3A_65 = tpu.memref_slice %arg19[%add3A_63, %dma_start3A_64] : memref<10240x64xf32, #tpu.memory_space<vmem_shared>> -> memref<128x64xf32, #tpu.memory_space<vmem_shared>>
        %dma_start3A_66 = arith.constant 0 : i32
        %dma_start3A_67 = tpu.memref_slice %arg19[%add3A_63, %dma_start3A_66] : memref<10240x64xf32, #tpu.memory_space<vmem_shared>> -> memref<128x64xf32, #tpu.memory_space<vmem_shared>>
        tpu.enqueue_dma source(%arg14 : memref<128x64xf32, #tpu.memory_space<vmem>>) target(%dma_start3A_67 : memref<128x64xf32, #tpu.memory_space<vmem_shared>>) target_semaphore(%run_scoped3A : memref<!tpu.dma_semaphore, #tpu.memory_space<semaphore_mem>>)
        %dma_wait3A_68 = arith.constant 0 : i32
        %dma_wait3A_69 = tpu.memref_slice %arg19[%add3A_63, %dma_wait3A_68] : memref<10240x64xf32, #tpu.memory_space<vmem_shared>> -> memref<128x64xf32, #tpu.memory_space<vmem_shared>>
        %dma_wait3A_70 = arith.constant 0 : i32
        %dma_wait3A_71 = tpu.memref_slice %arg19[%add3A_63, %dma_wait3A_70] : memref<10240x64xf32, #tpu.memory_space<vmem_shared>> -> memref<128x64xf32, #tpu.memory_space<vmem_shared>>
        tpu.wait_dma2 semaphore(%run_scoped3A : memref<!tpu.dma_semaphore, #tpu.memory_space<semaphore_mem>>) src(%arg14 : memref<128x64xf32, #tpu.memory_space<vmem>>) dst(%dma_wait3A_71 : memref<128x64xf32, #tpu.memory_space<vmem_shared>>)
        tpu.yield
      }) : () -> ()
    }
    %scan3A_15 = arith.constant 5 : i32
    %barrier3A = arith.constant 0 : index
    tpu.barrier barrier_id(%barrier3A)
    %add3A = arith.constant 0 : i32
    %add3A_16 = arith.addi %mul3A_0, %add3A : i32
    %mul3A_17 = arith.constant 128 : i32
    %mul3A_18 = arith.muli %add3A_16, %mul3A_17 : i32
    %dma_start3A = tpu.memref_slice %arg3[%mul3A_18] : memref<327680xi32, #tpu.memory_space<hbm>> -> memref<128xi32, #tpu.memory_space<hbm>>
    %dma_start3A_19 = tpu.memref_slice %arg3[%mul3A_18] : memref<327680xi32, #tpu.memory_space<hbm>> -> memref<128xi32, #tpu.memory_space<hbm>>
    tpu.enqueue_dma source(%dma_start3A_19 : memref<128xi32, #tpu.memory_space<hbm>>) target(%arg6 : memref<128xi32, #tpu.memory_space<vmem>>) target_semaphore(%arg28 : memref<!tpu.dma_semaphore, #tpu.memory_space<semaphore_mem>>)
    %dma_start3A_20 = tpu.memref_slice %arg4[%mul3A_18] : memref<327680xi32, #tpu.memory_space<hbm>> -> memref<128xi32, #tpu.memory_space<hbm>>
    %dma_start3A_21 = tpu.memref_slice %arg4[%mul3A_18] : memref<327680xi32, #tpu.memory_space<hbm>> -> memref<128xi32, #tpu.memory_space<hbm>>
    tpu.enqueue_dma source(%dma_start3A_21 : memref<128xi32, #tpu.memory_space<hbm>>) target(%arg7 : memref<128xi32, #tpu.memory_space<vmem>>) target_semaphore(%arg28 : memref<!tpu.dma_semaphore, #tpu.memory_space<semaphore_mem>>)
    %add3A_22 = arith.constant 1 : i32
    %add3A_23 = arith.addi %mul3A_0, %add3A_22 : i32
    %mul3A_24 = arith.constant 128 : i32
    %mul3A_25 = arith.muli %add3A_23, %mul3A_24 : i32
    %dma_start3A_26 = tpu.memref_slice %arg3[%mul3A_25] : memref<327680xi32, #tpu.memory_space<hbm>> -> memref<128xi32, #tpu.memory_space<hbm>>
    %dma_start3A_27 = tpu.memref_slice %arg3[%mul3A_25] : memref<327680xi32, #tpu.memory_space<hbm>> -> memref<128xi32, #tpu.memory_space<hbm>>
    tpu.enqueue_dma source(%dma_start3A_27 : memref<128xi32, #tpu.memory_space<hbm>>) target(%arg8 : memref<128xi32, #tpu.memory_space<vmem>>) target_semaphore(%arg29 : memref<!tpu.dma_semaphore, #tpu.memory_space<semaphore_mem>>)
    %dma_start3A_28 = tpu.memref_slice %arg4[%mul3A_25] : memref<327680xi32, #tpu.memory_space<hbm>> -> memref<128xi32, #tpu.memory_space<hbm>>
    %dma_start3A_29 = tpu.memref_slice %arg4[%mul3A_25] : memref<327680xi32, #tpu.memory_space<hbm>> -> memref<128xi32, #tpu.memory_space<hbm>>
    tpu.enqueue_dma source(%dma_start3A_29 : memref<128xi32, #tpu.memory_space<hbm>>) target(%arg9 : memref<128xi32, #tpu.memory_space<vmem>>) target_semaphore(%arg29 : memref<!tpu.dma_semaphore, #tpu.memory_space<semaphore_mem>>)
    %add3A_30 = arith.constant 0 : i32
    %add3A_31 = arith.addi %mul3A_0, %add3A_30 : i32
    %mul3A_32 = arith.constant 128 : i32
    %mul3A_33 = arith.muli %add3A_31, %mul3A_32 : i32
    %dma_wait3A = tpu.memref_slice %arg3[%mul3A_33] : memref<327680xi32, #tpu.memory_space<hbm>> -> memref<128xi32, #tpu.memory_space<hbm>>
    %dma_wait3A_34 = tpu.memref_slice %arg3[%mul3A_33] : memref<327680xi32, #tpu.memory_space<hbm>> -> memref<128xi32, #tpu.memory_space<hbm>>
    tpu.wait_dma2 semaphore(%arg28 : memref<!tpu.dma_semaphore, #tpu.memory_space<semaphore_mem>>) src(%dma_wait3A_34 : memref<128xi32, #tpu.memory_space<hbm>>) dst(%arg6 : memref<128xi32, #tpu.memory_space<vmem>>)
    %dma_wait3A_35 = tpu.memref_slice %arg4[%mul3A_33] : memref<327680xi32, #tpu.memory_space<hbm>> -> memref<128xi32, #tpu.memory_space<hbm>>
    %dma_wait3A_36 = tpu.memref_slice %arg4[%mul3A_33] : memref<327680xi32, #tpu.memory_space<hbm>> -> memref<128xi32, #tpu.memory_space<hbm>>
    tpu.wait_dma2 semaphore(%arg28 : memref<!tpu.dma_semaphore, #tpu.memory_space<semaphore_mem>>) src(%dma_wait3A_36 : memref<128xi32, #tpu.memory_space<hbm>>) dst(%arg7 : memref<128xi32, #tpu.memory_space<vmem>>)
    %dma_start3A_37 = arith.constant 0 : i32
    %dma_start3A_38 = arith.constant 0 : i32
    %dma_start3A_39 = tpu.memref_slice %arg18[%dma_start3A_37, %dma_start3A_38] : memref<10240x64xf32, #tpu.memory_space<vmem_shared>> -> memref<10240x64xf32, #tpu.memory_space<vmem_shared>>
    tpu.enqueue_indirect_dma source(%dma_start3A_39 : memref<10240x64xf32, #tpu.memory_space<vmem_shared>>) target(%arg14 : memref<128x64xf32, #tpu.memory_space<vmem>>) offsets(%arg6 : memref<128xi32, #tpu.memory_space<vmem>>) semaphore(%arg20 : memref<!tpu.dma_semaphore, #tpu.memory_space<semaphore_mem>>)
    %scan3A_40 = arith.constant 0 : i32
    %scan3A_41 = arith.constant 40 : i32
    %scan3A_42 = arith.addi %scan3A_40, %scan3A_41 : i32
    %scan3A_43 = arith.constant 1 : i32
    scf.for %scan3A_58 = %scan3A_40 to %scan3A_42 step %scan3A_43  : i32 {
      %mul3A_59 = arith.constant 4 : i32
      %mul3A_60 = arith.muli %mul3A_59, %scan3A_58 : i32
      %add3A_61 = arith.constant 0 : i32
      %add3A_62 = arith.addi %mul3A_60, %add3A_61 : i32
      %dma_wait3A_63 = arith.constant 0 : i32
      %dma_wait3A_64 = arith.constant 0 : i32
      %dma_wait3A_65 = tpu.memref_slice %arg18[%dma_wait3A_63, %dma_wait3A_64] : memref<10240x64xf32, #tpu.memory_space<vmem_shared>> -> memref<10240x64xf32, #tpu.memory_space<vmem_shared>>
      tpu.wait_indirect_dma semaphore(%arg20 : memref<!tpu.dma_semaphore, #tpu.memory_space<semaphore_mem>>) src(%dma_wait3A_65 : memref<10240x64xf32, #tpu.memory_space<vmem_shared>>) dst(%arg14 : memref<128x64xf32, #tpu.memory_space<vmem>>)
      %add3A_66 = arith.constant 1 : i32
      %add3A_67 = arith.addi %add3A_62, %add3A_66 : i32
      %lt3A = arith.constant 160 : i32
      %lt3A_68 = arith.cmpi slt, %add3A_67, %lt3A : i32
      %convert_element_type3A = arith.extui %lt3A_68 : i1 to i32
      %cond3A = arith.constant 0 : i32
      %cond3A_69 = arith.cmpi ne, %convert_element_type3A, %cond3A : i32
      scf.if %cond3A_69 {
        %add3A_193 = arith.constant 1 : i32
        %add3A_194 = arith.addi %add3A_62, %add3A_193 : i32
        %add3A_195 = arith.addi %mul3A_0, %add3A_194 : i32
        %mul3A_196 = arith.constant 128 : i32
        %mul3A_197 = arith.muli %add3A_195, %mul3A_196 : i32
        %dma_wait3A_198 = tpu.memref_slice %arg3[%mul3A_197] : memref<327680xi32, #tpu.memory_space<hbm>> -> memref<128xi32, #tpu.memory_space<hbm>>
        %dma_wait3A_199 = tpu.memref_slice %arg3[%mul3A_197] : memref<327680xi32, #tpu.memory_space<hbm>> -> memref<128xi32, #tpu.memory_space<hbm>>
        tpu.wait_dma2 semaphore(%arg29 : memref<!tpu.dma_semaphore, #tpu.memory_space<semaphore_mem>>) src(%dma_wait3A_199 : memref<128xi32, #tpu.memory_space<hbm>>) dst(%arg8 : memref<128xi32, #tpu.memory_space<vmem>>)
        %dma_wait3A_200 = tpu.memref_slice %arg4[%mul3A_197] : memref<327680xi32, #tpu.memory_space<hbm>> -> memref<128xi32, #tpu.memory_space<hbm>>
        %dma_wait3A_201 = tpu.memref_slice %arg4[%mul3A_197] : memref<327680xi32, #tpu.memory_space<hbm>> -> memref<128xi32, #tpu.memory_space<hbm>>
        tpu.wait_dma2 semaphore(%arg29 : memref<!tpu.dma_semaphore, #tpu.memory_space<semaphore_mem>>) src(%dma_wait3A_201 : memref<128xi32, #tpu.memory_space<hbm>>) dst(%arg9 : memref<128xi32, #tpu.memory_space<vmem>>)
      } else {
      }
      %ge3A = arith.constant 2 : i32
      %ge3A_70 = arith.cmpi sge, %add3A_62, %ge3A : i32
      %convert_element_type3A_71 = arith.extui %ge3A_70 : i1 to i32
      %cond3A_72 = arith.constant 0 : i32
      %cond3A_73 = arith.cmpi ne, %convert_element_type3A_71, %cond3A_72 : i32
      scf.if %cond3A_73 {
        %dma_wait3A_193 = arith.constant 0 : i32
        %dma_wait3A_194 = arith.constant 0 : i32
        %dma_wait3A_195 = tpu.memref_slice %arg19[%dma_wait3A_193, %dma_wait3A_194] : memref<10240x64xf32, #tpu.memory_space<vmem_shared>> -> memref<10240x64xf32, #tpu.memory_space<vmem_shared>>
        tpu.wait_indirect_dma semaphore(%arg26 : memref<!tpu.dma_semaphore, #tpu.memory_space<semaphore_mem>>) src(%arg16 : memref<128x64xf32, #tpu.memory_space<vmem>>) dst(%dma_wait3A_195 : memref<10240x64xf32, #tpu.memory_space<vmem_shared>>)
      } else {
      }
      %add3A_74 = arith.constant 1 : i32
      %add3A_75 = arith.addi %add3A_62, %add3A_74 : i32
      %lt3A_76 = arith.constant 160 : i32
      %lt3A_77 = arith.cmpi slt, %add3A_75, %lt3A_76 : i32
      %convert_element_type3A_78 = arith.extui %lt3A_77 : i1 to i32
      %cond3A_79 = arith.constant 0 : i32
      %cond3A_80 = arith.cmpi ne, %convert_element_type3A_78, %cond3A_79 : i32
      scf.if %cond3A_80 {
        %dma_start3A_193 = arith.constant 0 : i32
        %dma_start3A_194 = arith.constant 0 : i32
        %dma_start3A_195 = tpu.memref_slice %arg18[%dma_start3A_193, %dma_start3A_194] : memref<10240x64xf32, #tpu.memory_space<vmem_shared>> -> memref<10240x64xf32, #tpu.memory_space<vmem_shared>>
        tpu.enqueue_indirect_dma source(%dma_start3A_195 : memref<10240x64xf32, #tpu.memory_space<vmem_shared>>) target(%arg15 : memref<128x64xf32, #tpu.memory_space<vmem>>) offsets(%arg8 : memref<128xi32, #tpu.memory_space<vmem>>) semaphore(%arg21 : memref<!tpu.dma_semaphore, #tpu.memory_space<semaphore_mem>>)
      } else {
      }
      %dma_start3A_81 = arith.constant 0 : i32
      %dma_start3A_82 = arith.constant 0 : i32
      %dma_start3A_83 = tpu.memref_slice %arg19[%dma_start3A_81, %dma_start3A_82] : memref<10240x64xf32, #tpu.memory_space<vmem_shared>> -> memref<10240x64xf32, #tpu.memory_space<vmem_shared>>
      tpu.enqueue_indirect_dma source(%arg14 : memref<128x64xf32, #tpu.memory_space<vmem>>) target(%dma_start3A_83 : memref<10240x64xf32, #tpu.memory_space<vmem_shared>>) offsets(%arg7 : memref<128xi32, #tpu.memory_space<vmem>>) semaphore(%arg24 : memref<!tpu.dma_semaphore, #tpu.memory_space<semaphore_mem>>) {add = true}
      %add3A_84 = arith.constant 2 : i32
      %add3A_85 = arith.addi %add3A_62, %add3A_84 : i32
      %lt3A_86 = arith.constant 160 : i32
      %lt3A_87 = arith.cmpi slt, %add3A_85, %lt3A_86 : i32
      %convert_element_type3A_88 = arith.extui %lt3A_87 : i1 to i32
      %cond3A_89 = arith.constant 0 : i32
      %cond3A_90 = arith.cmpi ne, %convert_element_type3A_88, %cond3A_89 : i32
      scf.if %cond3A_90 {
        %add3A_193 = arith.constant 2 : i32
        %add3A_194 = arith.addi %add3A_62, %add3A_193 : i32
        %add3A_195 = arith.addi %mul3A_0, %add3A_194 : i32
        %mul3A_196 = arith.constant 128 : i32
        %mul3A_197 = arith.muli %add3A_195, %mul3A_196 : i32
        %dma_start3A_198 = tpu.memref_slice %arg3[%mul3A_197] : memref<327680xi32, #tpu.memory_space<hbm>> -> memref<128xi32, #tpu.memory_space<hbm>>
        %dma_start3A_199 = tpu.memref_slice %arg3[%mul3A_197] : memref<327680xi32, #tpu.memory_space<hbm>> -> memref<128xi32, #tpu.memory_space<hbm>>
        tpu.enqueue_dma source(%dma_start3A_199 : memref<128xi32, #tpu.memory_space<hbm>>) target(%arg10 : memref<128xi32, #tpu.memory_space<vmem>>) target_semaphore(%arg30 : memref<!tpu.dma_semaphore, #tpu.memory_space<semaphore_mem>>)
        %dma_start3A_200 = tpu.memref_slice %arg4[%mul3A_197] : memref<327680xi32, #tpu.memory_space<hbm>> -> memref<128xi32, #tpu.memory_space<hbm>>
        %dma_start3A_201 = tpu.memref_slice %arg4[%mul3A_197] : memref<327680xi32, #tpu.memory_space<hbm>> -> memref<128xi32, #tpu.memory_space<hbm>>
        tpu.enqueue_dma source(%dma_start3A_201 : memref<128xi32, #tpu.memory_space<hbm>>) target(%arg11 : memref<128xi32, #tpu.memory_space<vmem>>) target_semaphore(%arg30 : memref<!tpu.dma_semaphore, #tpu.memory_space<semaphore_mem>>)
      } else {
      }
      %add3A_91 = arith.constant 1 : i32
      %add3A_92 = arith.addi %mul3A_60, %add3A_91 : i32
      %dma_wait3A_93 = arith.constant 0 : i32
      %dma_wait3A_94 = arith.constant 0 : i32
      %dma_wait3A_95 = tpu.memref_slice %arg18[%dma_wait3A_93, %dma_wait3A_94] : memref<10240x64xf32, #tpu.memory_space<vmem_shared>> -> memref<10240x64xf32, #tpu.memory_space<vmem_shared>>
      tpu.wait_indirect_dma semaphore(%arg21 : memref<!tpu.dma_semaphore, #tpu.memory_space<semaphore_mem>>) src(%dma_wait3A_95 : memref<10240x64xf32, #tpu.memory_space<vmem_shared>>) dst(%arg15 : memref<128x64xf32, #tpu.memory_space<vmem>>)
      %add3A_96 = arith.constant 1 : i32
      %add3A_97 = arith.addi %add3A_92, %add3A_96 : i32
      %lt3A_98 = arith.constant 160 : i32
      %lt3A_99 = arith.cmpi slt, %add3A_97, %lt3A_98 : i32
      %convert_element_type3A_100 = arith.extui %lt3A_99 : i1 to i32
      %cond3A_101 = arith.constant 0 : i32
      %cond3A_102 = arith.cmpi ne, %convert_element_type3A_100, %cond3A_101 : i32
      scf.if %cond3A_102 {
        %add3A_193 = arith.constant 1 : i32
        %add3A_194 = arith.addi %add3A_92, %add3A_193 : i32
        %add3A_195 = arith.addi %mul3A_0, %add3A_194 : i32
        %mul3A_196 = arith.constant 128 : i32
        %mul3A_197 = arith.muli %add3A_195, %mul3A_196 : i32
        %dma_wait3A_198 = tpu.memref_slice %arg3[%mul3A_197] : memref<327680xi32, #tpu.memory_space<hbm>> -> memref<128xi32, #tpu.memory_space<hbm>>
        %dma_wait3A_199 = tpu.memref_slice %arg3[%mul3A_197] : memref<327680xi32, #tpu.memory_space<hbm>> -> memref<128xi32, #tpu.memory_space<hbm>>
        tpu.wait_dma2 semaphore(%arg30 : memref<!tpu.dma_semaphore, #tpu.memory_space<semaphore_mem>>) src(%dma_wait3A_199 : memref<128xi32, #tpu.memory_space<hbm>>) dst(%arg10 : memref<128xi32, #tpu.memory_space<vmem>>)
        %dma_wait3A_200 = tpu.memref_slice %arg4[%mul3A_197] : memref<327680xi32, #tpu.memory_space<hbm>> -> memref<128xi32, #tpu.memory_space<hbm>>
        %dma_wait3A_201 = tpu.memref_slice %arg4[%mul3A_197] : memref<327680xi32, #tpu.memory_space<hbm>> -> memref<128xi32, #tpu.memory_space<hbm>>
        tpu.wait_dma2 semaphore(%arg30 : memref<!tpu.dma_semaphore, #tpu.memory_space<semaphore_mem>>) src(%dma_wait3A_201 : memref<128xi32, #tpu.memory_space<hbm>>) dst(%arg11 : memref<128xi32, #tpu.memory_space<vmem>>)
      } else {
      }
      %ge3A_103 = arith.constant 2 : i32
      %ge3A_104 = arith.cmpi sge, %add3A_92, %ge3A_103 : i32
      %convert_element_type3A_105 = arith.extui %ge3A_104 : i1 to i32
      %cond3A_106 = arith.constant 0 : i32
      %cond3A_107 = arith.cmpi ne, %convert_element_type3A_105, %cond3A_106 : i32
      scf.if %cond3A_107 {
        %dma_wait3A_193 = arith.constant 0 : i32
        %dma_wait3A_194 = arith.constant 0 : i32
        %dma_wait3A_195 = tpu.memref_slice %arg19[%dma_wait3A_193, %dma_wait3A_194] : memref<10240x64xf32, #tpu.memory_space<vmem_shared>> -> memref<10240x64xf32, #tpu.memory_space<vmem_shared>>
        tpu.wait_indirect_dma semaphore(%arg27 : memref<!tpu.dma_semaphore, #tpu.memory_space<semaphore_mem>>) src(%arg17 : memref<128x64xf32, #tpu.memory_space<vmem>>) dst(%dma_wait3A_195 : memref<10240x64xf32, #tpu.memory_space<vmem_shared>>)
      } else {
      }
      %add3A_108 = arith.constant 1 : i32
      %add3A_109 = arith.addi %add3A_92, %add3A_108 : i32
      %lt3A_110 = arith.constant 160 : i32
      %lt3A_111 = arith.cmpi slt, %add3A_109, %lt3A_110 : i32
      %convert_element_type3A_112 = arith.extui %lt3A_111 : i1 to i32
      %cond3A_113 = arith.constant 0 : i32
      %cond3A_114 = arith.cmpi ne, %convert_element_type3A_112, %cond3A_113 : i32
      scf.if %cond3A_114 {
        %dma_start3A_193 = arith.constant 0 : i32
        %dma_start3A_194 = arith.constant 0 : i32
        %dma_start3A_195 = tpu.memref_slice %arg18[%dma_start3A_193, %dma_start3A_194] : memref<10240x64xf32, #tpu.memory_space<vmem_shared>> -> memref<10240x64xf32, #tpu.memory_space<vmem_shared>>
        tpu.enqueue_indirect_dma source(%dma_start3A_195 : memref<10240x64xf32, #tpu.memory_space<vmem_shared>>) target(%arg16 : memref<128x64xf32, #tpu.memory_space<vmem>>) offsets(%arg10 : memref<128xi32, #tpu.memory_space<vmem>>) semaphore(%arg22 : memref<!tpu.dma_semaphore, #tpu.memory_space<semaphore_mem>>)
      } else {
      }
      %dma_start3A_115 = arith.constant 0 : i32
      %dma_start3A_116 = arith.constant 0 : i32
      %dma_start3A_117 = tpu.memref_slice %arg19[%dma_start3A_115, %dma_start3A_116] : memref<10240x64xf32, #tpu.memory_space<vmem_shared>> -> memref<10240x64xf32, #tpu.memory_space<vmem_shared>>
      tpu.enqueue_indirect_dma source(%arg15 : memref<128x64xf32, #tpu.memory_space<vmem>>) target(%dma_start3A_117 : memref<10240x64xf32, #tpu.memory_space<vmem_shared>>) offsets(%arg9 : memref<128xi32, #tpu.memory_space<vmem>>) semaphore(%arg25 : memref<!tpu.dma_semaphore, #tpu.memory_space<semaphore_mem>>) {add = true}
      %add3A_118 = arith.constant 2 : i32
      %add3A_119 = arith.addi %add3A_92, %add3A_118 : i32
      %lt3A_120 = arith.constant 160 : i32
      %lt3A_121 = arith.cmpi slt, %add3A_119, %lt3A_120 : i32
      %convert_element_type3A_122 = arith.extui %lt3A_121 : i1 to i32
      %cond3A_123 = arith.constant 0 : i32
      %cond3A_124 = arith.cmpi ne, %convert_element_type3A_122, %cond3A_123 : i32
      scf.if %cond3A_124 {
        %add3A_193 = arith.constant 2 : i32
        %add3A_194 = arith.addi %add3A_92, %add3A_193 : i32
        %add3A_195 = arith.addi %mul3A_0, %add3A_194 : i32
        %mul3A_196 = arith.constant 128 : i32
        %mul3A_197 = arith.muli %add3A_195, %mul3A_196 : i32
        %dma_start3A_198 = tpu.memref_slice %arg3[%mul3A_197] : memref<327680xi32, #tpu.memory_space<hbm>> -> memref<128xi32, #tpu.memory_space<hbm>>
        %dma_start3A_199 = tpu.memref_slice %arg3[%mul3A_197] : memref<327680xi32, #tpu.memory_space<hbm>> -> memref<128xi32, #tpu.memory_space<hbm>>
        tpu.enqueue_dma source(%dma_start3A_199 : memref<128xi32, #tpu.memory_space<hbm>>) target(%arg12 : memref<128xi32, #tpu.memory_space<vmem>>) target_semaphore(%arg31 : memref<!tpu.dma_semaphore, #tpu.memory_space<semaphore_mem>>)
        %dma_start3A_200 = tpu.memref_slice %arg4[%mul3A_197] : memref<327680xi32, #tpu.memory_space<hbm>> -> memref<128xi32, #tpu.memory_space<hbm>>
        %dma_start3A_201 = tpu.memref_slice %arg4[%mul3A_197] : memref<327680xi32, #tpu.memory_space<hbm>> -> memref<128xi32, #tpu.memory_space<hbm>>
        tpu.enqueue_dma source(%dma_start3A_201 : memref<128xi32, #tpu.memory_space<hbm>>) target(%arg13 : memref<128xi32, #tpu.memory_space<vmem>>) target_semaphore(%arg31 : memref<!tpu.dma_semaphore, #tpu.memory_space<semaphore_mem>>)
      } else {
      }
      %add3A_125 = arith.constant 2 : i32
      %add3A_126 = arith.addi %mul3A_60, %add3A_125 : i32
      %dma_wait3A_127 = arith.constant 0 : i32
      %dma_wait3A_128 = arith.constant 0 : i32
      %dma_wait3A_129 = tpu.memref_slice %arg18[%dma_wait3A_127, %dma_wait3A_128] : memref<10240x64xf32, #tpu.memory_space<vmem_shared>> -> memref<10240x64xf32, #tpu.memory_space<vmem_shared>>
      tpu.wait_indirect_dma semaphore(%arg22 : memref<!tpu.dma_semaphore, #tpu.memory_space<semaphore_mem>>) src(%dma_wait3A_129 : memref<10240x64xf32, #tpu.memory_space<vmem_shared>>) dst(%arg16 : memref<128x64xf32, #tpu.memory_space<vmem>>)
      %add3A_130 = arith.constant 1 : i32
      %add3A_131 = arith.addi %add3A_126, %add3A_130 : i32
      %lt3A_132 = arith.constant 160 : i32
      %lt3A_133 = arith.cmpi slt, %add3A_131, %lt3A_132 : i32
      %convert_element_type3A_134 = arith.extui %lt3A_133 : i1 to i32
      %cond3A_135 = arith.constant 0 : i32
      %cond3A_136 = arith.cmpi ne, %convert_element_type3A_134, %cond3A_135 : i32
      scf.if %cond3A_136 {
        %add3A_193 = arith.constant 1 : i32
        %add3A_194 = arith.addi %add3A_126, %add3A_193 : i32
        %add3A_195 = arith.addi %mul3A_0, %add3A_194 : i32
        %mul3A_196 = arith.constant 128 : i32
        %mul3A_197 = arith.muli %add3A_195, %mul3A_196 : i32
        %dma_wait3A_198 = tpu.memref_slice %arg3[%mul3A_197] : memref<327680xi32, #tpu.memory_space<hbm>> -> memref<128xi32, #tpu.memory_space<hbm>>
        %dma_wait3A_199 = tpu.memref_slice %arg3[%mul3A_197] : memref<327680xi32, #tpu.memory_space<hbm>> -> memref<128xi32, #tpu.memory_space<hbm>>
        tpu.wait_dma2 semaphore(%arg31 : memref<!tpu.dma_semaphore, #tpu.memory_space<semaphore_mem>>) src(%dma_wait3A_199 : memref<128xi32, #tpu.memory_space<hbm>>) dst(%arg12 : memref<128xi32, #tpu.memory_space<vmem>>)
        %dma_wait3A_200 = tpu.memref_slice %arg4[%mul3A_197] : memref<327680xi32, #tpu.memory_space<hbm>> -> memref<128xi32, #tpu.memory_space<hbm>>
        %dma_wait3A_201 = tpu.memref_slice %arg4[%mul3A_197] : memref<327680xi32, #tpu.memory_space<hbm>> -> memref<128xi32, #tpu.memory_space<hbm>>
        tpu.wait_dma2 semaphore(%arg31 : memref<!tpu.dma_semaphore, #tpu.memory_space<semaphore_mem>>) src(%dma_wait3A_201 : memref<128xi32, #tpu.memory_space<hbm>>) dst(%arg13 : memref<128xi32, #tpu.memory_space<vmem>>)
      } else {
      }
      %ge3A_137 = arith.constant 2 : i32
      %ge3A_138 = arith.cmpi sge, %add3A_126, %ge3A_137 : i32
      %convert_element_type3A_139 = arith.extui %ge3A_138 : i1 to i32
      %cond3A_140 = arith.constant 0 : i32
      %cond3A_141 = arith.cmpi ne, %convert_element_type3A_139, %cond3A_140 : i32
      scf.if %cond3A_141 {
        %dma_wait3A_193 = arith.constant 0 : i32
        %dma_wait3A_194 = arith.constant 0 : i32
        %dma_wait3A_195 = tpu.memref_slice %arg19[%dma_wait3A_193, %dma_wait3A_194] : memref<10240x64xf32, #tpu.memory_space<vmem_shared>> -> memref<10240x64xf32, #tpu.memory_space<vmem_shared>>
        tpu.wait_indirect_dma semaphore(%arg24 : memref<!tpu.dma_semaphore, #tpu.memory_space<semaphore_mem>>) src(%arg14 : memref<128x64xf32, #tpu.memory_space<vmem>>) dst(%dma_wait3A_195 : memref<10240x64xf32, #tpu.memory_space<vmem_shared>>)
      } else {
      }
      %add3A_142 = arith.constant 1 : i32
      %add3A_143 = arith.addi %add3A_126, %add3A_142 : i32
      %lt3A_144 = arith.constant 160 : i32
      %lt3A_145 = arith.cmpi slt, %add3A_143, %lt3A_144 : i32
      %convert_element_type3A_146 = arith.extui %lt3A_145 : i1 to i32
      %cond3A_147 = arith.constant 0 : i32
      %cond3A_148 = arith.cmpi ne, %convert_element_type3A_146, %cond3A_147 : i32
      scf.if %cond3A_148 {
        %dma_start3A_193 = arith.constant 0 : i32
        %dma_start3A_194 = arith.constant 0 : i32
        %dma_start3A_195 = tpu.memref_slice %arg18[%dma_start3A_193, %dma_start3A_194] : memref<10240x64xf32, #tpu.memory_space<vmem_shared>> -> memref<10240x64xf32, #tpu.memory_space<vmem_shared>>
        tpu.enqueue_indirect_dma source(%dma_start3A_195 : memref<10240x64xf32, #tpu.memory_space<vmem_shared>>) target(%arg17 : memref<128x64xf32, #tpu.memory_space<vmem>>) offsets(%arg12 : memref<128xi32, #tpu.memory_space<vmem>>) semaphore(%arg23 : memref<!tpu.dma_semaphore, #tpu.memory_space<semaphore_mem>>)
      } else {
      }
      %dma_start3A_149 = arith.constant 0 : i32
      %dma_start3A_150 = arith.constant 0 : i32
      %dma_start3A_151 = tpu.memref_slice %arg19[%dma_start3A_149, %dma_start3A_150] : memref<10240x64xf32, #tpu.memory_space<vmem_shared>> -> memref<10240x64xf32, #tpu.memory_space<vmem_shared>>
      tpu.enqueue_indirect_dma source(%arg16 : memref<128x64xf32, #tpu.memory_space<vmem>>) target(%dma_start3A_151 : memref<10240x64xf32, #tpu.memory_space<vmem_shared>>) offsets(%arg11 : memref<128xi32, #tpu.memory_space<vmem>>) semaphore(%arg26 : memref<!tpu.dma_semaphore, #tpu.memory_space<semaphore_mem>>) {add = true}
      %add3A_152 = arith.constant 2 : i32
      %add3A_153 = arith.addi %add3A_126, %add3A_152 : i32
      %lt3A_154 = arith.constant 160 : i32
      %lt3A_155 = arith.cmpi slt, %add3A_153, %lt3A_154 : i32
      %convert_element_type3A_156 = arith.extui %lt3A_155 : i1 to i32
      %cond3A_157 = arith.constant 0 : i32
      %cond3A_158 = arith.cmpi ne, %convert_element_type3A_156, %cond3A_157 : i32
      scf.if %cond3A_158 {
        %add3A_193 = arith.constant 2 : i32
        %add3A_194 = arith.addi %add3A_126, %add3A_193 : i32
        %add3A_195 = arith.addi %mul3A_0, %add3A_194 : i32
        %mul3A_196 = arith.constant 128 : i32
        %mul3A_197 = arith.muli %add3A_195, %mul3A_196 : i32
        %dma_start3A_198 = tpu.memref_slice %arg3[%mul3A_197] : memref<327680xi32, #tpu.memory_space<hbm>> -> memref<128xi32, #tpu.memory_space<hbm>>
        %dma_start3A_199 = tpu.memref_slice %arg3[%mul3A_197] : memref<327680xi32, #tpu.memory_space<hbm>> -> memref<128xi32, #tpu.memory_space<hbm>>
        tpu.enqueue_dma source(%dma_start3A_199 : memref<128xi32, #tpu.memory_space<hbm>>) target(%arg6 : memref<128xi32, #tpu.memory_space<vmem>>) target_semaphore(%arg28 : memref<!tpu.dma_semaphore, #tpu.memory_space<semaphore_mem>>)
        %dma_start3A_200 = tpu.memref_slice %arg4[%mul3A_197] : memref<327680xi32, #tpu.memory_space<hbm>> -> memref<128xi32, #tpu.memory_space<hbm>>
        %dma_start3A_201 = tpu.memref_slice %arg4[%mul3A_197] : memref<327680xi32, #tpu.memory_space<hbm>> -> memref<128xi32, #tpu.memory_space<hbm>>
        tpu.enqueue_dma source(%dma_start3A_201 : memref<128xi32, #tpu.memory_space<hbm>>) target(%arg7 : memref<128xi32, #tpu.memory_space<vmem>>) target_semaphore(%arg28 : memref<!tpu.dma_semaphore, #tpu.memory_space<semaphore_mem>>)
      } else {
      }
      %add3A_159 = arith.constant 3 : i32
      %add3A_160 = arith.addi %mul3A_60, %add3A_159 : i32
      %dma_wait3A_161 = arith.constant 0 : i32
      %dma_wait3A_162 = arith.constant 0 : i32
      %dma_wait3A_163 = tpu.memref_slice %arg18[%dma_wait3A_161, %dma_wait3A_162] : memref<10240x64xf32, #tpu.memory_space<vmem_shared>> -> memref<10240x64xf32, #tpu.memory_space<vmem_shared>>
      tpu.wait_indirect_dma semaphore(%arg23 : memref<!tpu.dma_semaphore, #tpu.memory_space<semaphore_mem>>) src(%dma_wait3A_163 : memref<10240x64xf32, #tpu.memory_space<vmem_shared>>) dst(%arg17 : memref<128x64xf32, #tpu.memory_space<vmem>>)
      %add3A_164 = arith.constant 1 : i32
      %add3A_165 = arith.addi %add3A_160, %add3A_164 : i32
      %lt3A_166 = arith.constant 160 : i32
      %lt3A_167 = arith.cmpi slt, %add3A_165, %lt3A_166 : i32
      %convert_element_type3A_168 = arith.extui %lt3A_167 : i1 to i32
      %cond3A_169 = arith.constant 0 : i32
      %cond3A_170 = arith.cmpi ne, %convert_element_type3A_168, %cond3A_169 : i32
      scf.if %cond3A_170 {
        %add3A_193 = arith.constant 1 : i32
        %add3A_194 = arith.addi %add3A_160, %add3A_193 : i32
        %add3A_195 = arith.addi %mul3A_0, %add3A_194 : i32
        %mul3A_196 = arith.constant 128 : i32
        %mul3A_197 = arith.muli %add3A_195, %mul3A_196 : i32
        %dma_wait3A_198 = tpu.memref_slice %arg3[%mul3A_197] : memref<327680xi32, #tpu.memory_space<hbm>> -> memref<128xi32, #tpu.memory_space<hbm>>
        %dma_wait3A_199 = tpu.memref_slice %arg3[%mul3A_197] : memref<327680xi32, #tpu.memory_space<hbm>> -> memref<128xi32, #tpu.memory_space<hbm>>
        tpu.wait_dma2 semaphore(%arg28 : memref<!tpu.dma_semaphore, #tpu.memory_space<semaphore_mem>>) src(%dma_wait3A_199 : memref<128xi32, #tpu.memory_space<hbm>>) dst(%arg6 : memref<128xi32, #tpu.memory_space<vmem>>)
        %dma_wait3A_200 = tpu.memref_slice %arg4[%mul3A_197] : memref<327680xi32, #tpu.memory_space<hbm>> -> memref<128xi32, #tpu.memory_space<hbm>>
        %dma_wait3A_201 = tpu.memref_slice %arg4[%mul3A_197] : memref<327680xi32, #tpu.memory_space<hbm>> -> memref<128xi32, #tpu.memory_space<hbm>>
        tpu.wait_dma2 semaphore(%arg28 : memref<!tpu.dma_semaphore, #tpu.memory_space<semaphore_mem>>) src(%dma_wait3A_201 : memref<128xi32, #tpu.memory_space<hbm>>) dst(%arg7 : memref<128xi32, #tpu.memory_space<vmem>>)
      } else {
      }
      %ge3A_171 = arith.constant 2 : i32
      %ge3A_172 = arith.cmpi sge, %add3A_160, %ge3A_171 : i32
      %convert_element_type3A_173 = arith.extui %ge3A_172 : i1 to i32
      %cond3A_174 = arith.constant 0 : i32
      %cond3A_175 = arith.cmpi ne, %convert_element_type3A_173, %cond3A_174 : i32
      scf.if %cond3A_175 {
        %dma_wait3A_193 = arith.constant 0 : i32
        %dma_wait3A_194 = arith.constant 0 : i32
        %dma_wait3A_195 = tpu.memref_slice %arg19[%dma_wait3A_193, %dma_wait3A_194] : memref<10240x64xf32, #tpu.memory_space<vmem_shared>> -> memref<10240x64xf32, #tpu.memory_space<vmem_shared>>
        tpu.wait_indirect_dma semaphore(%arg25 : memref<!tpu.dma_semaphore, #tpu.memory_space<semaphore_mem>>) src(%arg15 : memref<128x64xf32, #tpu.memory_space<vmem>>) dst(%dma_wait3A_195 : memref<10240x64xf32, #tpu.memory_space<vmem_shared>>)
      } else {
      }
      %add3A_176 = arith.constant 1 : i32
      %add3A_177 = arith.addi %add3A_160, %add3A_176 : i32
      %lt3A_178 = arith.constant 160 : i32
      %lt3A_179 = arith.cmpi slt, %add3A_177, %lt3A_178 : i32
      %convert_element_type3A_180 = arith.extui %lt3A_179 : i1 to i32
      %cond3A_181 = arith.constant 0 : i32
      %cond3A_182 = arith.cmpi ne, %convert_element_type3A_180, %cond3A_181 : i32
      scf.if %cond3A_182 {
        %dma_start3A_193 = arith.constant 0 : i32
        %dma_start3A_194 = arith.constant 0 : i32
        %dma_start3A_195 = tpu.memref_slice %arg18[%dma_start3A_193, %dma_start3A_194] : memref<10240x64xf32, #tpu.memory_space<vmem_shared>> -> memref<10240x64xf32, #tpu.memory_space<vmem_shared>>
        tpu.enqueue_indirect_dma source(%dma_start3A_195 : memref<10240x64xf32, #tpu.memory_space<vmem_shared>>) target(%arg14 : memref<128x64xf32, #tpu.memory_space<vmem>>) offsets(%arg6 : memref<128xi32, #tpu.memory_space<vmem>>) semaphore(%arg20 : memref<!tpu.dma_semaphore, #tpu.memory_space<semaphore_mem>>)
      } else {
      }
      %dma_start3A_183 = arith.constant 0 : i32
      %dma_start3A_184 = arith.constant 0 : i32
      %dma_start3A_185 = tpu.memref_slice %arg19[%dma_start3A_183, %dma_start3A_184] : memref<10240x64xf32, #tpu.memory_space<vmem_shared>> -> memref<10240x64xf32, #tpu.memory_space<vmem_shared>>
      tpu.enqueue_indirect_dma source(%arg17 : memref<128x64xf32, #tpu.memory_space<vmem>>) target(%dma_start3A_185 : memref<10240x64xf32, #tpu.memory_space<vmem_shared>>) offsets(%arg13 : memref<128xi32, #tpu.memory_space<vmem>>) semaphore(%arg27 : memref<!tpu.dma_semaphore, #tpu.memory_space<semaphore_mem>>) {add = true}
      %add3A_186 = arith.constant 2 : i32
      %add3A_187 = arith.addi %add3A_160, %add3A_186 : i32
      %lt3A_188 = arith.constant 160 : i32
      %lt3A_189 = arith.cmpi slt, %add3A_187, %lt3A_188 : i32
      %convert_element_type3A_190 = arith.extui %lt3A_189 : i1 to i32
      %cond3A_191 = arith.constant 0 : i32
      %cond3A_192 = arith.cmpi ne, %convert_element_type3A_190, %cond3A_191 : i32
      scf.if %cond3A_192 {
        %add3A_193 = arith.constant 2 : i32
        %add3A_194 = arith.addi %add3A_160, %add3A_193 : i32
        %add3A_195 = arith.addi %mul3A_0, %add3A_194 : i32
        %mul3A_196 = arith.constant 128 : i32
        %mul3A_197 = arith.muli %add3A_195, %mul3A_196 : i32
        %dma_start3A_198 = tpu.memref_slice %arg3[%mul3A_197] : memref<327680xi32, #tpu.memory_space<hbm>> -> memref<128xi32, #tpu.memory_space<hbm>>
        %dma_start3A_199 = tpu.memref_slice %arg3[%mul3A_197] : memref<327680xi32, #tpu.memory_space<hbm>> -> memref<128xi32, #tpu.memory_space<hbm>>
        tpu.enqueue_dma source(%dma_start3A_199 : memref<128xi32, #tpu.memory_space<hbm>>) target(%arg8 : memref<128xi32, #tpu.memory_space<vmem>>) target_semaphore(%arg29 : memref<!tpu.dma_semaphore, #tpu.memory_space<semaphore_mem>>)
        %dma_start3A_200 = tpu.memref_slice %arg4[%mul3A_197] : memref<327680xi32, #tpu.memory_space<hbm>> -> memref<128xi32, #tpu.memory_space<hbm>>
        %dma_start3A_201 = tpu.memref_slice %arg4[%mul3A_197] : memref<327680xi32, #tpu.memory_space<hbm>> -> memref<128xi32, #tpu.memory_space<hbm>>
        tpu.enqueue_dma source(%dma_start3A_201 : memref<128xi32, #tpu.memory_space<hbm>>) target(%arg9 : memref<128xi32, #tpu.memory_space<vmem>>) target_semaphore(%arg29 : memref<!tpu.dma_semaphore, #tpu.memory_space<semaphore_mem>>)
      } else {
      }
    }
    %scan3A_44 = arith.constant 40 : i32
    %dma_wait3A_45 = arith.constant 0 : i32
    %dma_wait3A_46 = arith.constant 0 : i32
    %dma_wait3A_47 = tpu.memref_slice %arg19[%dma_wait3A_45, %dma_wait3A_46] : memref<10240x64xf32, #tpu.memory_space<vmem_shared>> -> memref<10240x64xf32, #tpu.memory_space<vmem_shared>>
    tpu.wait_indirect_dma semaphore(%arg26 : memref<!tpu.dma_semaphore, #tpu.memory_space<semaphore_mem>>) src(%arg16 : memref<128x64xf32, #tpu.memory_space<vmem>>) dst(%dma_wait3A_47 : memref<10240x64xf32, #tpu.memory_space<vmem_shared>>)
    %dma_wait3A_48 = arith.constant 0 : i32
    %dma_wait3A_49 = arith.constant 0 : i32
    %dma_wait3A_50 = tpu.memref_slice %arg19[%dma_wait3A_48, %dma_wait3A_49] : memref<10240x64xf32, #tpu.memory_space<vmem_shared>> -> memref<10240x64xf32, #tpu.memory_space<vmem_shared>>
    tpu.wait_indirect_dma semaphore(%arg27 : memref<!tpu.dma_semaphore, #tpu.memory_space<semaphore_mem>>) src(%arg17 : memref<128x64xf32, #tpu.memory_space<vmem>>) dst(%dma_wait3A_50 : memref<10240x64xf32, #tpu.memory_space<vmem_shared>>)
    %barrier3A_51 = arith.constant 0 : index
    tpu.barrier barrier_id(%barrier3A_51)
    %mul3A_52 = arith.constant 640 : i32
    %mul3A_53 = arith.muli %arg1, %mul3A_52 : i32
    %mul3A_54 = arith.constant 640 : i32
    %mul3A_55 = arith.muli %arg1, %mul3A_54 : i32
    %mul3A_56 = arith.constant 64 : i32
    %mul3A_57 = arith.muli %arg0, %mul3A_56 : i32
    "tpu.region"() ({
      %run_scoped3A = tpu.sem_alloc : memref<!tpu.dma_semaphore, #tpu.memory_space<semaphore_mem>>
      %dma_start3A_58 = tpu.memref_slice %arg5[%mul3A_55, %mul3A_57] : memref<10240x128xf32, #tpu.memory_space<hbm>> -> memref<640x64xf32, #tpu.memory_space<hbm>>
      %dma_start3A_59 = arith.constant 0 : i32
      %dma_start3A_60 = tpu.memref_slice %arg19[%mul3A_53, %dma_start3A_59] : memref<10240x64xf32, #tpu.memory_space<vmem_shared>> -> memref<640x64xf32, #tpu.memory_space<vmem_shared>>
      tpu.enqueue_dma source(%dma_start3A_60 : memref<640x64xf32, #tpu.memory_space<vmem_shared>>) target(%dma_start3A_58 : memref<640x64xf32, #tpu.memory_space<hbm>>) target_semaphore(%run_scoped3A : memref<!tpu.dma_semaphore, #tpu.memory_space<semaphore_mem>>)
      %dma_wait3A_61 = tpu.memref_slice %arg5[%mul3A_55, %mul3A_57] : memref<10240x128xf32, #tpu.memory_space<hbm>> -> memref<640x64xf32, #tpu.memory_space<hbm>>
      %dma_wait3A_62 = arith.constant 0 : i32
      %dma_wait3A_63 = tpu.memref_slice %arg19[%mul3A_53, %dma_wait3A_62] : memref<10240x64xf32, #tpu.memory_space<vmem_shared>> -> memref<640x64xf32, #tpu.memory_space<vmem_shared>>
      tpu.wait_dma2 semaphore(%run_scoped3A : memref<!tpu.dma_semaphore, #tpu.memory_space<semaphore_mem>>) src(%dma_wait3A_63 : memref<640x64xf32, #tpu.memory_space<vmem_shared>>) dst(%dma_wait3A_61 : memref<640x64xf32, #tpu.memory_space<hbm>>)
      tpu.yield
    }) : () -> ()
    return
  }
}

#map = affine_map<(d0, d1) -> (0, 0)>
#map1 = affine_map<(d0, d1) -> (0)>
module attributes {stable_mosaic.version = 14 : i64} {
  func.func @_sc_scatter_body(%arg0: i32, %arg1: i32, %arg2: memref<10240x128xf32, #tpu.memory_space<hbm>>, %arg3: memref<327680xi32, #tpu.memory_space<hbm>>, %arg4: memref<327680xi32, #tpu.memory_space<hbm>>, %arg5: memref<10240x128xf32, #tpu.memory_space<hbm>>, %arg6: memref<128xi32, #tpu.memory_space<vmem>>, %arg7: memref<128xi32, #tpu.memory_space<vmem>>, %arg8: memref<128xi32, #tpu.memory_space<vmem>>, %arg9: memref<128xi32, #tpu.memory_space<vmem>>, %arg10: memref<128xi32, #tpu.memory_space<vmem>>, %arg11: memref<128xi32, #tpu.memory_space<vmem>>, %arg12: memref<128xi32, #tpu.memory_space<vmem>>, %arg13: memref<128xi32, #tpu.memory_space<vmem>>, %arg14: memref<128x64xf32, #tpu.memory_space<vmem>>, %arg15: memref<128x64xf32, #tpu.memory_space<vmem>>, %arg16: memref<128x64xf32, #tpu.memory_space<vmem>>, %arg17: memref<128x64xf32, #tpu.memory_space<vmem>>, %arg18: memref<10240x64xf32, #tpu.memory_space<vmem_shared>>, %arg19: memref<10240x64xf32, #tpu.memory_space<vmem_shared>>, %arg20: memref<!tpu.dma_semaphore, #tpu.memory_space<semaphore_mem>>, %arg21: memref<!tpu.dma_semaphore, #tpu.memory_space<semaphore_mem>>, %arg22: memref<!tpu.dma_semaphore, #tpu.memory_space<semaphore_mem>>, %arg23: memref<!tpu.dma_semaphore, #tpu.memory_space<semaphore_mem>>, %arg24: memref<!tpu.dma_semaphore, #tpu.memory_space<semaphore_mem>>, %arg25: memref<!tpu.dma_semaphore, #tpu.memory_space<semaphore_mem>>, %arg26: memref<!tpu.dma_semaphore, #tpu.memory_space<semaphore_mem>>, %arg27: memref<!tpu.dma_semaphore, #tpu.memory_space<semaphore_mem>>, %arg28: memref<!tpu.dma_semaphore, #tpu.memory_space<semaphore_mem>>, %arg29: memref<!tpu.dma_semaphore, #tpu.memory_space<semaphore_mem>>, %arg30: memref<!tpu.dma_semaphore, #tpu.memory_space<semaphore_mem>>, %arg31: memref<!tpu.dma_semaphore, #tpu.memory_space<semaphore_mem>>) attributes {dimension_semantics = [#tpu.dimension_semantics<core_parallel>, #tpu.dimension_semantics<subcore_parallel>], iteration_bounds = array<i64: 2, 16>, scalar_prefetch = 0 : i64, scratch_operands = 26 : i64, tpu.core_type = #tpu.core_type<sc_vector_subcore>, window_params = [{transform_indices = #map}, {transform_indices = #map1}, {transform_indices = #map1}, {transform_indices = #map}]} {
    %mul3A = arith.constant 160 : i32
    %mul3A_0 = arith.muli %arg1, %mul3A : i32
    %mul3A_1 = arith.constant 640 : i32
    %mul3A_2 = arith.muli %arg1, %mul3A_1 : i32
    %mul3A_3 = arith.constant 64 : i32
    %mul3A_4 = arith.muli %arg0, %mul3A_3 : i32
    %mul3A_5 = arith.constant 640 : i32
    %mul3A_6 = arith.muli %arg1, %mul3A_5 : i32
    "tpu.region"() ({
      %run_scoped3A = tpu.sem_alloc : memref<!tpu.dma_semaphore, #tpu.memory_space<semaphore_mem>>
      %dma_start3A_58 = arith.constant 0 : i32
      %dma_start3A_59 = tpu.memref_slice %arg18[%mul3A_6, %dma_start3A_58] : memref<10240x64xf32, #tpu.memory_space<vmem_shared>> -> memref<640x64xf32, #tpu.memory_space<vmem_shared>>
      %dma_start3A_60 = tpu.memref_slice %arg2[%mul3A_2, %mul3A_4] : memref<10240x128xf32, #tpu.memory_space<hbm>> -> memref<640x64xf32, #tpu.memory_space<hbm>>
      tpu.enqueue_dma source(%dma_start3A_60 : memref<640x64xf32, #tpu.memory_space<hbm>>) target(%dma_start3A_59 : memref<640x64xf32, #tpu.memory_space<vmem_shared>>) target_semaphore(%run_scoped3A : memref<!tpu.dma_semaphore, #tpu.memory_space<semaphore_mem>>)
      %dma_wait3A_61 = arith.constant 0 : i32
      %dma_wait3A_62 = tpu.memref_slice %arg18[%mul3A_6, %dma_wait3A_61] : memref<10240x64xf32, #tpu.memory_space<vmem_shared>> -> memref<640x64xf32, #tpu.memory_space<vmem_shared>>
      %dma_wait3A_63 = tpu.memref_slice %arg2[%mul3A_2, %mul3A_4] : memref<10240x128xf32, #tpu.memory_space<hbm>> -> memref<640x64xf32, #tpu.memory_space<hbm>>
      tpu.wait_dma2 semaphore(%run_scoped3A : memref<!tpu.dma_semaphore, #tpu.memory_space<semaphore_mem>>) src(%dma_wait3A_63 : memref<640x64xf32, #tpu.memory_space<hbm>>) dst(%dma_wait3A_62 : memref<640x64xf32, #tpu.memory_space<vmem_shared>>)
      tpu.yield
    }) : () -> ()
    %scan3A = arith.constant 0 : i32
    %scan3A_7 = arith.constant 128 : i32
    %scan3A_8 = arith.addi %scan3A, %scan3A_7 : i32
    %scan3A_9 = arith.constant 1 : i32
    scf.for %scan3A_58 = %scan3A to %scan3A_8 step %scan3A_9  : i32 {
      %scan3A_59 = arith.constant 0 : i32
      %scan3A_60 = arith.constant 4 : i32
      %scan3A_61 = arith.addi %scan3A_59, %scan3A_60 : i32
      %scan3A_62 = arith.constant 1 : i32
      scf.for %scan3A_64 = %scan3A_59 to %scan3A_61 step %scan3A_62  : i32 {
        %broadcast_in_dim3A = arith.constant 0.000000e+00 : f32
        %broadcast_in_dim3A_65 = vector.broadcast %broadcast_in_dim3A : f32 to vector<16xf32>
        %mul3A_66 = arith.constant 16 : i32
        %mul3A_67 = arith.muli %scan3A_64, %mul3A_66 : i32
        %swap3A = arith.index_cast %scan3A_58 : i32 to index
        %swap3A_68 = arith.index_cast %mul3A_67 : i32 to index
        %swap3A_69 = tpu.vector_load %arg14[%swap3A, %swap3A_68] {strides = array<i32>} : memref<128x64xf32, #tpu.memory_space<vmem>>, vector<1x16xf32>,
        %swap3A_70 = vector.shape_cast %swap3A_69 : vector<1x16xf32> to vector<16xf32>
        %swap3A_71 = vector.shape_cast %broadcast_in_dim3A_65 : vector<16xf32> to vector<1x16xf32>
        tpu.vector_store %arg14[%swap3A, %swap3A_68], %swap3A_71 {strides = array<i32>} : memref<128x64xf32, #tpu.memory_space<vmem>>, vector<1x16xf32>,
      }
      %scan3A_63 = arith.constant 4 : i32
    }
    %scan3A_10 = arith.constant 128 : i32
    %scan3A_11 = arith.constant 0 : i32
    %scan3A_12 = arith.constant 5 : i32
    %scan3A_13 = arith.addi %scan3A_11, %scan3A_12 : i32
    %scan3A_14 = arith.constant 1 : i32
    scf.for %scan3A_58 = %scan3A_11 to %scan3A_13 step %scan3A_14  : i32 {
      %mul3A_59 = arith.constant 640 : i32
      %mul3A_60 = arith.muli %arg1, %mul3A_59 : i32
      %mul3A_61 = arith.constant 128 : i32
      %mul3A_62 = arith.muli %scan3A_58, %mul3A_61 : i32
      %add3A_63 = arith.addi %mul3A_60, %mul3A_62 : i32
      "tpu.region"() ({
        %run_scoped3A = tpu.sem_alloc : memref<!tpu.dma_semaphore, #tpu.memory_space<semaphore_mem>>
        %dma_start3A_64 = arith.constant 0 : i32
        %dma_start3A_65 = tpu.memref_slice %arg19[%add3A_63, %dma_start3A_64] : memref<10240x64xf32, #tpu.memory_space<vmem_shared>> -> memref<128x64xf32, #tpu.memory_space<vmem_shared>>
        %dma_start3A_66 = arith.constant 0 : i32
        %dma_start3A_67 = tpu.memref_slice %arg19[%add3A_63, %dma_start3A_66] : memref<10240x64xf32, #tpu.memory_space<vmem_shared>> -> memref<128x64xf32, #tpu.memory_space<vmem_shared>>
        tpu.enqueue_dma source(%arg14 : memref<128x64xf32, #tpu.memory_space<vmem>>) target(%dma_start3A_67 : memref<128x64xf32, #tpu.memory_space<vmem_shared>>) target_semaphore(%run_scoped3A : memref<!tpu.dma_semaphore, #tpu.memory_space<semaphore_mem>>)
        %dma_wait3A_68 = arith.constant 0 : i32
        %dma_wait3A_69 = tpu.memref_slice %arg19[%add3A_63, %dma_wait3A_68] : memref<10240x64xf32, #tpu.memory_space<vmem_shared>> -> memref<128x64xf32, #tpu.memory_space<vmem_shared>>
        %dma_wait3A_70 = arith.constant 0 : i32
        %dma_wait3A_71 = tpu.memref_slice %arg19[%add3A_63, %dma_wait3A_70] : memref<10240x64xf32, #tpu.memory_space<vmem_shared>> -> memref<128x64xf32, #tpu.memory_space<vmem_shared>>
        tpu.wait_dma2 semaphore(%run_scoped3A : memref<!tpu.dma_semaphore, #tpu.memory_space<semaphore_mem>>) src(%arg14 : memref<128x64xf32, #tpu.memory_space<vmem>>) dst(%dma_wait3A_71 : memref<128x64xf32, #tpu.memory_space<vmem_shared>>)
        tpu.yield
      }) : () -> ()
    }
    %scan3A_15 = arith.constant 5 : i32
    %barrier3A = arith.constant 0 : index
    tpu.barrier barrier_id(%barrier3A)
    %add3A = arith.constant 0 : i32
    %add3A_16 = arith.addi %mul3A_0, %add3A : i32
    %mul3A_17 = arith.constant 128 : i32
    %mul3A_18 = arith.muli %add3A_16, %mul3A_17 : i32
    %dma_start3A = tpu.memref_slice %arg3[%mul3A_18] : memref<327680xi32, #tpu.memory_space<hbm>> -> memref<128xi32, #tpu.memory_space<hbm>>
    %dma_start3A_19 = tpu.memref_slice %arg3[%mul3A_18] : memref<327680xi32, #tpu.memory_space<hbm>> -> memref<128xi32, #tpu.memory_space<hbm>>
    tpu.enqueue_dma source(%dma_start3A_19 : memref<128xi32, #tpu.memory_space<hbm>>) target(%arg6 : memref<128xi32, #tpu.memory_space<vmem>>) target_semaphore(%arg28 : memref<!tpu.dma_semaphore, #tpu.memory_space<semaphore_mem>>)
    %dma_start3A_20 = tpu.memref_slice %arg4[%mul3A_18] : memref<327680xi32, #tpu.memory_space<hbm>> -> memref<128xi32, #tpu.memory_space<hbm>>
    %dma_start3A_21 = tpu.memref_slice %arg4[%mul3A_18] : memref<327680xi32, #tpu.memory_space<hbm>> -> memref<128xi32, #tpu.memory_space<hbm>>
    tpu.enqueue_dma source(%dma_start3A_21 : memref<128xi32, #tpu.memory_space<hbm>>) target(%arg7 : memref<128xi32, #tpu.memory_space<vmem>>) target_semaphore(%arg28 : memref<!tpu.dma_semaphore, #tpu.memory_space<semaphore_mem>>)
    %add3A_22 = arith.constant 1 : i32
    %add3A_23 = arith.addi %mul3A_0, %add3A_22 : i32
    %mul3A_24 = arith.constant 128 : i32
    %mul3A_25 = arith.muli %add3A_23, %mul3A_24 : i32
    %dma_start3A_26 = tpu.memref_slice %arg3[%mul3A_25] : memref<327680xi32, #tpu.memory_space<hbm>> -> memref<128xi32, #tpu.memory_space<hbm>>
    %dma_start3A_27 = tpu.memref_slice %arg3[%mul3A_25] : memref<327680xi32, #tpu.memory_space<hbm>> -> memref<128xi32, #tpu.memory_space<hbm>>
    tpu.enqueue_dma source(%dma_start3A_27 : memref<128xi32, #tpu.memory_space<hbm>>) target(%arg8 : memref<128xi32, #tpu.memory_space<vmem>>) target_semaphore(%arg29 : memref<!tpu.dma_semaphore, #tpu.memory_space<semaphore_mem>>)
    %dma_start3A_28 = tpu.memref_slice %arg4[%mul3A_25] : memref<327680xi32, #tpu.memory_space<hbm>> -> memref<128xi32, #tpu.memory_space<hbm>>
    %dma_start3A_29 = tpu.memref_slice %arg4[%mul3A_25] : memref<327680xi32, #tpu.memory_space<hbm>> -> memref<128xi32, #tpu.memory_space<hbm>>
    tpu.enqueue_dma source(%dma_start3A_29 : memref<128xi32, #tpu.memory_space<hbm>>) target(%arg9 : memref<128xi32, #tpu.memory_space<vmem>>) target_semaphore(%arg29 : memref<!tpu.dma_semaphore, #tpu.memory_space<semaphore_mem>>)
    %add3A_30 = arith.constant 0 : i32
    %add3A_31 = arith.addi %mul3A_0, %add3A_30 : i32
    %mul3A_32 = arith.constant 128 : i32
    %mul3A_33 = arith.muli %add3A_31, %mul3A_32 : i32
    %dma_wait3A = tpu.memref_slice %arg3[%mul3A_33] : memref<327680xi32, #tpu.memory_space<hbm>> -> memref<128xi32, #tpu.memory_space<hbm>>
    %dma_wait3A_34 = tpu.memref_slice %arg3[%mul3A_33] : memref<327680xi32, #tpu.memory_space<hbm>> -> memref<128xi32, #tpu.memory_space<hbm>>
    tpu.wait_dma2 semaphore(%arg28 : memref<!tpu.dma_semaphore, #tpu.memory_space<semaphore_mem>>) src(%dma_wait3A_34 : memref<128xi32, #tpu.memory_space<hbm>>) dst(%arg6 : memref<128xi32, #tpu.memory_space<vmem>>)
    %dma_wait3A_35 = tpu.memref_slice %arg4[%mul3A_33] : memref<327680xi32, #tpu.memory_space<hbm>> -> memref<128xi32, #tpu.memory_space<hbm>>
    %dma_wait3A_36 = tpu.memref_slice %arg4[%mul3A_33] : memref<327680xi32, #tpu.memory_space<hbm>> -> memref<128xi32, #tpu.memory_space<hbm>>
    tpu.wait_dma2 semaphore(%arg28 : memref<!tpu.dma_semaphore, #tpu.memory_space<semaphore_mem>>) src(%dma_wait3A_36 : memref<128xi32, #tpu.memory_space<hbm>>) dst(%arg7 : memref<128xi32, #tpu.memory_space<vmem>>)
    %dma_start3A_37 = arith.constant 0 : i32
    %dma_start3A_38 = arith.constant 0 : i32
    %dma_start3A_39 = tpu.memref_slice %arg18[%dma_start3A_37, %dma_start3A_38] : memref<10240x64xf32, #tpu.memory_space<vmem_shared>> -> memref<10240x64xf32, #tpu.memory_space<vmem_shared>>
    tpu.enqueue_indirect_dma source(%dma_start3A_39 : memref<10240x64xf32, #tpu.memory_space<vmem_shared>>) target(%arg14 : memref<128x64xf32, #tpu.memory_space<vmem>>) offsets(%arg6 : memref<128xi32, #tpu.memory_space<vmem>>) semaphore(%arg20 : memref<!tpu.dma_semaphore, #tpu.memory_space<semaphore_mem>>)
    %scan3A_40 = arith.constant 0 : i32
    %scan3A_41 = arith.constant 40 : i32
    %scan3A_42 = arith.addi %scan3A_40, %scan3A_41 : i32
    %scan3A_43 = arith.constant 1 : i32
    scf.for %scan3A_58 = %scan3A_40 to %scan3A_42 step %scan3A_43  : i32 {
      %mul3A_59 = arith.constant 4 : i32
      %mul3A_60 = arith.muli %mul3A_59, %scan3A_58 : i32
      %add3A_61 = arith.constant 0 : i32
      %add3A_62 = arith.addi %mul3A_60, %add3A_61 : i32
      %dma_wait3A_63 = arith.constant 0 : i32
      %dma_wait3A_64 = arith.constant 0 : i32
      %dma_wait3A_65 = tpu.memref_slice %arg18[%dma_wait3A_63, %dma_wait3A_64] : memref<10240x64xf32, #tpu.memory_space<vmem_shared>> -> memref<10240x64xf32, #tpu.memory_space<vmem_shared>>
      tpu.wait_indirect_dma semaphore(%arg20 : memref<!tpu.dma_semaphore, #tpu.memory_space<semaphore_mem>>) src(%dma_wait3A_65 : memref<10240x64xf32, #tpu.memory_space<vmem_shared>>) dst(%arg14 : memref<128x64xf32, #tpu.memory_space<vmem>>)
      %add3A_66 = arith.constant 1 : i32
      %add3A_67 = arith.addi %add3A_62, %add3A_66 : i32
      %lt3A = arith.constant 160 : i32
      %lt3A_68 = arith.cmpi slt, %add3A_67, %lt3A : i32
      %convert_element_type3A = arith.extui %lt3A_68 : i1 to i32
      %cond3A = arith.constant 0 : i32
      %cond3A_69 = arith.cmpi ne, %convert_element_type3A, %cond3A : i32
      scf.if %cond3A_69 {
        %add3A_193 = arith.constant 1 : i32
        %add3A_194 = arith.addi %add3A_62, %add3A_193 : i32
        %add3A_195 = arith.addi %mul3A_0, %add3A_194 : i32
        %mul3A_196 = arith.constant 128 : i32
        %mul3A_197 = arith.muli %add3A_195, %mul3A_196 : i32
        %dma_wait3A_198 = tpu.memref_slice %arg3[%mul3A_197] : memref<327680xi32, #tpu.memory_space<hbm>> -> memref<128xi32, #tpu.memory_space<hbm>>
        %dma_wait3A_199 = tpu.memref_slice %arg3[%mul3A_197] : memref<327680xi32, #tpu.memory_space<hbm>> -> memref<128xi32, #tpu.memory_space<hbm>>
        tpu.wait_dma2 semaphore(%arg29 : memref<!tpu.dma_semaphore, #tpu.memory_space<semaphore_mem>>) src(%dma_wait3A_199 : memref<128xi32, #tpu.memory_space<hbm>>) dst(%arg8 : memref<128xi32, #tpu.memory_space<vmem>>)
        %dma_wait3A_200 = tpu.memref_slice %arg4[%mul3A_197] : memref<327680xi32, #tpu.memory_space<hbm>> -> memref<128xi32, #tpu.memory_space<hbm>>
        %dma_wait3A_201 = tpu.memref_slice %arg4[%mul3A_197] : memref<327680xi32, #tpu.memory_space<hbm>> -> memref<128xi32, #tpu.memory_space<hbm>>
        tpu.wait_dma2 semaphore(%arg29 : memref<!tpu.dma_semaphore, #tpu.memory_space<semaphore_mem>>) src(%dma_wait3A_201 : memref<128xi32, #tpu.memory_space<hbm>>) dst(%arg9 : memref<128xi32, #tpu.memory_space<vmem>>)
      } else {
      }
      %ge3A = arith.constant 2 : i32
      %ge3A_70 = arith.cmpi sge, %add3A_62, %ge3A : i32
      %convert_element_type3A_71 = arith.extui %ge3A_70 : i1 to i32
      %cond3A_72 = arith.constant 0 : i32
      %cond3A_73 = arith.cmpi ne, %convert_element_type3A_71, %cond3A_72 : i32
      scf.if %cond3A_73 {
        %dma_wait3A_193 = arith.constant 0 : i32
        %dma_wait3A_194 = arith.constant 0 : i32
        %dma_wait3A_195 = tpu.memref_slice %arg19[%dma_wait3A_193, %dma_wait3A_194] : memref<10240x64xf32, #tpu.memory_space<vmem_shared>> -> memref<10240x64xf32, #tpu.memory_space<vmem_shared>>
        tpu.wait_indirect_dma semaphore(%arg26 : memref<!tpu.dma_semaphore, #tpu.memory_space<semaphore_mem>>) src(%arg16 : memref<128x64xf32, #tpu.memory_space<vmem>>) dst(%dma_wait3A_195 : memref<10240x64xf32, #tpu.memory_space<vmem_shared>>)
      } else {
      }
      %add3A_74 = arith.constant 1 : i32
      %add3A_75 = arith.addi %add3A_62, %add3A_74 : i32
      %lt3A_76 = arith.constant 160 : i32
      %lt3A_77 = arith.cmpi slt, %add3A_75, %lt3A_76 : i32
      %convert_element_type3A_78 = arith.extui %lt3A_77 : i1 to i32
      %cond3A_79 = arith.constant 0 : i32
      %cond3A_80 = arith.cmpi ne, %convert_element_type3A_78, %cond3A_79 : i32
      scf.if %cond3A_80 {
        %dma_start3A_193 = arith.constant 0 : i32
        %dma_start3A_194 = arith.constant 0 : i32
        %dma_start3A_195 = tpu.memref_slice %arg18[%dma_start3A_193, %dma_start3A_194] : memref<10240x64xf32, #tpu.memory_space<vmem_shared>> -> memref<10240x64xf32, #tpu.memory_space<vmem_shared>>
        tpu.enqueue_indirect_dma source(%dma_start3A_195 : memref<10240x64xf32, #tpu.memory_space<vmem_shared>>) target(%arg15 : memref<128x64xf32, #tpu.memory_space<vmem>>) offsets(%arg8 : memref<128xi32, #tpu.memory_space<vmem>>) semaphore(%arg21 : memref<!tpu.dma_semaphore, #tpu.memory_space<semaphore_mem>>)
      } else {
      }
      %dma_start3A_81 = arith.constant 0 : i32
      %dma_start3A_82 = arith.constant 0 : i32
      %dma_start3A_83 = tpu.memref_slice %arg19[%dma_start3A_81, %dma_start3A_82] : memref<10240x64xf32, #tpu.memory_space<vmem_shared>> -> memref<10240x64xf32, #tpu.memory_space<vmem_shared>>
      tpu.enqueue_indirect_dma source(%arg14 : memref<128x64xf32, #tpu.memory_space<vmem>>) target(%dma_start3A_83 : memref<10240x64xf32, #tpu.memory_space<vmem_shared>>) offsets(%arg7 : memref<128xi32, #tpu.memory_space<vmem>>) semaphore(%arg24 : memref<!tpu.dma_semaphore, #tpu.memory_space<semaphore_mem>>) {add = true}
      %add3A_84 = arith.constant 2 : i32
      %add3A_85 = arith.addi %add3A_62, %add3A_84 : i32
      %lt3A_86 = arith.constant 160 : i32
      %lt3A_87 = arith.cmpi slt, %add3A_85, %lt3A_86 : i32
      %convert_element_type3A_88 = arith.extui %lt3A_87 : i1 to i32
      %cond3A_89 = arith.constant 0 : i32
      %cond3A_90 = arith.cmpi ne, %convert_element_type3A_88, %cond3A_89 : i32
      scf.if %cond3A_90 {
        %add3A_193 = arith.constant 2 : i32
        %add3A_194 = arith.addi %add3A_62, %add3A_193 : i32
        %add3A_195 = arith.addi %mul3A_0, %add3A_194 : i32
        %mul3A_196 = arith.constant 128 : i32
        %mul3A_197 = arith.muli %add3A_195, %mul3A_196 : i32
        %dma_start3A_198 = tpu.memref_slice %arg3[%mul3A_197] : memref<327680xi32, #tpu.memory_space<hbm>> -> memref<128xi32, #tpu.memory_space<hbm>>
        %dma_start3A_199 = tpu.memref_slice %arg3[%mul3A_197] : memref<327680xi32, #tpu.memory_space<hbm>> -> memref<128xi32, #tpu.memory_space<hbm>>
        tpu.enqueue_dma source(%dma_start3A_199 : memref<128xi32, #tpu.memory_space<hbm>>) target(%arg10 : memref<128xi32, #tpu.memory_space<vmem>>) target_semaphore(%arg30 : memref<!tpu.dma_semaphore, #tpu.memory_space<semaphore_mem>>)
        %dma_start3A_200 = tpu.memref_slice %arg4[%mul3A_197] : memref<327680xi32, #tpu.memory_space<hbm>> -> memref<128xi32, #tpu.memory_space<hbm>>
        %dma_start3A_201 = tpu.memref_slice %arg4[%mul3A_197] : memref<327680xi32, #tpu.memory_space<hbm>> -> memref<128xi32, #tpu.memory_space<hbm>>
        tpu.enqueue_dma source(%dma_start3A_201 : memref<128xi32, #tpu.memory_space<hbm>>) target(%arg11 : memref<128xi32, #tpu.memory_space<vmem>>) target_semaphore(%arg30 : memref<!tpu.dma_semaphore, #tpu.memory_space<semaphore_mem>>)
      } else {
      }
      %add3A_91 = arith.constant 1 : i32
      %add3A_92 = arith.addi %mul3A_60, %add3A_91 : i32
      %dma_wait3A_93 = arith.constant 0 : i32
      %dma_wait3A_94 = arith.constant 0 : i32
      %dma_wait3A_95 = tpu.memref_slice %arg18[%dma_wait3A_93, %dma_wait3A_94] : memref<10240x64xf32, #tpu.memory_space<vmem_shared>> -> memref<10240x64xf32, #tpu.memory_space<vmem_shared>>
      tpu.wait_indirect_dma semaphore(%arg21 : memref<!tpu.dma_semaphore, #tpu.memory_space<semaphore_mem>>) src(%dma_wait3A_95 : memref<10240x64xf32, #tpu.memory_space<vmem_shared>>) dst(%arg15 : memref<128x64xf32, #tpu.memory_space<vmem>>)
      %add3A_96 = arith.constant 1 : i32
      %add3A_97 = arith.addi %add3A_92, %add3A_96 : i32
      %lt3A_98 = arith.constant 160 : i32
      %lt3A_99 = arith.cmpi slt, %add3A_97, %lt3A_98 : i32
      %convert_element_type3A_100 = arith.extui %lt3A_99 : i1 to i32
      %cond3A_101 = arith.constant 0 : i32
      %cond3A_102 = arith.cmpi ne, %convert_element_type3A_100, %cond3A_101 : i32
      scf.if %cond3A_102 {
        %add3A_193 = arith.constant 1 : i32
        %add3A_194 = arith.addi %add3A_92, %add3A_193 : i32
        %add3A_195 = arith.addi %mul3A_0, %add3A_194 : i32
        %mul3A_196 = arith.constant 128 : i32
        %mul3A_197 = arith.muli %add3A_195, %mul3A_196 : i32
        %dma_wait3A_198 = tpu.memref_slice %arg3[%mul3A_197] : memref<327680xi32, #tpu.memory_space<hbm>> -> memref<128xi32, #tpu.memory_space<hbm>>
        %dma_wait3A_199 = tpu.memref_slice %arg3[%mul3A_197] : memref<327680xi32, #tpu.memory_space<hbm>> -> memref<128xi32, #tpu.memory_space<hbm>>
        tpu.wait_dma2 semaphore(%arg30 : memref<!tpu.dma_semaphore, #tpu.memory_space<semaphore_mem>>) src(%dma_wait3A_199 : memref<128xi32, #tpu.memory_space<hbm>>) dst(%arg10 : memref<128xi32, #tpu.memory_space<vmem>>)
        %dma_wait3A_200 = tpu.memref_slice %arg4[%mul3A_197] : memref<327680xi32, #tpu.memory_space<hbm>> -> memref<128xi32, #tpu.memory_space<hbm>>
        %dma_wait3A_201 = tpu.memref_slice %arg4[%mul3A_197] : memref<327680xi32, #tpu.memory_space<hbm>> -> memref<128xi32, #tpu.memory_space<hbm>>
        tpu.wait_dma2 semaphore(%arg30 : memref<!tpu.dma_semaphore, #tpu.memory_space<semaphore_mem>>) src(%dma_wait3A_201 : memref<128xi32, #tpu.memory_space<hbm>>) dst(%arg11 : memref<128xi32, #tpu.memory_space<vmem>>)
      } else {
      }
      %ge3A_103 = arith.constant 2 : i32
      %ge3A_104 = arith.cmpi sge, %add3A_92, %ge3A_103 : i32
      %convert_element_type3A_105 = arith.extui %ge3A_104 : i1 to i32
      %cond3A_106 = arith.constant 0 : i32
      %cond3A_107 = arith.cmpi ne, %convert_element_type3A_105, %cond3A_106 : i32
      scf.if %cond3A_107 {
        %dma_wait3A_193 = arith.constant 0 : i32
        %dma_wait3A_194 = arith.constant 0 : i32
        %dma_wait3A_195 = tpu.memref_slice %arg19[%dma_wait3A_193, %dma_wait3A_194] : memref<10240x64xf32, #tpu.memory_space<vmem_shared>> -> memref<10240x64xf32, #tpu.memory_space<vmem_shared>>
        tpu.wait_indirect_dma semaphore(%arg27 : memref<!tpu.dma_semaphore, #tpu.memory_space<semaphore_mem>>) src(%arg17 : memref<128x64xf32, #tpu.memory_space<vmem>>) dst(%dma_wait3A_195 : memref<10240x64xf32, #tpu.memory_space<vmem_shared>>)
      } else {
      }
      %add3A_108 = arith.constant 1 : i32
      %add3A_109 = arith.addi %add3A_92, %add3A_108 : i32
      %lt3A_110 = arith.constant 160 : i32
      %lt3A_111 = arith.cmpi slt, %add3A_109, %lt3A_110 : i32
      %convert_element_type3A_112 = arith.extui %lt3A_111 : i1 to i32
      %cond3A_113 = arith.constant 0 : i32
      %cond3A_114 = arith.cmpi ne, %convert_element_type3A_112, %cond3A_113 : i32
      scf.if %cond3A_114 {
        %dma_start3A_193 = arith.constant 0 : i32
        %dma_start3A_194 = arith.constant 0 : i32
        %dma_start3A_195 = tpu.memref_slice %arg18[%dma_start3A_193, %dma_start3A_194] : memref<10240x64xf32, #tpu.memory_space<vmem_shared>> -> memref<10240x64xf32, #tpu.memory_space<vmem_shared>>
        tpu.enqueue_indirect_dma source(%dma_start3A_195 : memref<10240x64xf32, #tpu.memory_space<vmem_shared>>) target(%arg16 : memref<128x64xf32, #tpu.memory_space<vmem>>) offsets(%arg10 : memref<128xi32, #tpu.memory_space<vmem>>) semaphore(%arg22 : memref<!tpu.dma_semaphore, #tpu.memory_space<semaphore_mem>>)
      } else {
      }
      %dma_start3A_115 = arith.constant 0 : i32
      %dma_start3A_116 = arith.constant 0 : i32
      %dma_start3A_117 = tpu.memref_slice %arg19[%dma_start3A_115, %dma_start3A_116] : memref<10240x64xf32, #tpu.memory_space<vmem_shared>> -> memref<10240x64xf32, #tpu.memory_space<vmem_shared>>
      tpu.enqueue_indirect_dma source(%arg15 : memref<128x64xf32, #tpu.memory_space<vmem>>) target(%dma_start3A_117 : memref<10240x64xf32, #tpu.memory_space<vmem_shared>>) offsets(%arg9 : memref<128xi32, #tpu.memory_space<vmem>>) semaphore(%arg25 : memref<!tpu.dma_semaphore, #tpu.memory_space<semaphore_mem>>) {add = true}
      %add3A_118 = arith.constant 2 : i32
      %add3A_119 = arith.addi %add3A_92, %add3A_118 : i32
      %lt3A_120 = arith.constant 160 : i32
      %lt3A_121 = arith.cmpi slt, %add3A_119, %lt3A_120 : i32
      %convert_element_type3A_122 = arith.extui %lt3A_121 : i1 to i32
      %cond3A_123 = arith.constant 0 : i32
      %cond3A_124 = arith.cmpi ne, %convert_element_type3A_122, %cond3A_123 : i32
      scf.if %cond3A_124 {
        %add3A_193 = arith.constant 2 : i32
        %add3A_194 = arith.addi %add3A_92, %add3A_193 : i32
        %add3A_195 = arith.addi %mul3A_0, %add3A_194 : i32
        %mul3A_196 = arith.constant 128 : i32
        %mul3A_197 = arith.muli %add3A_195, %mul3A_196 : i32
        %dma_start3A_198 = tpu.memref_slice %arg3[%mul3A_197] : memref<327680xi32, #tpu.memory_space<hbm>> -> memref<128xi32, #tpu.memory_space<hbm>>
        %dma_start3A_199 = tpu.memref_slice %arg3[%mul3A_197] : memref<327680xi32, #tpu.memory_space<hbm>> -> memref<128xi32, #tpu.memory_space<hbm>>
        tpu.enqueue_dma source(%dma_start3A_199 : memref<128xi32, #tpu.memory_space<hbm>>) target(%arg12 : memref<128xi32, #tpu.memory_space<vmem>>) target_semaphore(%arg31 : memref<!tpu.dma_semaphore, #tpu.memory_space<semaphore_mem>>)
        %dma_start3A_200 = tpu.memref_slice %arg4[%mul3A_197] : memref<327680xi32, #tpu.memory_space<hbm>> -> memref<128xi32, #tpu.memory_space<hbm>>
        %dma_start3A_201 = tpu.memref_slice %arg4[%mul3A_197] : memref<327680xi32, #tpu.memory_space<hbm>> -> memref<128xi32, #tpu.memory_space<hbm>>
        tpu.enqueue_dma source(%dma_start3A_201 : memref<128xi32, #tpu.memory_space<hbm>>) target(%arg13 : memref<128xi32, #tpu.memory_space<vmem>>) target_semaphore(%arg31 : memref<!tpu.dma_semaphore, #tpu.memory_space<semaphore_mem>>)
      } else {
      }
      %add3A_125 = arith.constant 2 : i32
      %add3A_126 = arith.addi %mul3A_60, %add3A_125 : i32
      %dma_wait3A_127 = arith.constant 0 : i32
      %dma_wait3A_128 = arith.constant 0 : i32
      %dma_wait3A_129 = tpu.memref_slice %arg18[%dma_wait3A_127, %dma_wait3A_128] : memref<10240x64xf32, #tpu.memory_space<vmem_shared>> -> memref<10240x64xf32, #tpu.memory_space<vmem_shared>>
      tpu.wait_indirect_dma semaphore(%arg22 : memref<!tpu.dma_semaphore, #tpu.memory_space<semaphore_mem>>) src(%dma_wait3A_129 : memref<10240x64xf32, #tpu.memory_space<vmem_shared>>) dst(%arg16 : memref<128x64xf32, #tpu.memory_space<vmem>>)
      %add3A_130 = arith.constant 1 : i32
      %add3A_131 = arith.addi %add3A_126, %add3A_130 : i32
      %lt3A_132 = arith.constant 160 : i32
      %lt3A_133 = arith.cmpi slt, %add3A_131, %lt3A_132 : i32
      %convert_element_type3A_134 = arith.extui %lt3A_133 : i1 to i32
      %cond3A_135 = arith.constant 0 : i32
      %cond3A_136 = arith.cmpi ne, %convert_element_type3A_134, %cond3A_135 : i32
      scf.if %cond3A_136 {
        %add3A_193 = arith.constant 1 : i32
        %add3A_194 = arith.addi %add3A_126, %add3A_193 : i32
        %add3A_195 = arith.addi %mul3A_0, %add3A_194 : i32
        %mul3A_196 = arith.constant 128 : i32
        %mul3A_197 = arith.muli %add3A_195, %mul3A_196 : i32
        %dma_wait3A_198 = tpu.memref_slice %arg3[%mul3A_197] : memref<327680xi32, #tpu.memory_space<hbm>> -> memref<128xi32, #tpu.memory_space<hbm>>
        %dma_wait3A_199 = tpu.memref_slice %arg3[%mul3A_197] : memref<327680xi32, #tpu.memory_space<hbm>> -> memref<128xi32, #tpu.memory_space<hbm>>
        tpu.wait_dma2 semaphore(%arg31 : memref<!tpu.dma_semaphore, #tpu.memory_space<semaphore_mem>>) src(%dma_wait3A_199 : memref<128xi32, #tpu.memory_space<hbm>>) dst(%arg12 : memref<128xi32, #tpu.memory_space<vmem>>)
        %dma_wait3A_200 = tpu.memref_slice %arg4[%mul3A_197] : memref<327680xi32, #tpu.memory_space<hbm>> -> memref<128xi32, #tpu.memory_space<hbm>>
        %dma_wait3A_201 = tpu.memref_slice %arg4[%mul3A_197] : memref<327680xi32, #tpu.memory_space<hbm>> -> memref<128xi32, #tpu.memory_space<hbm>>
        tpu.wait_dma2 semaphore(%arg31 : memref<!tpu.dma_semaphore, #tpu.memory_space<semaphore_mem>>) src(%dma_wait3A_201 : memref<128xi32, #tpu.memory_space<hbm>>) dst(%arg13 : memref<128xi32, #tpu.memory_space<vmem>>)
      } else {
      }
      %ge3A_137 = arith.constant 2 : i32
      %ge3A_138 = arith.cmpi sge, %add3A_126, %ge3A_137 : i32
      %convert_element_type3A_139 = arith.extui %ge3A_138 : i1 to i32
      %cond3A_140 = arith.constant 0 : i32
      %cond3A_141 = arith.cmpi ne, %convert_element_type3A_139, %cond3A_140 : i32
      scf.if %cond3A_141 {
        %dma_wait3A_193 = arith.constant 0 : i32
        %dma_wait3A_194 = arith.constant 0 : i32
        %dma_wait3A_195 = tpu.memref_slice %arg19[%dma_wait3A_193, %dma_wait3A_194] : memref<10240x64xf32, #tpu.memory_space<vmem_shared>> -> memref<10240x64xf32, #tpu.memory_space<vmem_shared>>
        tpu.wait_indirect_dma semaphore(%arg24 : memref<!tpu.dma_semaphore, #tpu.memory_space<semaphore_mem>>) src(%arg14 : memref<128x64xf32, #tpu.memory_space<vmem>>) dst(%dma_wait3A_195 : memref<10240x64xf32, #tpu.memory_space<vmem_shared>>)
      } else {
      }
      %add3A_142 = arith.constant 1 : i32
      %add3A_143 = arith.addi %add3A_126, %add3A_142 : i32
      %lt3A_144 = arith.constant 160 : i32
      %lt3A_145 = arith.cmpi slt, %add3A_143, %lt3A_144 : i32
      %convert_element_type3A_146 = arith.extui %lt3A_145 : i1 to i32
      %cond3A_147 = arith.constant 0 : i32
      %cond3A_148 = arith.cmpi ne, %convert_element_type3A_146, %cond3A_147 : i32
      scf.if %cond3A_148 {
        %dma_start3A_193 = arith.constant 0 : i32
        %dma_start3A_194 = arith.constant 0 : i32
        %dma_start3A_195 = tpu.memref_slice %arg18[%dma_start3A_193, %dma_start3A_194] : memref<10240x64xf32, #tpu.memory_space<vmem_shared>> -> memref<10240x64xf32, #tpu.memory_space<vmem_shared>>
        tpu.enqueue_indirect_dma source(%dma_start3A_195 : memref<10240x64xf32, #tpu.memory_space<vmem_shared>>) target(%arg17 : memref<128x64xf32, #tpu.memory_space<vmem>>) offsets(%arg12 : memref<128xi32, #tpu.memory_space<vmem>>) semaphore(%arg23 : memref<!tpu.dma_semaphore, #tpu.memory_space<semaphore_mem>>)
      } else {
      }
      %dma_start3A_149 = arith.constant 0 : i32
      %dma_start3A_150 = arith.constant 0 : i32
      %dma_start3A_151 = tpu.memref_slice %arg19[%dma_start3A_149, %dma_start3A_150] : memref<10240x64xf32, #tpu.memory_space<vmem_shared>> -> memref<10240x64xf32, #tpu.memory_space<vmem_shared>>
      tpu.enqueue_indirect_dma source(%arg16 : memref<128x64xf32, #tpu.memory_space<vmem>>) target(%dma_start3A_151 : memref<10240x64xf32, #tpu.memory_space<vmem_shared>>) offsets(%arg11 : memref<128xi32, #tpu.memory_space<vmem>>) semaphore(%arg26 : memref<!tpu.dma_semaphore, #tpu.memory_space<semaphore_mem>>) {add = true}
      %add3A_152 = arith.constant 2 : i32
      %add3A_153 = arith.addi %add3A_126, %add3A_152 : i32
      %lt3A_154 = arith.constant 160 : i32
      %lt3A_155 = arith.cmpi slt, %add3A_153, %lt3A_154 : i32
      %convert_element_type3A_156 = arith.extui %lt3A_155 : i1 to i32
      %cond3A_157 = arith.constant 0 : i32
      %cond3A_158 = arith.cmpi ne, %convert_element_type3A_156, %cond3A_157 : i32
      scf.if %cond3A_158 {
        %add3A_193 = arith.constant 2 : i32
        %add3A_194 = arith.addi %add3A_126, %add3A_193 : i32
        %add3A_195 = arith.addi %mul3A_0, %add3A_194 : i32
        %mul3A_196 = arith.constant 128 : i32
        %mul3A_197 = arith.muli %add3A_195, %mul3A_196 : i32
        %dma_start3A_198 = tpu.memref_slice %arg3[%mul3A_197] : memref<327680xi32, #tpu.memory_space<hbm>> -> memref<128xi32, #tpu.memory_space<hbm>>
        %dma_start3A_199 = tpu.memref_slice %arg3[%mul3A_197] : memref<327680xi32, #tpu.memory_space<hbm>> -> memref<128xi32, #tpu.memory_space<hbm>>
        tpu.enqueue_dma source(%dma_start3A_199 : memref<128xi32, #tpu.memory_space<hbm>>) target(%arg6 : memref<128xi32, #tpu.memory_space<vmem>>) target_semaphore(%arg28 : memref<!tpu.dma_semaphore, #tpu.memory_space<semaphore_mem>>)
        %dma_start3A_200 = tpu.memref_slice %arg4[%mul3A_197] : memref<327680xi32, #tpu.memory_space<hbm>> -> memref<128xi32, #tpu.memory_space<hbm>>
        %dma_start3A_201 = tpu.memref_slice %arg4[%mul3A_197] : memref<327680xi32, #tpu.memory_space<hbm>> -> memref<128xi32, #tpu.memory_space<hbm>>
        tpu.enqueue_dma source(%dma_start3A_201 : memref<128xi32, #tpu.memory_space<hbm>>) target(%arg7 : memref<128xi32, #tpu.memory_space<vmem>>) target_semaphore(%arg28 : memref<!tpu.dma_semaphore, #tpu.memory_space<semaphore_mem>>)
      } else {
      }
      %add3A_159 = arith.constant 3 : i32
      %add3A_160 = arith.addi %mul3A_60, %add3A_159 : i32
      %dma_wait3A_161 = arith.constant 0 : i32
      %dma_wait3A_162 = arith.constant 0 : i32
      %dma_wait3A_163 = tpu.memref_slice %arg18[%dma_wait3A_161, %dma_wait3A_162] : memref<10240x64xf32, #tpu.memory_space<vmem_shared>> -> memref<10240x64xf32, #tpu.memory_space<vmem_shared>>
      tpu.wait_indirect_dma semaphore(%arg23 : memref<!tpu.dma_semaphore, #tpu.memory_space<semaphore_mem>>) src(%dma_wait3A_163 : memref<10240x64xf32, #tpu.memory_space<vmem_shared>>) dst(%arg17 : memref<128x64xf32, #tpu.memory_space<vmem>>)
      %add3A_164 = arith.constant 1 : i32
      %add3A_165 = arith.addi %add3A_160, %add3A_164 : i32
      %lt3A_166 = arith.constant 160 : i32
      %lt3A_167 = arith.cmpi slt, %add3A_165, %lt3A_166 : i32
      %convert_element_type3A_168 = arith.extui %lt3A_167 : i1 to i32
      %cond3A_169 = arith.constant 0 : i32
      %cond3A_170 = arith.cmpi ne, %convert_element_type3A_168, %cond3A_169 : i32
      scf.if %cond3A_170 {
        %add3A_193 = arith.constant 1 : i32
        %add3A_194 = arith.addi %add3A_160, %add3A_193 : i32
        %add3A_195 = arith.addi %mul3A_0, %add3A_194 : i32
        %mul3A_196 = arith.constant 128 : i32
        %mul3A_197 = arith.muli %add3A_195, %mul3A_196 : i32
        %dma_wait3A_198 = tpu.memref_slice %arg3[%mul3A_197] : memref<327680xi32, #tpu.memory_space<hbm>> -> memref<128xi32, #tpu.memory_space<hbm>>
        %dma_wait3A_199 = tpu.memref_slice %arg3[%mul3A_197] : memref<327680xi32, #tpu.memory_space<hbm>> -> memref<128xi32, #tpu.memory_space<hbm>>
        tpu.wait_dma2 semaphore(%arg28 : memref<!tpu.dma_semaphore, #tpu.memory_space<semaphore_mem>>) src(%dma_wait3A_199 : memref<128xi32, #tpu.memory_space<hbm>>) dst(%arg6 : memref<128xi32, #tpu.memory_space<vmem>>)
        %dma_wait3A_200 = tpu.memref_slice %arg4[%mul3A_197] : memref<327680xi32, #tpu.memory_space<hbm>> -> memref<128xi32, #tpu.memory_space<hbm>>
        %dma_wait3A_201 = tpu.memref_slice %arg4[%mul3A_197] : memref<327680xi32, #tpu.memory_space<hbm>> -> memref<128xi32, #tpu.memory_space<hbm>>
        tpu.wait_dma2 semaphore(%arg28 : memref<!tpu.dma_semaphore, #tpu.memory_space<semaphore_mem>>) src(%dma_wait3A_201 : memref<128xi32, #tpu.memory_space<hbm>>) dst(%arg7 : memref<128xi32, #tpu.memory_space<vmem>>)
      } else {
      }
      %ge3A_171 = arith.constant 2 : i32
      %ge3A_172 = arith.cmpi sge, %add3A_160, %ge3A_171 : i32
      %convert_element_type3A_173 = arith.extui %ge3A_172 : i1 to i32
      %cond3A_174 = arith.constant 0 : i32
      %cond3A_175 = arith.cmpi ne, %convert_element_type3A_173, %cond3A_174 : i32
      scf.if %cond3A_175 {
        %dma_wait3A_193 = arith.constant 0 : i32
        %dma_wait3A_194 = arith.constant 0 : i32
        %dma_wait3A_195 = tpu.memref_slice %arg19[%dma_wait3A_193, %dma_wait3A_194] : memref<10240x64xf32, #tpu.memory_space<vmem_shared>> -> memref<10240x64xf32, #tpu.memory_space<vmem_shared>>
        tpu.wait_indirect_dma semaphore(%arg25 : memref<!tpu.dma_semaphore, #tpu.memory_space<semaphore_mem>>) src(%arg15 : memref<128x64xf32, #tpu.memory_space<vmem>>) dst(%dma_wait3A_195 : memref<10240x64xf32, #tpu.memory_space<vmem_shared>>)
      } else {
      }
      %add3A_176 = arith.constant 1 : i32
      %add3A_177 = arith.addi %add3A_160, %add3A_176 : i32
      %lt3A_178 = arith.constant 160 : i32
      %lt3A_179 = arith.cmpi slt, %add3A_177, %lt3A_178 : i32
      %convert_element_type3A_180 = arith.extui %lt3A_179 : i1 to i32
      %cond3A_181 = arith.constant 0 : i32
      %cond3A_182 = arith.cmpi ne, %convert_element_type3A_180, %cond3A_181 : i32
      scf.if %cond3A_182 {
        %dma_start3A_193 = arith.constant 0 : i32
        %dma_start3A_194 = arith.constant 0 : i32
        %dma_start3A_195 = tpu.memref_slice %arg18[%dma_start3A_193, %dma_start3A_194] : memref<10240x64xf32, #tpu.memory_space<vmem_shared>> -> memref<10240x64xf32, #tpu.memory_space<vmem_shared>>
        tpu.enqueue_indirect_dma source(%dma_start3A_195 : memref<10240x64xf32, #tpu.memory_space<vmem_shared>>) target(%arg14 : memref<128x64xf32, #tpu.memory_space<vmem>>) offsets(%arg6 : memref<128xi32, #tpu.memory_space<vmem>>) semaphore(%arg20 : memref<!tpu.dma_semaphore, #tpu.memory_space<semaphore_mem>>)
      } else {
      }
      %dma_start3A_183 = arith.constant 0 : i32
      %dma_start3A_184 = arith.constant 0 : i32
      %dma_start3A_185 = tpu.memref_slice %arg19[%dma_start3A_183, %dma_start3A_184] : memref<10240x64xf32, #tpu.memory_space<vmem_shared>> -> memref<10240x64xf32, #tpu.memory_space<vmem_shared>>
      tpu.enqueue_indirect_dma source(%arg17 : memref<128x64xf32, #tpu.memory_space<vmem>>) target(%dma_start3A_185 : memref<10240x64xf32, #tpu.memory_space<vmem_shared>>) offsets(%arg13 : memref<128xi32, #tpu.memory_space<vmem>>) semaphore(%arg27 : memref<!tpu.dma_semaphore, #tpu.memory_space<semaphore_mem>>) {add = true}
      %add3A_186 = arith.constant 2 : i32
      %add3A_187 = arith.addi %add3A_160, %add3A_186 : i32
      %lt3A_188 = arith.constant 160 : i32
      %lt3A_189 = arith.cmpi slt, %add3A_187, %lt3A_188 : i32
      %convert_element_type3A_190 = arith.extui %lt3A_189 : i1 to i32
      %cond3A_191 = arith.constant 0 : i32
      %cond3A_192 = arith.cmpi ne, %convert_element_type3A_190, %cond3A_191 : i32
      scf.if %cond3A_192 {
        %add3A_193 = arith.constant 2 : i32
        %add3A_194 = arith.addi %add3A_160, %add3A_193 : i32
        %add3A_195 = arith.addi %mul3A_0, %add3A_194 : i32
        %mul3A_196 = arith.constant 128 : i32
        %mul3A_197 = arith.muli %add3A_195, %mul3A_196 : i32
        %dma_start3A_198 = tpu.memref_slice %arg3[%mul3A_197] : memref<327680xi32, #tpu.memory_space<hbm>> -> memref<128xi32, #tpu.memory_space<hbm>>
        %dma_start3A_199 = tpu.memref_slice %arg3[%mul3A_197] : memref<327680xi32, #tpu.memory_space<hbm>> -> memref<128xi32, #tpu.memory_space<hbm>>
        tpu.enqueue_dma source(%dma_start3A_199 : memref<128xi32, #tpu.memory_space<hbm>>) target(%arg8 : memref<128xi32, #tpu.memory_space<vmem>>) target_semaphore(%arg29 : memref<!tpu.dma_semaphore, #tpu.memory_space<semaphore_mem>>)
        %dma_start3A_200 = tpu.memref_slice %arg4[%mul3A_197] : memref<327680xi32, #tpu.memory_space<hbm>> -> memref<128xi32, #tpu.memory_space<hbm>>
        %dma_start3A_201 = tpu.memref_slice %arg4[%mul3A_197] : memref<327680xi32, #tpu.memory_space<hbm>> -> memref<128xi32, #tpu.memory_space<hbm>>
        tpu.enqueue_dma source(%dma_start3A_201 : memref<128xi32, #tpu.memory_space<hbm>>) target(%arg9 : memref<128xi32, #tpu.memory_space<vmem>>) target_semaphore(%arg29 : memref<!tpu.dma_semaphore, #tpu.memory_space<semaphore_mem>>)
      } else {
      }
    }
    %scan3A_44 = arith.constant 40 : i32
    %dma_wait3A_45 = arith.constant 0 : i32
    %dma_wait3A_46 = arith.constant 0 : i32
    %dma_wait3A_47 = tpu.memref_slice %arg19[%dma_wait3A_45, %dma_wait3A_46] : memref<10240x64xf32, #tpu.memory_space<vmem_shared>> -> memref<10240x64xf32, #tpu.memory_space<vmem_shared>>
    tpu.wait_indirect_dma semaphore(%arg26 : memref<!tpu.dma_semaphore, #tpu.memory_space<semaphore_mem>>) src(%arg16 : memref<128x64xf32, #tpu.memory_space<vmem>>) dst(%dma_wait3A_47 : memref<10240x64xf32, #tpu.memory_space<vmem_shared>>)
    %dma_wait3A_48 = arith.constant 0 : i32
    %dma_wait3A_49 = arith.constant 0 : i32
    %dma_wait3A_50 = tpu.memref_slice %arg19[%dma_wait3A_48, %dma_wait3A_49] : memref<10240x64xf32, #tpu.memory_space<vmem_shared>> -> memref<10240x64xf32, #tpu.memory_space<vmem_shared>>
    tpu.wait_indirect_dma semaphore(%arg27 : memref<!tpu.dma_semaphore, #tpu.memory_space<semaphore_mem>>) src(%arg17 : memref<128x64xf32, #tpu.memory_space<vmem>>) dst(%dma_wait3A_50 : memref<10240x64xf32, #tpu.memory_space<vmem_shared>>)
    %barrier3A_51 = arith.constant 0 : index
    tpu.barrier barrier_id(%barrier3A_51)
    %mul3A_52 = arith.constant 640 : i32
    %mul3A_53 = arith.muli %arg1, %mul3A_52 : i32
    %mul3A_54 = arith.constant 640 : i32
    %mul3A_55 = arith.muli %arg1, %mul3A_54 : i32
    %mul3A_56 = arith.constant 64 : i32
    %mul3A_57 = arith.muli %arg0, %mul3A_56 : i32
    "tpu.region"() ({
      %run_scoped3A = tpu.sem_alloc : memref<!tpu.dma_semaphore, #tpu.memory_space<semaphore_mem>>
      %dma_start3A_58 = tpu.memref_slice %arg5[%mul3A_55, %mul3A_57] : memref<10240x128xf32, #tpu.memory_space<hbm>> -> memref<640x64xf32, #tpu.memory_space<hbm>>
      %dma_start3A_59 = arith.constant 0 : i32
      %dma_start3A_60 = tpu.memref_slice %arg19[%mul3A_53, %dma_start3A_59] : memref<10240x64xf32, #tpu.memory_space<vmem_shared>> -> memref<640x64xf32, #tpu.memory_space<vmem_shared>>
      tpu.enqueue_dma source(%dma_start3A_60 : memref<640x64xf32, #tpu.memory_space<vmem_shared>>) target(%dma_start3A_58 : memref<640x64xf32, #tpu.memory_space<hbm>>) target_semaphore(%run_scoped3A : memref<!tpu.dma_semaphore, #tpu.memory_space<semaphore_mem>>)
      %dma_wait3A_61 = tpu.memref_slice %arg5[%mul3A_55, %mul3A_57] : memref<10240x128xf32, #tpu.memory_space<hbm>> -> memref<640x64xf32, #tpu.memory_space<hbm>>
      %dma_wait3A_62 = arith.constant 0 : i32
      %dma_wait3A_63 = tpu.memref_slice %arg19[%mul3A_53, %dma_wait3A_62] : memref<10240x64xf32, #tpu.memory_space<vmem_shared>> -> memref<640x64xf32, #tpu.memory_space<vmem_shared>>
      tpu.wait_dma2 semaphore(%run_scoped3A : memref<!tpu.dma_semaphore, #tpu.memory_space<semaphore_mem>>) src(%dma_wait3A_63 : memref<640x64xf32, #tpu.memory_space<vmem_shared>>) dst(%dma_wait3A_61 : memref<640x64xf32, #tpu.memory_space<hbm>>)
      tpu.yield
    }) : () -> ()
    return
  }
}

#map = affine_map<(d0, d1) -> (0, 0)>
#map1 = affine_map<(d0, d1) -> (0)>
module attributes {stable_mosaic.version = 14 : i64} {
  func.func @_sc_scatter_body(%arg0: i32, %arg1: i32, %arg2: memref<10240x128xf32, #tpu.memory_space<hbm>>, %arg3: memref<327680xi32, #tpu.memory_space<hbm>>, %arg4: memref<327680xi32, #tpu.memory_space<hbm>>, %arg5: memref<10240x128xf32, #tpu.memory_space<hbm>>, %arg6: memref<128xi32, #tpu.memory_space<vmem>>, %arg7: memref<128xi32, #tpu.memory_space<vmem>>, %arg8: memref<128xi32, #tpu.memory_space<vmem>>, %arg9: memref<128xi32, #tpu.memory_space<vmem>>, %arg10: memref<128xi32, #tpu.memory_space<vmem>>, %arg11: memref<128xi32, #tpu.memory_space<vmem>>, %arg12: memref<128xi32, #tpu.memory_space<vmem>>, %arg13: memref<128xi32, #tpu.memory_space<vmem>>, %arg14: memref<128x64xf32, #tpu.memory_space<vmem>>, %arg15: memref<128x64xf32, #tpu.memory_space<vmem>>, %arg16: memref<128x64xf32, #tpu.memory_space<vmem>>, %arg17: memref<128x64xf32, #tpu.memory_space<vmem>>, %arg18: memref<10240x64xf32, #tpu.memory_space<vmem_shared>>, %arg19: memref<10240x64xf32, #tpu.memory_space<vmem_shared>>, %arg20: memref<!tpu.dma_semaphore, #tpu.memory_space<semaphore_mem>>, %arg21: memref<!tpu.dma_semaphore, #tpu.memory_space<semaphore_mem>>, %arg22: memref<!tpu.dma_semaphore, #tpu.memory_space<semaphore_mem>>, %arg23: memref<!tpu.dma_semaphore, #tpu.memory_space<semaphore_mem>>, %arg24: memref<!tpu.dma_semaphore, #tpu.memory_space<semaphore_mem>>, %arg25: memref<!tpu.dma_semaphore, #tpu.memory_space<semaphore_mem>>, %arg26: memref<!tpu.dma_semaphore, #tpu.memory_space<semaphore_mem>>, %arg27: memref<!tpu.dma_semaphore, #tpu.memory_space<semaphore_mem>>, %arg28: memref<!tpu.dma_semaphore, #tpu.memory_space<semaphore_mem>>, %arg29: memref<!tpu.dma_semaphore, #tpu.memory_space<semaphore_mem>>, %arg30: memref<!tpu.dma_semaphore, #tpu.memory_space<semaphore_mem>>, %arg31: memref<!tpu.dma_semaphore, #tpu.memory_space<semaphore_mem>>) attributes {dimension_semantics = [#tpu.dimension_semantics<core_parallel>, #tpu.dimension_semantics<subcore_parallel>], iteration_bounds = array<i64: 2, 16>, scalar_prefetch = 0 : i64, scratch_operands = 26 : i64, tpu.core_type = #tpu.core_type<sc_vector_subcore>, window_params = [{transform_indices = #map}, {transform_indices = #map1}, {transform_indices = #map1}, {transform_indices = #map}]} {
    %mul3A = arith.constant 160 : i32
    %mul3A_0 = arith.muli %arg1, %mul3A : i32
    %mul3A_1 = arith.constant 640 : i32
    %mul3A_2 = arith.muli %arg1, %mul3A_1 : i32
    %mul3A_3 = arith.constant 64 : i32
    %mul3A_4 = arith.muli %arg0, %mul3A_3 : i32
    %mul3A_5 = arith.constant 640 : i32
    %mul3A_6 = arith.muli %arg1, %mul3A_5 : i32
    "tpu.region"() ({
      %run_scoped3A = tpu.sem_alloc : memref<!tpu.dma_semaphore, #tpu.memory_space<semaphore_mem>>
      %dma_start3A_58 = arith.constant 0 : i32
      %dma_start3A_59 = tpu.memref_slice %arg18[%mul3A_6, %dma_start3A_58] : memref<10240x64xf32, #tpu.memory_space<vmem_shared>> -> memref<640x64xf32, #tpu.memory_space<vmem_shared>>
      %dma_start3A_60 = tpu.memref_slice %arg2[%mul3A_2, %mul3A_4] : memref<10240x128xf32, #tpu.memory_space<hbm>> -> memref<640x64xf32, #tpu.memory_space<hbm>>
      tpu.enqueue_dma source(%dma_start3A_60 : memref<640x64xf32, #tpu.memory_space<hbm>>) target(%dma_start3A_59 : memref<640x64xf32, #tpu.memory_space<vmem_shared>>) target_semaphore(%run_scoped3A : memref<!tpu.dma_semaphore, #tpu.memory_space<semaphore_mem>>)
      %dma_wait3A_61 = arith.constant 0 : i32
      %dma_wait3A_62 = tpu.memref_slice %arg18[%mul3A_6, %dma_wait3A_61] : memref<10240x64xf32, #tpu.memory_space<vmem_shared>> -> memref<640x64xf32, #tpu.memory_space<vmem_shared>>
      %dma_wait3A_63 = tpu.memref_slice %arg2[%mul3A_2, %mul3A_4] : memref<10240x128xf32, #tpu.memory_space<hbm>> -> memref<640x64xf32, #tpu.memory_space<hbm>>
      tpu.wait_dma2 semaphore(%run_scoped3A : memref<!tpu.dma_semaphore, #tpu.memory_space<semaphore_mem>>) src(%dma_wait3A_63 : memref<640x64xf32, #tpu.memory_space<hbm>>) dst(%dma_wait3A_62 : memref<640x64xf32, #tpu.memory_space<vmem_shared>>)
      tpu.yield
    }) : () -> ()
    %scan3A = arith.constant 0 : i32
    %scan3A_7 = arith.constant 128 : i32
    %scan3A_8 = arith.addi %scan3A, %scan3A_7 : i32
    %scan3A_9 = arith.constant 1 : i32
    scf.for %scan3A_58 = %scan3A to %scan3A_8 step %scan3A_9  : i32 {
      %scan3A_59 = arith.constant 0 : i32
      %scan3A_60 = arith.constant 4 : i32
      %scan3A_61 = arith.addi %scan3A_59, %scan3A_60 : i32
      %scan3A_62 = arith.constant 1 : i32
      scf.for %scan3A_64 = %scan3A_59 to %scan3A_61 step %scan3A_62  : i32 {
        %broadcast_in_dim3A = arith.constant 0.000000e+00 : f32
        %broadcast_in_dim3A_65 = vector.broadcast %broadcast_in_dim3A : f32 to vector<16xf32>
        %mul3A_66 = arith.constant 16 : i32
        %mul3A_67 = arith.muli %scan3A_64, %mul3A_66 : i32
        %swap3A = arith.index_cast %scan3A_58 : i32 to index
        %swap3A_68 = arith.index_cast %mul3A_67 : i32 to index
        %swap3A_69 = tpu.vector_load %arg14[%swap3A, %swap3A_68] {strides = array<i32>} : memref<128x64xf32, #tpu.memory_space<vmem>>, vector<1x16xf32>,
        %swap3A_70 = vector.shape_cast %swap3A_69 : vector<1x16xf32> to vector<16xf32>
        %swap3A_71 = vector.shape_cast %broadcast_in_dim3A_65 : vector<16xf32> to vector<1x16xf32>
        tpu.vector_store %arg14[%swap3A, %swap3A_68], %swap3A_71 {strides = array<i32>} : memref<128x64xf32, #tpu.memory_space<vmem>>, vector<1x16xf32>,
      }
      %scan3A_63 = arith.constant 4 : i32
    }
    %scan3A_10 = arith.constant 128 : i32
    %scan3A_11 = arith.constant 0 : i32
    %scan3A_12 = arith.constant 5 : i32
    %scan3A_13 = arith.addi %scan3A_11, %scan3A_12 : i32
    %scan3A_14 = arith.constant 1 : i32
    scf.for %scan3A_58 = %scan3A_11 to %scan3A_13 step %scan3A_14  : i32 {
      %mul3A_59 = arith.constant 640 : i32
      %mul3A_60 = arith.muli %arg1, %mul3A_59 : i32
      %mul3A_61 = arith.constant 128 : i32
      %mul3A_62 = arith.muli %scan3A_58, %mul3A_61 : i32
      %add3A_63 = arith.addi %mul3A_60, %mul3A_62 : i32
      "tpu.region"() ({
        %run_scoped3A = tpu.sem_alloc : memref<!tpu.dma_semaphore, #tpu.memory_space<semaphore_mem>>
        %dma_start3A_64 = arith.constant 0 : i32
        %dma_start3A_65 = tpu.memref_slice %arg19[%add3A_63, %dma_start3A_64] : memref<10240x64xf32, #tpu.memory_space<vmem_shared>> -> memref<128x64xf32, #tpu.memory_space<vmem_shared>>
        %dma_start3A_66 = arith.constant 0 : i32
        %dma_start3A_67 = tpu.memref_slice %arg19[%add3A_63, %dma_start3A_66] : memref<10240x64xf32, #tpu.memory_space<vmem_shared>> -> memref<128x64xf32, #tpu.memory_space<vmem_shared>>
        tpu.enqueue_dma source(%arg14 : memref<128x64xf32, #tpu.memory_space<vmem>>) target(%dma_start3A_67 : memref<128x64xf32, #tpu.memory_space<vmem_shared>>) target_semaphore(%run_scoped3A : memref<!tpu.dma_semaphore, #tpu.memory_space<semaphore_mem>>)
        %dma_wait3A_68 = arith.constant 0 : i32
        %dma_wait3A_69 = tpu.memref_slice %arg19[%add3A_63, %dma_wait3A_68] : memref<10240x64xf32, #tpu.memory_space<vmem_shared>> -> memref<128x64xf32, #tpu.memory_space<vmem_shared>>
        %dma_wait3A_70 = arith.constant 0 : i32
        %dma_wait3A_71 = tpu.memref_slice %arg19[%add3A_63, %dma_wait3A_70] : memref<10240x64xf32, #tpu.memory_space<vmem_shared>> -> memref<128x64xf32, #tpu.memory_space<vmem_shared>>
        tpu.wait_dma2 semaphore(%run_scoped3A : memref<!tpu.dma_semaphore, #tpu.memory_space<semaphore_mem>>) src(%arg14 : memref<128x64xf32, #tpu.memory_space<vmem>>) dst(%dma_wait3A_71 : memref<128x64xf32, #tpu.memory_space<vmem_shared>>)
        tpu.yield
      }) : () -> ()
    }
    %scan3A_15 = arith.constant 5 : i32
    %barrier3A = arith.constant 0 : index
    tpu.barrier barrier_id(%barrier3A)
    %add3A = arith.constant 0 : i32
    %add3A_16 = arith.addi %mul3A_0, %add3A : i32
    %mul3A_17 = arith.constant 128 : i32
    %mul3A_18 = arith.muli %add3A_16, %mul3A_17 : i32
    %dma_start3A = tpu.memref_slice %arg3[%mul3A_18] : memref<327680xi32, #tpu.memory_space<hbm>> -> memref<128xi32, #tpu.memory_space<hbm>>
    %dma_start3A_19 = tpu.memref_slice %arg3[%mul3A_18] : memref<327680xi32, #tpu.memory_space<hbm>> -> memref<128xi32, #tpu.memory_space<hbm>>
    tpu.enqueue_dma source(%dma_start3A_19 : memref<128xi32, #tpu.memory_space<hbm>>) target(%arg6 : memref<128xi32, #tpu.memory_space<vmem>>) target_semaphore(%arg28 : memref<!tpu.dma_semaphore, #tpu.memory_space<semaphore_mem>>)
    %dma_start3A_20 = tpu.memref_slice %arg4[%mul3A_18] : memref<327680xi32, #tpu.memory_space<hbm>> -> memref<128xi32, #tpu.memory_space<hbm>>
    %dma_start3A_21 = tpu.memref_slice %arg4[%mul3A_18] : memref<327680xi32, #tpu.memory_space<hbm>> -> memref<128xi32, #tpu.memory_space<hbm>>
    tpu.enqueue_dma source(%dma_start3A_21 : memref<128xi32, #tpu.memory_space<hbm>>) target(%arg7 : memref<128xi32, #tpu.memory_space<vmem>>) target_semaphore(%arg28 : memref<!tpu.dma_semaphore, #tpu.memory_space<semaphore_mem>>)
    %add3A_22 = arith.constant 1 : i32
    %add3A_23 = arith.addi %mul3A_0, %add3A_22 : i32
    %mul3A_24 = arith.constant 128 : i32
    %mul3A_25 = arith.muli %add3A_23, %mul3A_24 : i32
    %dma_start3A_26 = tpu.memref_slice %arg3[%mul3A_25] : memref<327680xi32, #tpu.memory_space<hbm>> -> memref<128xi32, #tpu.memory_space<hbm>>
    %dma_start3A_27 = tpu.memref_slice %arg3[%mul3A_25] : memref<327680xi32, #tpu.memory_space<hbm>> -> memref<128xi32, #tpu.memory_space<hbm>>
    tpu.enqueue_dma source(%dma_start3A_27 : memref<128xi32, #tpu.memory_space<hbm>>) target(%arg8 : memref<128xi32, #tpu.memory_space<vmem>>) target_semaphore(%arg29 : memref<!tpu.dma_semaphore, #tpu.memory_space<semaphore_mem>>)
    %dma_start3A_28 = tpu.memref_slice %arg4[%mul3A_25] : memref<327680xi32, #tpu.memory_space<hbm>> -> memref<128xi32, #tpu.memory_space<hbm>>
    %dma_start3A_29 = tpu.memref_slice %arg4[%mul3A_25] : memref<327680xi32, #tpu.memory_space<hbm>> -> memref<128xi32, #tpu.memory_space<hbm>>
    tpu.enqueue_dma source(%dma_start3A_29 : memref<128xi32, #tpu.memory_space<hbm>>) target(%arg9 : memref<128xi32, #tpu.memory_space<vmem>>) target_semaphore(%arg29 : memref<!tpu.dma_semaphore, #tpu.memory_space<semaphore_mem>>)
    %add3A_30 = arith.constant 0 : i32
    %add3A_31 = arith.addi %mul3A_0, %add3A_30 : i32
    %mul3A_32 = arith.constant 128 : i32
    %mul3A_33 = arith.muli %add3A_31, %mul3A_32 : i32
    %dma_wait3A = tpu.memref_slice %arg3[%mul3A_33] : memref<327680xi32, #tpu.memory_space<hbm>> -> memref<128xi32, #tpu.memory_space<hbm>>
    %dma_wait3A_34 = tpu.memref_slice %arg3[%mul3A_33] : memref<327680xi32, #tpu.memory_space<hbm>> -> memref<128xi32, #tpu.memory_space<hbm>>
    tpu.wait_dma2 semaphore(%arg28 : memref<!tpu.dma_semaphore, #tpu.memory_space<semaphore_mem>>) src(%dma_wait3A_34 : memref<128xi32, #tpu.memory_space<hbm>>) dst(%arg6 : memref<128xi32, #tpu.memory_space<vmem>>)
    %dma_wait3A_35 = tpu.memref_slice %arg4[%mul3A_33] : memref<327680xi32, #tpu.memory_space<hbm>> -> memref<128xi32, #tpu.memory_space<hbm>>
    %dma_wait3A_36 = tpu.memref_slice %arg4[%mul3A_33] : memref<327680xi32, #tpu.memory_space<hbm>> -> memref<128xi32, #tpu.memory_space<hbm>>
    tpu.wait_dma2 semaphore(%arg28 : memref<!tpu.dma_semaphore, #tpu.memory_space<semaphore_mem>>) src(%dma_wait3A_36 : memref<128xi32, #tpu.memory_space<hbm>>) dst(%arg7 : memref<128xi32, #tpu.memory_space<vmem>>)
    %dma_start3A_37 = arith.constant 0 : i32
    %dma_start3A_38 = arith.constant 0 : i32
    %dma_start3A_39 = tpu.memref_slice %arg18[%dma_start3A_37, %dma_start3A_38] : memref<10240x64xf32, #tpu.memory_space<vmem_shared>> -> memref<10240x64xf32, #tpu.memory_space<vmem_shared>>
    tpu.enqueue_indirect_dma source(%dma_start3A_39 : memref<10240x64xf32, #tpu.memory_space<vmem_shared>>) target(%arg14 : memref<128x64xf32, #tpu.memory_space<vmem>>) offsets(%arg6 : memref<128xi32, #tpu.memory_space<vmem>>) semaphore(%arg20 : memref<!tpu.dma_semaphore, #tpu.memory_space<semaphore_mem>>)
    %scan3A_40 = arith.constant 0 : i32
    %scan3A_41 = arith.constant 40 : i32
    %scan3A_42 = arith.addi %scan3A_40, %scan3A_41 : i32
    %scan3A_43 = arith.constant 1 : i32
    scf.for %scan3A_58 = %scan3A_40 to %scan3A_42 step %scan3A_43  : i32 {
      %mul3A_59 = arith.constant 4 : i32
      %mul3A_60 = arith.muli %mul3A_59, %scan3A_58 : i32
      %add3A_61 = arith.constant 0 : i32
      %add3A_62 = arith.addi %mul3A_60, %add3A_61 : i32
      %dma_wait3A_63 = arith.constant 0 : i32
      %dma_wait3A_64 = arith.constant 0 : i32
      %dma_wait3A_65 = tpu.memref_slice %arg18[%dma_wait3A_63, %dma_wait3A_64] : memref<10240x64xf32, #tpu.memory_space<vmem_shared>> -> memref<10240x64xf32, #tpu.memory_space<vmem_shared>>
      tpu.wait_indirect_dma semaphore(%arg20 : memref<!tpu.dma_semaphore, #tpu.memory_space<semaphore_mem>>) src(%dma_wait3A_65 : memref<10240x64xf32, #tpu.memory_space<vmem_shared>>) dst(%arg14 : memref<128x64xf32, #tpu.memory_space<vmem>>)
      %add3A_66 = arith.constant 1 : i32
      %add3A_67 = arith.addi %add3A_62, %add3A_66 : i32
      %lt3A = arith.constant 160 : i32
      %lt3A_68 = arith.cmpi slt, %add3A_67, %lt3A : i32
      %convert_element_type3A = arith.extui %lt3A_68 : i1 to i32
      %cond3A = arith.constant 0 : i32
      %cond3A_69 = arith.cmpi ne, %convert_element_type3A, %cond3A : i32
      scf.if %cond3A_69 {
        %add3A_193 = arith.constant 1 : i32
        %add3A_194 = arith.addi %add3A_62, %add3A_193 : i32
        %add3A_195 = arith.addi %mul3A_0, %add3A_194 : i32
        %mul3A_196 = arith.constant 128 : i32
        %mul3A_197 = arith.muli %add3A_195, %mul3A_196 : i32
        %dma_wait3A_198 = tpu.memref_slice %arg3[%mul3A_197] : memref<327680xi32, #tpu.memory_space<hbm>> -> memref<128xi32, #tpu.memory_space<hbm>>
        %dma_wait3A_199 = tpu.memref_slice %arg3[%mul3A_197] : memref<327680xi32, #tpu.memory_space<hbm>> -> memref<128xi32, #tpu.memory_space<hbm>>
        tpu.wait_dma2 semaphore(%arg29 : memref<!tpu.dma_semaphore, #tpu.memory_space<semaphore_mem>>) src(%dma_wait3A_199 : memref<128xi32, #tpu.memory_space<hbm>>) dst(%arg8 : memref<128xi32, #tpu.memory_space<vmem>>)
        %dma_wait3A_200 = tpu.memref_slice %arg4[%mul3A_197] : memref<327680xi32, #tpu.memory_space<hbm>> -> memref<128xi32, #tpu.memory_space<hbm>>
        %dma_wait3A_201 = tpu.memref_slice %arg4[%mul3A_197] : memref<327680xi32, #tpu.memory_space<hbm>> -> memref<128xi32, #tpu.memory_space<hbm>>
        tpu.wait_dma2 semaphore(%arg29 : memref<!tpu.dma_semaphore, #tpu.memory_space<semaphore_mem>>) src(%dma_wait3A_201 : memref<128xi32, #tpu.memory_space<hbm>>) dst(%arg9 : memref<128xi32, #tpu.memory_space<vmem>>)
      } else {
      }
      %ge3A = arith.constant 2 : i32
      %ge3A_70 = arith.cmpi sge, %add3A_62, %ge3A : i32
      %convert_element_type3A_71 = arith.extui %ge3A_70 : i1 to i32
      %cond3A_72 = arith.constant 0 : i32
      %cond3A_73 = arith.cmpi ne, %convert_element_type3A_71, %cond3A_72 : i32
      scf.if %cond3A_73 {
        %dma_wait3A_193 = arith.constant 0 : i32
        %dma_wait3A_194 = arith.constant 0 : i32
        %dma_wait3A_195 = tpu.memref_slice %arg19[%dma_wait3A_193, %dma_wait3A_194] : memref<10240x64xf32, #tpu.memory_space<vmem_shared>> -> memref<10240x64xf32, #tpu.memory_space<vmem_shared>>
        tpu.wait_indirect_dma semaphore(%arg26 : memref<!tpu.dma_semaphore, #tpu.memory_space<semaphore_mem>>) src(%arg16 : memref<128x64xf32, #tpu.memory_space<vmem>>) dst(%dma_wait3A_195 : memref<10240x64xf32, #tpu.memory_space<vmem_shared>>)
      } else {
      }
      %add3A_74 = arith.constant 1 : i32
      %add3A_75 = arith.addi %add3A_62, %add3A_74 : i32
      %lt3A_76 = arith.constant 160 : i32
      %lt3A_77 = arith.cmpi slt, %add3A_75, %lt3A_76 : i32
      %convert_element_type3A_78 = arith.extui %lt3A_77 : i1 to i32
      %cond3A_79 = arith.constant 0 : i32
      %cond3A_80 = arith.cmpi ne, %convert_element_type3A_78, %cond3A_79 : i32
      scf.if %cond3A_80 {
        %dma_start3A_193 = arith.constant 0 : i32
        %dma_start3A_194 = arith.constant 0 : i32
        %dma_start3A_195 = tpu.memref_slice %arg18[%dma_start3A_193, %dma_start3A_194] : memref<10240x64xf32, #tpu.memory_space<vmem_shared>> -> memref<10240x64xf32, #tpu.memory_space<vmem_shared>>
        tpu.enqueue_indirect_dma source(%dma_start3A_195 : memref<10240x64xf32, #tpu.memory_space<vmem_shared>>) target(%arg15 : memref<128x64xf32, #tpu.memory_space<vmem>>) offsets(%arg8 : memref<128xi32, #tpu.memory_space<vmem>>) semaphore(%arg21 : memref<!tpu.dma_semaphore, #tpu.memory_space<semaphore_mem>>)
      } else {
      }
      %dma_start3A_81 = arith.constant 0 : i32
      %dma_start3A_82 = arith.constant 0 : i32
      %dma_start3A_83 = tpu.memref_slice %arg19[%dma_start3A_81, %dma_start3A_82] : memref<10240x64xf32, #tpu.memory_space<vmem_shared>> -> memref<10240x64xf32, #tpu.memory_space<vmem_shared>>
      tpu.enqueue_indirect_dma source(%arg14 : memref<128x64xf32, #tpu.memory_space<vmem>>) target(%dma_start3A_83 : memref<10240x64xf32, #tpu.memory_space<vmem_shared>>) offsets(%arg7 : memref<128xi32, #tpu.memory_space<vmem>>) semaphore(%arg24 : memref<!tpu.dma_semaphore, #tpu.memory_space<semaphore_mem>>) {add = true}
      %add3A_84 = arith.constant 2 : i32
      %add3A_85 = arith.addi %add3A_62, %add3A_84 : i32
      %lt3A_86 = arith.constant 160 : i32
      %lt3A_87 = arith.cmpi slt, %add3A_85, %lt3A_86 : i32
      %convert_element_type3A_88 = arith.extui %lt3A_87 : i1 to i32
      %cond3A_89 = arith.constant 0 : i32
      %cond3A_90 = arith.cmpi ne, %convert_element_type3A_88, %cond3A_89 : i32
      scf.if %cond3A_90 {
        %add3A_193 = arith.constant 2 : i32
        %add3A_194 = arith.addi %add3A_62, %add3A_193 : i32
        %add3A_195 = arith.addi %mul3A_0, %add3A_194 : i32
        %mul3A_196 = arith.constant 128 : i32
        %mul3A_197 = arith.muli %add3A_195, %mul3A_196 : i32
        %dma_start3A_198 = tpu.memref_slice %arg3[%mul3A_197] : memref<327680xi32, #tpu.memory_space<hbm>> -> memref<128xi32, #tpu.memory_space<hbm>>
        %dma_start3A_199 = tpu.memref_slice %arg3[%mul3A_197] : memref<327680xi32, #tpu.memory_space<hbm>> -> memref<128xi32, #tpu.memory_space<hbm>>
        tpu.enqueue_dma source(%dma_start3A_199 : memref<128xi32, #tpu.memory_space<hbm>>) target(%arg10 : memref<128xi32, #tpu.memory_space<vmem>>) target_semaphore(%arg30 : memref<!tpu.dma_semaphore, #tpu.memory_space<semaphore_mem>>)
        %dma_start3A_200 = tpu.memref_slice %arg4[%mul3A_197] : memref<327680xi32, #tpu.memory_space<hbm>> -> memref<128xi32, #tpu.memory_space<hbm>>
        %dma_start3A_201 = tpu.memref_slice %arg4[%mul3A_197] : memref<327680xi32, #tpu.memory_space<hbm>> -> memref<128xi32, #tpu.memory_space<hbm>>
        tpu.enqueue_dma source(%dma_start3A_201 : memref<128xi32, #tpu.memory_space<hbm>>) target(%arg11 : memref<128xi32, #tpu.memory_space<vmem>>) target_semaphore(%arg30 : memref<!tpu.dma_semaphore, #tpu.memory_space<semaphore_mem>>)
      } else {
      }
      %add3A_91 = arith.constant 1 : i32
      %add3A_92 = arith.addi %mul3A_60, %add3A_91 : i32
      %dma_wait3A_93 = arith.constant 0 : i32
      %dma_wait3A_94 = arith.constant 0 : i32
      %dma_wait3A_95 = tpu.memref_slice %arg18[%dma_wait3A_93, %dma_wait3A_94] : memref<10240x64xf32, #tpu.memory_space<vmem_shared>> -> memref<10240x64xf32, #tpu.memory_space<vmem_shared>>
      tpu.wait_indirect_dma semaphore(%arg21 : memref<!tpu.dma_semaphore, #tpu.memory_space<semaphore_mem>>) src(%dma_wait3A_95 : memref<10240x64xf32, #tpu.memory_space<vmem_shared>>) dst(%arg15 : memref<128x64xf32, #tpu.memory_space<vmem>>)
      %add3A_96 = arith.constant 1 : i32
      %add3A_97 = arith.addi %add3A_92, %add3A_96 : i32
      %lt3A_98 = arith.constant 160 : i32
      %lt3A_99 = arith.cmpi slt, %add3A_97, %lt3A_98 : i32
      %convert_element_type3A_100 = arith.extui %lt3A_99 : i1 to i32
      %cond3A_101 = arith.constant 0 : i32
      %cond3A_102 = arith.cmpi ne, %convert_element_type3A_100, %cond3A_101 : i32
      scf.if %cond3A_102 {
        %add3A_193 = arith.constant 1 : i32
        %add3A_194 = arith.addi %add3A_92, %add3A_193 : i32
        %add3A_195 = arith.addi %mul3A_0, %add3A_194 : i32
        %mul3A_196 = arith.constant 128 : i32
        %mul3A_197 = arith.muli %add3A_195, %mul3A_196 : i32
        %dma_wait3A_198 = tpu.memref_slice %arg3[%mul3A_197] : memref<327680xi32, #tpu.memory_space<hbm>> -> memref<128xi32, #tpu.memory_space<hbm>>
        %dma_wait3A_199 = tpu.memref_slice %arg3[%mul3A_197] : memref<327680xi32, #tpu.memory_space<hbm>> -> memref<128xi32, #tpu.memory_space<hbm>>
        tpu.wait_dma2 semaphore(%arg30 : memref<!tpu.dma_semaphore, #tpu.memory_space<semaphore_mem>>) src(%dma_wait3A_199 : memref<128xi32, #tpu.memory_space<hbm>>) dst(%arg10 : memref<128xi32, #tpu.memory_space<vmem>>)
        %dma_wait3A_200 = tpu.memref_slice %arg4[%mul3A_197] : memref<327680xi32, #tpu.memory_space<hbm>> -> memref<128xi32, #tpu.memory_space<hbm>>
        %dma_wait3A_201 = tpu.memref_slice %arg4[%mul3A_197] : memref<327680xi32, #tpu.memory_space<hbm>> -> memref<128xi32, #tpu.memory_space<hbm>>
        tpu.wait_dma2 semaphore(%arg30 : memref<!tpu.dma_semaphore, #tpu.memory_space<semaphore_mem>>) src(%dma_wait3A_201 : memref<128xi32, #tpu.memory_space<hbm>>) dst(%arg11 : memref<128xi32, #tpu.memory_space<vmem>>)
      } else {
      }
      %ge3A_103 = arith.constant 2 : i32
      %ge3A_104 = arith.cmpi sge, %add3A_92, %ge3A_103 : i32
      %convert_element_type3A_105 = arith.extui %ge3A_104 : i1 to i32
      %cond3A_106 = arith.constant 0 : i32
      %cond3A_107 = arith.cmpi ne, %convert_element_type3A_105, %cond3A_106 : i32
      scf.if %cond3A_107 {
        %dma_wait3A_193 = arith.constant 0 : i32
        %dma_wait3A_194 = arith.constant 0 : i32
        %dma_wait3A_195 = tpu.memref_slice %arg19[%dma_wait3A_193, %dma_wait3A_194] : memref<10240x64xf32, #tpu.memory_space<vmem_shared>> -> memref<10240x64xf32, #tpu.memory_space<vmem_shared>>
        tpu.wait_indirect_dma semaphore(%arg27 : memref<!tpu.dma_semaphore, #tpu.memory_space<semaphore_mem>>) src(%arg17 : memref<128x64xf32, #tpu.memory_space<vmem>>) dst(%dma_wait3A_195 : memref<10240x64xf32, #tpu.memory_space<vmem_shared>>)
      } else {
      }
      %add3A_108 = arith.constant 1 : i32
      %add3A_109 = arith.addi %add3A_92, %add3A_108 : i32
      %lt3A_110 = arith.constant 160 : i32
      %lt3A_111 = arith.cmpi slt, %add3A_109, %lt3A_110 : i32
      %convert_element_type3A_112 = arith.extui %lt3A_111 : i1 to i32
      %cond3A_113 = arith.constant 0 : i32
      %cond3A_114 = arith.cmpi ne, %convert_element_type3A_112, %cond3A_113 : i32
      scf.if %cond3A_114 {
        %dma_start3A_193 = arith.constant 0 : i32
        %dma_start3A_194 = arith.constant 0 : i32
        %dma_start3A_195 = tpu.memref_slice %arg18[%dma_start3A_193, %dma_start3A_194] : memref<10240x64xf32, #tpu.memory_space<vmem_shared>> -> memref<10240x64xf32, #tpu.memory_space<vmem_shared>>
        tpu.enqueue_indirect_dma source(%dma_start3A_195 : memref<10240x64xf32, #tpu.memory_space<vmem_shared>>) target(%arg16 : memref<128x64xf32, #tpu.memory_space<vmem>>) offsets(%arg10 : memref<128xi32, #tpu.memory_space<vmem>>) semaphore(%arg22 : memref<!tpu.dma_semaphore, #tpu.memory_space<semaphore_mem>>)
      } else {
      }
      %dma_start3A_115 = arith.constant 0 : i32
      %dma_start3A_116 = arith.constant 0 : i32
      %dma_start3A_117 = tpu.memref_slice %arg19[%dma_start3A_115, %dma_start3A_116] : memref<10240x64xf32, #tpu.memory_space<vmem_shared>> -> memref<10240x64xf32, #tpu.memory_space<vmem_shared>>
      tpu.enqueue_indirect_dma source(%arg15 : memref<128x64xf32, #tpu.memory_space<vmem>>) target(%dma_start3A_117 : memref<10240x64xf32, #tpu.memory_space<vmem_shared>>) offsets(%arg9 : memref<128xi32, #tpu.memory_space<vmem>>) semaphore(%arg25 : memref<!tpu.dma_semaphore, #tpu.memory_space<semaphore_mem>>) {add = true}
      %add3A_118 = arith.constant 2 : i32
      %add3A_119 = arith.addi %add3A_92, %add3A_118 : i32
      %lt3A_120 = arith.constant 160 : i32
      %lt3A_121 = arith.cmpi slt, %add3A_119, %lt3A_120 : i32
      %convert_element_type3A_122 = arith.extui %lt3A_121 : i1 to i32
      %cond3A_123 = arith.constant 0 : i32
      %cond3A_124 = arith.cmpi ne, %convert_element_type3A_122, %cond3A_123 : i32
      scf.if %cond3A_124 {
        %add3A_193 = arith.constant 2 : i32
        %add3A_194 = arith.addi %add3A_92, %add3A_193 : i32
        %add3A_195 = arith.addi %mul3A_0, %add3A_194 : i32
        %mul3A_196 = arith.constant 128 : i32
        %mul3A_197 = arith.muli %add3A_195, %mul3A_196 : i32
        %dma_start3A_198 = tpu.memref_slice %arg3[%mul3A_197] : memref<327680xi32, #tpu.memory_space<hbm>> -> memref<128xi32, #tpu.memory_space<hbm>>
        %dma_start3A_199 = tpu.memref_slice %arg3[%mul3A_197] : memref<327680xi32, #tpu.memory_space<hbm>> -> memref<128xi32, #tpu.memory_space<hbm>>
        tpu.enqueue_dma source(%dma_start3A_199 : memref<128xi32, #tpu.memory_space<hbm>>) target(%arg12 : memref<128xi32, #tpu.memory_space<vmem>>) target_semaphore(%arg31 : memref<!tpu.dma_semaphore, #tpu.memory_space<semaphore_mem>>)
        %dma_start3A_200 = tpu.memref_slice %arg4[%mul3A_197] : memref<327680xi32, #tpu.memory_space<hbm>> -> memref<128xi32, #tpu.memory_space<hbm>>
        %dma_start3A_201 = tpu.memref_slice %arg4[%mul3A_197] : memref<327680xi32, #tpu.memory_space<hbm>> -> memref<128xi32, #tpu.memory_space<hbm>>
        tpu.enqueue_dma source(%dma_start3A_201 : memref<128xi32, #tpu.memory_space<hbm>>) target(%arg13 : memref<128xi32, #tpu.memory_space<vmem>>) target_semaphore(%arg31 : memref<!tpu.dma_semaphore, #tpu.memory_space<semaphore_mem>>)
      } else {
      }
      %add3A_125 = arith.constant 2 : i32
      %add3A_126 = arith.addi %mul3A_60, %add3A_125 : i32
      %dma_wait3A_127 = arith.constant 0 : i32
      %dma_wait3A_128 = arith.constant 0 : i32
      %dma_wait3A_129 = tpu.memref_slice %arg18[%dma_wait3A_127, %dma_wait3A_128] : memref<10240x64xf32, #tpu.memory_space<vmem_shared>> -> memref<10240x64xf32, #tpu.memory_space<vmem_shared>>
      tpu.wait_indirect_dma semaphore(%arg22 : memref<!tpu.dma_semaphore, #tpu.memory_space<semaphore_mem>>) src(%dma_wait3A_129 : memref<10240x64xf32, #tpu.memory_space<vmem_shared>>) dst(%arg16 : memref<128x64xf32, #tpu.memory_space<vmem>>)
      %add3A_130 = arith.constant 1 : i32
      %add3A_131 = arith.addi %add3A_126, %add3A_130 : i32
      %lt3A_132 = arith.constant 160 : i32
      %lt3A_133 = arith.cmpi slt, %add3A_131, %lt3A_132 : i32
      %convert_element_type3A_134 = arith.extui %lt3A_133 : i1 to i32
      %cond3A_135 = arith.constant 0 : i32
      %cond3A_136 = arith.cmpi ne, %convert_element_type3A_134, %cond3A_135 : i32
      scf.if %cond3A_136 {
        %add3A_193 = arith.constant 1 : i32
        %add3A_194 = arith.addi %add3A_126, %add3A_193 : i32
        %add3A_195 = arith.addi %mul3A_0, %add3A_194 : i32
        %mul3A_196 = arith.constant 128 : i32
        %mul3A_197 = arith.muli %add3A_195, %mul3A_196 : i32
        %dma_wait3A_198 = tpu.memref_slice %arg3[%mul3A_197] : memref<327680xi32, #tpu.memory_space<hbm>> -> memref<128xi32, #tpu.memory_space<hbm>>
        %dma_wait3A_199 = tpu.memref_slice %arg3[%mul3A_197] : memref<327680xi32, #tpu.memory_space<hbm>> -> memref<128xi32, #tpu.memory_space<hbm>>
        tpu.wait_dma2 semaphore(%arg31 : memref<!tpu.dma_semaphore, #tpu.memory_space<semaphore_mem>>) src(%dma_wait3A_199 : memref<128xi32, #tpu.memory_space<hbm>>) dst(%arg12 : memref<128xi32, #tpu.memory_space<vmem>>)
        %dma_wait3A_200 = tpu.memref_slice %arg4[%mul3A_197] : memref<327680xi32, #tpu.memory_space<hbm>> -> memref<128xi32, #tpu.memory_space<hbm>>
        %dma_wait3A_201 = tpu.memref_slice %arg4[%mul3A_197] : memref<327680xi32, #tpu.memory_space<hbm>> -> memref<128xi32, #tpu.memory_space<hbm>>
        tpu.wait_dma2 semaphore(%arg31 : memref<!tpu.dma_semaphore, #tpu.memory_space<semaphore_mem>>) src(%dma_wait3A_201 : memref<128xi32, #tpu.memory_space<hbm>>) dst(%arg13 : memref<128xi32, #tpu.memory_space<vmem>>)
      } else {
      }
      %ge3A_137 = arith.constant 2 : i32
      %ge3A_138 = arith.cmpi sge, %add3A_126, %ge3A_137 : i32
      %convert_element_type3A_139 = arith.extui %ge3A_138 : i1 to i32
      %cond3A_140 = arith.constant 0 : i32
      %cond3A_141 = arith.cmpi ne, %convert_element_type3A_139, %cond3A_140 : i32
      scf.if %cond3A_141 {
        %dma_wait3A_193 = arith.constant 0 : i32
        %dma_wait3A_194 = arith.constant 0 : i32
        %dma_wait3A_195 = tpu.memref_slice %arg19[%dma_wait3A_193, %dma_wait3A_194] : memref<10240x64xf32, #tpu.memory_space<vmem_shared>> -> memref<10240x64xf32, #tpu.memory_space<vmem_shared>>
        tpu.wait_indirect_dma semaphore(%arg24 : memref<!tpu.dma_semaphore, #tpu.memory_space<semaphore_mem>>) src(%arg14 : memref<128x64xf32, #tpu.memory_space<vmem>>) dst(%dma_wait3A_195 : memref<10240x64xf32, #tpu.memory_space<vmem_shared>>)
      } else {
      }
      %add3A_142 = arith.constant 1 : i32
      %add3A_143 = arith.addi %add3A_126, %add3A_142 : i32
      %lt3A_144 = arith.constant 160 : i32
      %lt3A_145 = arith.cmpi slt, %add3A_143, %lt3A_144 : i32
      %convert_element_type3A_146 = arith.extui %lt3A_145 : i1 to i32
      %cond3A_147 = arith.constant 0 : i32
      %cond3A_148 = arith.cmpi ne, %convert_element_type3A_146, %cond3A_147 : i32
      scf.if %cond3A_148 {
        %dma_start3A_193 = arith.constant 0 : i32
        %dma_start3A_194 = arith.constant 0 : i32
        %dma_start3A_195 = tpu.memref_slice %arg18[%dma_start3A_193, %dma_start3A_194] : memref<10240x64xf32, #tpu.memory_space<vmem_shared>> -> memref<10240x64xf32, #tpu.memory_space<vmem_shared>>
        tpu.enqueue_indirect_dma source(%dma_start3A_195 : memref<10240x64xf32, #tpu.memory_space<vmem_shared>>) target(%arg17 : memref<128x64xf32, #tpu.memory_space<vmem>>) offsets(%arg12 : memref<128xi32, #tpu.memory_space<vmem>>) semaphore(%arg23 : memref<!tpu.dma_semaphore, #tpu.memory_space<semaphore_mem>>)
      } else {
      }
      %dma_start3A_149 = arith.constant 0 : i32
      %dma_start3A_150 = arith.constant 0 : i32
      %dma_start3A_151 = tpu.memref_slice %arg19[%dma_start3A_149, %dma_start3A_150] : memref<10240x64xf32, #tpu.memory_space<vmem_shared>> -> memref<10240x64xf32, #tpu.memory_space<vmem_shared>>
      tpu.enqueue_indirect_dma source(%arg16 : memref<128x64xf32, #tpu.memory_space<vmem>>) target(%dma_start3A_151 : memref<10240x64xf32, #tpu.memory_space<vmem_shared>>) offsets(%arg11 : memref<128xi32, #tpu.memory_space<vmem>>) semaphore(%arg26 : memref<!tpu.dma_semaphore, #tpu.memory_space<semaphore_mem>>) {add = true}
      %add3A_152 = arith.constant 2 : i32
      %add3A_153 = arith.addi %add3A_126, %add3A_152 : i32
      %lt3A_154 = arith.constant 160 : i32
      %lt3A_155 = arith.cmpi slt, %add3A_153, %lt3A_154 : i32
      %convert_element_type3A_156 = arith.extui %lt3A_155 : i1 to i32
      %cond3A_157 = arith.constant 0 : i32
      %cond3A_158 = arith.cmpi ne, %convert_element_type3A_156, %cond3A_157 : i32
      scf.if %cond3A_158 {
        %add3A_193 = arith.constant 2 : i32
        %add3A_194 = arith.addi %add3A_126, %add3A_193 : i32
        %add3A_195 = arith.addi %mul3A_0, %add3A_194 : i32
        %mul3A_196 = arith.constant 128 : i32
        %mul3A_197 = arith.muli %add3A_195, %mul3A_196 : i32
        %dma_start3A_198 = tpu.memref_slice %arg3[%mul3A_197] : memref<327680xi32, #tpu.memory_space<hbm>> -> memref<128xi32, #tpu.memory_space<hbm>>
        %dma_start3A_199 = tpu.memref_slice %arg3[%mul3A_197] : memref<327680xi32, #tpu.memory_space<hbm>> -> memref<128xi32, #tpu.memory_space<hbm>>
        tpu.enqueue_dma source(%dma_start3A_199 : memref<128xi32, #tpu.memory_space<hbm>>) target(%arg6 : memref<128xi32, #tpu.memory_space<vmem>>) target_semaphore(%arg28 : memref<!tpu.dma_semaphore, #tpu.memory_space<semaphore_mem>>)
        %dma_start3A_200 = tpu.memref_slice %arg4[%mul3A_197] : memref<327680xi32, #tpu.memory_space<hbm>> -> memref<128xi32, #tpu.memory_space<hbm>>
        %dma_start3A_201 = tpu.memref_slice %arg4[%mul3A_197] : memref<327680xi32, #tpu.memory_space<hbm>> -> memref<128xi32, #tpu.memory_space<hbm>>
        tpu.enqueue_dma source(%dma_start3A_201 : memref<128xi32, #tpu.memory_space<hbm>>) target(%arg7 : memref<128xi32, #tpu.memory_space<vmem>>) target_semaphore(%arg28 : memref<!tpu.dma_semaphore, #tpu.memory_space<semaphore_mem>>)
      } else {
      }
      %add3A_159 = arith.constant 3 : i32
      %add3A_160 = arith.addi %mul3A_60, %add3A_159 : i32
      %dma_wait3A_161 = arith.constant 0 : i32
      %dma_wait3A_162 = arith.constant 0 : i32
      %dma_wait3A_163 = tpu.memref_slice %arg18[%dma_wait3A_161, %dma_wait3A_162] : memref<10240x64xf32, #tpu.memory_space<vmem_shared>> -> memref<10240x64xf32, #tpu.memory_space<vmem_shared>>
      tpu.wait_indirect_dma semaphore(%arg23 : memref<!tpu.dma_semaphore, #tpu.memory_space<semaphore_mem>>) src(%dma_wait3A_163 : memref<10240x64xf32, #tpu.memory_space<vmem_shared>>) dst(%arg17 : memref<128x64xf32, #tpu.memory_space<vmem>>)
      %add3A_164 = arith.constant 1 : i32
      %add3A_165 = arith.addi %add3A_160, %add3A_164 : i32
      %lt3A_166 = arith.constant 160 : i32
      %lt3A_167 = arith.cmpi slt, %add3A_165, %lt3A_166 : i32
      %convert_element_type3A_168 = arith.extui %lt3A_167 : i1 to i32
      %cond3A_169 = arith.constant 0 : i32
      %cond3A_170 = arith.cmpi ne, %convert_element_type3A_168, %cond3A_169 : i32
      scf.if %cond3A_170 {
        %add3A_193 = arith.constant 1 : i32
        %add3A_194 = arith.addi %add3A_160, %add3A_193 : i32
        %add3A_195 = arith.addi %mul3A_0, %add3A_194 : i32
        %mul3A_196 = arith.constant 128 : i32
        %mul3A_197 = arith.muli %add3A_195, %mul3A_196 : i32
        %dma_wait3A_198 = tpu.memref_slice %arg3[%mul3A_197] : memref<327680xi32, #tpu.memory_space<hbm>> -> memref<128xi32, #tpu.memory_space<hbm>>
        %dma_wait3A_199 = tpu.memref_slice %arg3[%mul3A_197] : memref<327680xi32, #tpu.memory_space<hbm>> -> memref<128xi32, #tpu.memory_space<hbm>>
        tpu.wait_dma2 semaphore(%arg28 : memref<!tpu.dma_semaphore, #tpu.memory_space<semaphore_mem>>) src(%dma_wait3A_199 : memref<128xi32, #tpu.memory_space<hbm>>) dst(%arg6 : memref<128xi32, #tpu.memory_space<vmem>>)
        %dma_wait3A_200 = tpu.memref_slice %arg4[%mul3A_197] : memref<327680xi32, #tpu.memory_space<hbm>> -> memref<128xi32, #tpu.memory_space<hbm>>
        %dma_wait3A_201 = tpu.memref_slice %arg4[%mul3A_197] : memref<327680xi32, #tpu.memory_space<hbm>> -> memref<128xi32, #tpu.memory_space<hbm>>
        tpu.wait_dma2 semaphore(%arg28 : memref<!tpu.dma_semaphore, #tpu.memory_space<semaphore_mem>>) src(%dma_wait3A_201 : memref<128xi32, #tpu.memory_space<hbm>>) dst(%arg7 : memref<128xi32, #tpu.memory_space<vmem>>)
      } else {
      }
      %ge3A_171 = arith.constant 2 : i32
      %ge3A_172 = arith.cmpi sge, %add3A_160, %ge3A_171 : i32
      %convert_element_type3A_173 = arith.extui %ge3A_172 : i1 to i32
      %cond3A_174 = arith.constant 0 : i32
      %cond3A_175 = arith.cmpi ne, %convert_element_type3A_173, %cond3A_174 : i32
      scf.if %cond3A_175 {
        %dma_wait3A_193 = arith.constant 0 : i32
        %dma_wait3A_194 = arith.constant 0 : i32
        %dma_wait3A_195 = tpu.memref_slice %arg19[%dma_wait3A_193, %dma_wait3A_194] : memref<10240x64xf32, #tpu.memory_space<vmem_shared>> -> memref<10240x64xf32, #tpu.memory_space<vmem_shared>>
        tpu.wait_indirect_dma semaphore(%arg25 : memref<!tpu.dma_semaphore, #tpu.memory_space<semaphore_mem>>) src(%arg15 : memref<128x64xf32, #tpu.memory_space<vmem>>) dst(%dma_wait3A_195 : memref<10240x64xf32, #tpu.memory_space<vmem_shared>>)
      } else {
      }
      %add3A_176 = arith.constant 1 : i32
      %add3A_177 = arith.addi %add3A_160, %add3A_176 : i32
      %lt3A_178 = arith.constant 160 : i32
      %lt3A_179 = arith.cmpi slt, %add3A_177, %lt3A_178 : i32
      %convert_element_type3A_180 = arith.extui %lt3A_179 : i1 to i32
      %cond3A_181 = arith.constant 0 : i32
      %cond3A_182 = arith.cmpi ne, %convert_element_type3A_180, %cond3A_181 : i32
      scf.if %cond3A_182 {
        %dma_start3A_193 = arith.constant 0 : i32
        %dma_start3A_194 = arith.constant 0 : i32
        %dma_start3A_195 = tpu.memref_slice %arg18[%dma_start3A_193, %dma_start3A_194] : memref<10240x64xf32, #tpu.memory_space<vmem_shared>> -> memref<10240x64xf32, #tpu.memory_space<vmem_shared>>
        tpu.enqueue_indirect_dma source(%dma_start3A_195 : memref<10240x64xf32, #tpu.memory_space<vmem_shared>>) target(%arg14 : memref<128x64xf32, #tpu.memory_space<vmem>>) offsets(%arg6 : memref<128xi32, #tpu.memory_space<vmem>>) semaphore(%arg20 : memref<!tpu.dma_semaphore, #tpu.memory_space<semaphore_mem>>)
      } else {
      }
      %dma_start3A_183 = arith.constant 0 : i32
      %dma_start3A_184 = arith.constant 0 : i32
      %dma_start3A_185 = tpu.memref_slice %arg19[%dma_start3A_183, %dma_start3A_184] : memref<10240x64xf32, #tpu.memory_space<vmem_shared>> -> memref<10240x64xf32, #tpu.memory_space<vmem_shared>>
      tpu.enqueue_indirect_dma source(%arg17 : memref<128x64xf32, #tpu.memory_space<vmem>>) target(%dma_start3A_185 : memref<10240x64xf32, #tpu.memory_space<vmem_shared>>) offsets(%arg13 : memref<128xi32, #tpu.memory_space<vmem>>) semaphore(%arg27 : memref<!tpu.dma_semaphore, #tpu.memory_space<semaphore_mem>>) {add = true}
      %add3A_186 = arith.constant 2 : i32
      %add3A_187 = arith.addi %add3A_160, %add3A_186 : i32
      %lt3A_188 = arith.constant 160 : i32
      %lt3A_189 = arith.cmpi slt, %add3A_187, %lt3A_188 : i32
      %convert_element_type3A_190 = arith.extui %lt3A_189 : i1 to i32
      %cond3A_191 = arith.constant 0 : i32
      %cond3A_192 = arith.cmpi ne, %convert_element_type3A_190, %cond3A_191 : i32
      scf.if %cond3A_192 {
        %add3A_193 = arith.constant 2 : i32
        %add3A_194 = arith.addi %add3A_160, %add3A_193 : i32
        %add3A_195 = arith.addi %mul3A_0, %add3A_194 : i32
        %mul3A_196 = arith.constant 128 : i32
        %mul3A_197 = arith.muli %add3A_195, %mul3A_196 : i32
        %dma_start3A_198 = tpu.memref_slice %arg3[%mul3A_197] : memref<327680xi32, #tpu.memory_space<hbm>> -> memref<128xi32, #tpu.memory_space<hbm>>
        %dma_start3A_199 = tpu.memref_slice %arg3[%mul3A_197] : memref<327680xi32, #tpu.memory_space<hbm>> -> memref<128xi32, #tpu.memory_space<hbm>>
        tpu.enqueue_dma source(%dma_start3A_199 : memref<128xi32, #tpu.memory_space<hbm>>) target(%arg8 : memref<128xi32, #tpu.memory_space<vmem>>) target_semaphore(%arg29 : memref<!tpu.dma_semaphore, #tpu.memory_space<semaphore_mem>>)
        %dma_start3A_200 = tpu.memref_slice %arg4[%mul3A_197] : memref<327680xi32, #tpu.memory_space<hbm>> -> memref<128xi32, #tpu.memory_space<hbm>>
        %dma_start3A_201 = tpu.memref_slice %arg4[%mul3A_197] : memref<327680xi32, #tpu.memory_space<hbm>> -> memref<128xi32, #tpu.memory_space<hbm>>
        tpu.enqueue_dma source(%dma_start3A_201 : memref<128xi32, #tpu.memory_space<hbm>>) target(%arg9 : memref<128xi32, #tpu.memory_space<vmem>>) target_semaphore(%arg29 : memref<!tpu.dma_semaphore, #tpu.memory_space<semaphore_mem>>)
      } else {
      }
    }
    %scan3A_44 = arith.constant 40 : i32
    %dma_wait3A_45 = arith.constant 0 : i32
    %dma_wait3A_46 = arith.constant 0 : i32
    %dma_wait3A_47 = tpu.memref_slice %arg19[%dma_wait3A_45, %dma_wait3A_46] : memref<10240x64xf32, #tpu.memory_space<vmem_shared>> -> memref<10240x64xf32, #tpu.memory_space<vmem_shared>>
    tpu.wait_indirect_dma semaphore(%arg26 : memref<!tpu.dma_semaphore, #tpu.memory_space<semaphore_mem>>) src(%arg16 : memref<128x64xf32, #tpu.memory_space<vmem>>) dst(%dma_wait3A_47 : memref<10240x64xf32, #tpu.memory_space<vmem_shared>>)
    %dma_wait3A_48 = arith.constant 0 : i32
    %dma_wait3A_49 = arith.constant 0 : i32
    %dma_wait3A_50 = tpu.memref_slice %arg19[%dma_wait3A_48, %dma_wait3A_49] : memref<10240x64xf32, #tpu.memory_space<vmem_shared>> -> memref<10240x64xf32, #tpu.memory_space<vmem_shared>>
    tpu.wait_indirect_dma semaphore(%arg27 : memref<!tpu.dma_semaphore, #tpu.memory_space<semaphore_mem>>) src(%arg17 : memref<128x64xf32, #tpu.memory_space<vmem>>) dst(%dma_wait3A_50 : memref<10240x64xf32, #tpu.memory_space<vmem_shared>>)
    %barrier3A_51 = arith.constant 0 : index
    tpu.barrier barrier_id(%barrier3A_51)
    %mul3A_52 = arith.constant 640 : i32
    %mul3A_53 = arith.muli %arg1, %mul3A_52 : i32
    %mul3A_54 = arith.constant 640 : i32
    %mul3A_55 = arith.muli %arg1, %mul3A_54 : i32
    %mul3A_56 = arith.constant 64 : i32
    %mul3A_57 = arith.muli %arg0, %mul3A_56 : i32
    "tpu.region"() ({
      %run_scoped3A = tpu.sem_alloc : memref<!tpu.dma_semaphore, #tpu.memory_space<semaphore_mem>>
      %dma_start3A_58 = tpu.memref_slice %arg5[%mul3A_55, %mul3A_57] : memref<10240x128xf32, #tpu.memory_space<hbm>> -> memref<640x64xf32, #tpu.memory_space<hbm>>
      %dma_start3A_59 = arith.constant 0 : i32
      %dma_start3A_60 = tpu.memref_slice %arg19[%mul3A_53, %dma_start3A_59] : memref<10240x64xf32, #tpu.memory_space<vmem_shared>> -> memref<640x64xf32, #tpu.memory_space<vmem_shared>>
      tpu.enqueue_dma source(%dma_start3A_60 : memref<640x64xf32, #tpu.memory_space<vmem_shared>>) target(%dma_start3A_58 : memref<640x64xf32, #tpu.memory_space<hbm>>) target_semaphore(%run_scoped3A : memref<!tpu.dma_semaphore, #tpu.memory_space<semaphore_mem>>)
      %dma_wait3A_61 = tpu.memref_slice %arg5[%mul3A_55, %mul3A_57] : memref<10240x128xf32, #tpu.memory_space<hbm>> -> memref<640x64xf32, #tpu.memory_space<hbm>>
      %dma_wait3A_62 = arith.constant 0 : i32
      %dma_wait3A_63 = tpu.memref_slice %arg19[%mul3A_53, %dma_wait3A_62] : memref<10240x64xf32, #tpu.memory_space<vmem_shared>> -> memref<640x64xf32, #tpu.memory_space<vmem_shared>>
      tpu.wait_dma2 semaphore(%run_scoped3A : memref<!tpu.dma_semaphore, #tpu.memory_space<semaphore_mem>>) src(%dma_wait3A_63 : memref<640x64xf32, #tpu.memory_space<vmem_shared>>) dst(%dma_wait3A_61 : memref<640x64xf32, #tpu.memory_space<hbm>>)
      tpu.yield
    }) : () -> ()
    return
  }
}

module attributes {stable_mosaic.version = 14 : i64} {
  func.func @_pre_body(%arg0: i32, %arg1: memref<1024x128xf32, #tpu.memory_space<vmem>>, %arg2: memref<128x128xf32, #tpu.memory_space<vmem>>, %arg3: memref<2x1024x16xf32, #tpu.memory_space<vmem>>, %arg4: memref<1024x128xf32, #tpu.memory_space<vmem>>, %arg5: memref<1024x1xf32, #tpu.memory_space<vmem>>) attributes {dimension_semantics = [#tpu.dimension_semantics<arbitrary>], iteration_bounds = array<i64: 10>, scalar_prefetch = 0 : i64, scratch_operands = 0 : i64, tpu.core_type = #tpu.core_type<tc>, window_params = [{transform_indices = @transform_0, window_bounds = array<i64: 1024, 128>}, {pipeline_mode = #tpu.pipeline_mode<synchronous>, transform_indices = @transform_1, window_bounds = array<i64: 128, 128>}, {transform_indices = @transform_2, window_bounds = array<i64: 2, 1024, 16>}, {transform_indices = @transform_3, window_bounds = array<i64: 1024, 128>}, {transform_indices = @transform_4, window_bounds = array<i64: 1024, 1>}]} {
    %get3A = arith.constant 0 : index
    %get3A_0 = arith.constant 0 : index
    %get3A_1 = arith.constant 0 : index
    %get3A_2 = vector.load %arg3[%get3A, %get3A_0, %get3A_1] : memref<2x1024x16xf32, #tpu.memory_space<vmem>>, vector<1x1024x16xf32>
    %get3A_3 = vector.shape_cast %get3A_2 : vector<1x1024x16xf32> to vector<1024x16xf32>
    %reduce_sum3A = arith.constant dense<0.000000e+00> : vector<1024xf32>
    %reduce_sum3A_4 = vector.multi_reduction <add>, %get3A_3, %reduce_sum3A [1] : vector<1024x16xf32> to vector<1024xf32>
    %get3A_5 = arith.constant 1 : index
    %get3A_6 = arith.constant 0 : index
    %get3A_7 = arith.constant 0 : index
    %get3A_8 = vector.load %arg3[%get3A_5, %get3A_6, %get3A_7] : memref<2x1024x16xf32, #tpu.memory_space<vmem>>, vector<1x1024x16xf32>
    %get3A_9 = vector.shape_cast %get3A_8 : vector<1x1024x16xf32> to vector<1024x16xf32>
    %reduce_sum3A_10 = arith.constant dense<0.000000e+00> : vector<1024xf32>
    %reduce_sum3A_11 = vector.multi_reduction <add>, %get3A_9, %reduce_sum3A_10 [1] : vector<1024x16xf32> to vector<1024xf32>
    %add3A = arith.addf %reduce_sum3A_4, %reduce_sum3A_11 : vector<1024xf32>
    %mul3A = arith.constant 6.250000e-02 : f32
    %mul3A_12 = vector.broadcast %mul3A : f32 to vector<1024xf32>
    %mul3A_13 = arith.mulf %add3A, %mul3A_12 : vector<1024xf32>
    %add3A_14 = arith.constant 1.000000e+00 : f32
    %add3A_15 = vector.broadcast %add3A_14 : f32 to vector<1024xf32>
    %add3A_16 = arith.addf %mul3A_13, %add3A_15 : vector<1024xf32>
    %rsqrt3A = math.rsqrt %add3A_16 : vector<1024xf32>
    %get3A_17 = arith.constant 0 : index
    %get3A_18 = arith.constant 0 : index
    %get3A_19 = vector.load %arg1[%get3A_17, %get3A_18] : memref<1024x128xf32, #tpu.memory_space<vmem>>, vector<1024x128xf32>
    %get3A_20 = arith.constant 0 : index
    %get3A_21 = arith.constant 0 : index
    %get3A_22 = vector.load %arg2[%get3A_20, %get3A_21] : memref<128x128xf32, #tpu.memory_space<vmem>>, vector<128x128xf32>
    %dot_general3A = arith.constant dense<0.000000e+00> : vector<1024x128xf32>
    %dot_general3A_23 = tpu.matmul %get3A_19, %get3A_22, %dot_general3A {dimension_numbers = #tpu.dot_dimension_numbers<[1], [0], [0], [1], [0, 0, 1, 1], [], []>, transpose_lhs_hint = false} : vector<1024x128xf32>, vector<128x128xf32>, vector<1024x128xf32> -> vector<1024x128xf32>
    %broadcast_in_dim3A = vector.shape_cast %rsqrt3A : vector<1024xf32> to vector<1024x1xf32>
    %mul3A_24 = vector.broadcast %broadcast_in_dim3A : vector<1024x1xf32> to vector<1024x128xf32>
    %mul3A_25 = arith.mulf %dot_general3A_23, %mul3A_24 : vector<1024x128xf32>
    %swap3A = arith.constant 0 : index
    %swap3A_26 = arith.constant 0 : index
    %swap3A_27 = vector.load %arg4[%swap3A, %swap3A_26] : memref<1024x128xf32, #tpu.memory_space<vmem>>, vector<1024x128xf32>
    tpu.vector_store %arg4[%swap3A, %swap3A_26], %mul3A_25 {strides = array<i32>} : memref<1024x128xf32, #tpu.memory_space<vmem>>, vector<1024x128xf32>,
    %broadcast_in_dim3A_28 = vector.shape_cast %rsqrt3A : vector<1024xf32> to vector<1024x1xf32>
    %swap3A_29 = arith.constant 0 : index
    %swap3A_30 = arith.constant 0 : index
    %swap3A_31 = vector.load %arg5[%swap3A_29, %swap3A_30] : memref<1024x1xf32, #tpu.memory_space<vmem>>, vector<1024x1xf32>
    tpu.vector_store %arg5[%swap3A_29, %swap3A_30], %broadcast_in_dim3A_28 {strides = array<i32>} : memref<1024x1xf32, #tpu.memory_space<vmem>>, vector<1024x1xf32>,
    return
  }
  func.func @transform_0(%arg0: i32) -> (i32, i32) {
    %c0_i32 = arith.constant 0 : i32
    %c0_i32_0 = arith.constant 0 : i32
    return %arg0, %c0_i32 : i32, i32
  }
  func.func @transform_1(%arg0: i32) -> (i32, i32) {
    %c0_i32 = arith.constant 0 : i32
    %c0_i32_0 = arith.constant 0 : i32
    %c0_i32_1 = arith.constant 0 : i32
    return %c0_i32, %c0_i32_0 : i32, i32
  }
  func.func @transform_2(%arg0: i32) -> (i32, i32, i32) {
    %c0_i32 = arith.constant 0 : i32
    %c0_i32_0 = arith.constant 0 : i32
    %c0_i32_1 = arith.constant 0 : i32
    return %c0_i32, %arg0, %c0_i32_0 : i32, i32, i32
  }
  func.func @transform_3(%arg0: i32) -> (i32, i32) {
    %c0_i32 = arith.constant 0 : i32
    %c0_i32_0 = arith.constant 0 : i32
    return %arg0, %c0_i32 : i32, i32
  }
  func.func @transform_4(%arg0: i32) -> (i32, i32) {
    %c0_i32 = arith.constant 0 : i32
    %c0_i32_0 = arith.constant 0 : i32
    return %arg0, %c0_i32 : i32, i32
  }
}

module attributes {stable_mosaic.version = 14 : i64} {
  func.func @_mid_body(%arg0: i32, %arg1: memref<1024x128xf32, #tpu.memory_space<vmem>>, %arg2: memref<1024x128xf32, #tpu.memory_space<vmem>>, %arg3: memref<1024x1xf32, #tpu.memory_space<vmem>>, %arg4: memref<1x128xf32, #tpu.memory_space<vmem>>, %arg5: memref<128x128xf32, #tpu.memory_space<vmem>>, %arg6: memref<1024x128xf32, #tpu.memory_space<vmem>>) attributes {dimension_semantics = [#tpu.dimension_semantics<arbitrary>], iteration_bounds = array<i64: 10>, scalar_prefetch = 0 : i64, scratch_operands = 0 : i64, tpu.core_type = #tpu.core_type<tc>, window_params = [{transform_indices = @transform_0, window_bounds = array<i64: 1024, 128>}, {transform_indices = @transform_1, window_bounds = array<i64: 1024, 128>}, {transform_indices = @transform_2, window_bounds = array<i64: 1024, 1>}, {pipeline_mode = #tpu.pipeline_mode<synchronous>, transform_indices = @transform_3, window_bounds = array<i64: 1, 128>}, {pipeline_mode = #tpu.pipeline_mode<synchronous>, transform_indices = @transform_4, window_bounds = array<i64: 128, 128>}, {transform_indices = @transform_5, window_bounds = array<i64: 1024, 128>}]} {
    %get3A = arith.constant 0 : index
    %get3A_0 = arith.constant 0 : index
    %get3A_1 = vector.load %arg3[%get3A, %get3A_0] : memref<1024x1xf32, #tpu.memory_space<vmem>>, vector<1024x1xf32>
    %get3A_2 = arith.constant 0 : index
    %get3A_3 = arith.constant 0 : index
    %get3A_4 = vector.load %arg1[%get3A_2, %get3A_3] : memref<1024x128xf32, #tpu.memory_space<vmem>>, vector<1024x128xf32>
    %get3A_5 = arith.constant 0 : index
    %get3A_6 = arith.constant 0 : index
    %get3A_7 = vector.load %arg2[%get3A_5, %get3A_6] : memref<1024x128xf32, #tpu.memory_space<vmem>>, vector<1024x128xf32>
    %add3A = arith.addf %get3A_4, %get3A_7 : vector<1024x128xf32>
    %mul3A = vector.broadcast %get3A_1 : vector<1024x1xf32> to vector<1024x128xf32>
    %mul3A_8 = arith.mulf %add3A, %mul3A : vector<1024x128xf32>
    %get3A_9 = arith.constant 0 : index
    %get3A_10 = arith.constant 0 : index
    %get3A_11 = vector.load %arg4[%get3A_9, %get3A_10] : memref<1x128xf32, #tpu.memory_space<vmem>>, vector<1x128xf32>
    %add3A_12 = vector.broadcast %get3A_11 : vector<1x128xf32> to vector<1024x128xf32>
    %add3A_13 = arith.addf %mul3A_8, %add3A_12 : vector<1024x128xf32>
    %max3A = arith.constant 0.000000e+00 : f32
    %max3A_14 = vector.broadcast %max3A : f32 to vector<1024x128xf32>
    %max3A_15 = arith.maximumf %add3A_13, %max3A_14 : vector<1024x128xf32>
    %get3A_16 = arith.constant 0 : index
    %get3A_17 = arith.constant 0 : index
    %get3A_18 = vector.load %arg5[%get3A_16, %get3A_17] : memref<128x128xf32, #tpu.memory_space<vmem>>, vector<128x128xf32>
    %dot_general3A = arith.constant dense<0.000000e+00> : vector<1024x128xf32>
    %dot_general3A_19 = tpu.matmul %max3A_15, %get3A_18, %dot_general3A {dimension_numbers = #tpu.dot_dimension_numbers<[1], [0], [0], [1], [0, 0, 1, 1], [], []>, transpose_lhs_hint = false} : vector<1024x128xf32>, vector<128x128xf32>, vector<1024x128xf32> -> vector<1024x128xf32>
    %mul3A_20 = vector.broadcast %get3A_1 : vector<1024x1xf32> to vector<1024x128xf32>
    %mul3A_21 = arith.mulf %dot_general3A_19, %mul3A_20 : vector<1024x128xf32>
    %swap3A = arith.constant 0 : index
    %swap3A_22 = arith.constant 0 : index
    %swap3A_23 = vector.load %arg6[%swap3A, %swap3A_22] : memref<1024x128xf32, #tpu.memory_space<vmem>>, vector<1024x128xf32>
    tpu.vector_store %arg6[%swap3A, %swap3A_22], %mul3A_21 {strides = array<i32>} : memref<1024x128xf32, #tpu.memory_space<vmem>>, vector<1024x128xf32>,
    return
  }
  func.func @transform_0(%arg0: i32) -> (i32, i32) {
    %c0_i32 = arith.constant 0 : i32
    %c0_i32_0 = arith.constant 0 : i32
    return %arg0, %c0_i32 : i32, i32
  }
  func.func @transform_1(%arg0: i32) -> (i32, i32) {
    %c0_i32 = arith.constant 0 : i32
    %c0_i32_0 = arith.constant 0 : i32
    return %arg0, %c0_i32 : i32, i32
  }
  func.func @transform_2(%arg0: i32) -> (i32, i32) {
    %c0_i32 = arith.constant 0 : i32
    %c0_i32_0 = arith.constant 0 : i32
    return %arg0, %c0_i32 : i32, i32
  }
  func.func @transform_3(%arg0: i32) -> (i32, i32) {
    %c0_i32 = arith.constant 0 : i32
    %c0_i32_0 = arith.constant 0 : i32
    %c0_i32_1 = arith.constant 0 : i32
    return %c0_i32, %c0_i32_0 : i32, i32
  }
  func.func @transform_4(%arg0: i32) -> (i32, i32) {
    %c0_i32 = arith.constant 0 : i32
    %c0_i32_0 = arith.constant 0 : i32
    %c0_i32_1 = arith.constant 0 : i32
    return %c0_i32, %c0_i32_0 : i32, i32
  }
  func.func @transform_5(%arg0: i32) -> (i32, i32) {
    %c0_i32 = arith.constant 0 : i32
    %c0_i32_0 = arith.constant 0 : i32
    return %arg0, %c0_i32 : i32, i32
  }
}

module attributes {stable_mosaic.version = 14 : i64} {
  func.func @_post_body(%arg0: i32, %arg1: memref<1024x128xf32, #tpu.memory_space<vmem>>, %arg2: memref<1024x128xf32, #tpu.memory_space<vmem>>, %arg3: memref<1024x1xf32, #tpu.memory_space<vmem>>, %arg4: memref<1x128xf32, #tpu.memory_space<vmem>>, %arg5: memref<1024x128xf32, #tpu.memory_space<vmem>>) attributes {dimension_semantics = [#tpu.dimension_semantics<arbitrary>], iteration_bounds = array<i64: 10>, scalar_prefetch = 0 : i64, scratch_operands = 0 : i64, tpu.core_type = #tpu.core_type<tc>, window_params = [{transform_indices = @transform_0, window_bounds = array<i64: 1024, 128>}, {transform_indices = @transform_1, window_bounds = array<i64: 1024, 128>}, {transform_indices = @transform_2, window_bounds = array<i64: 1024, 1>}, {pipeline_mode = #tpu.pipeline_mode<synchronous>, transform_indices = @transform_3, window_bounds = array<i64: 1, 128>}, {transform_indices = @transform_4, window_bounds = array<i64: 1024, 128>}]} {
    %get3A = arith.constant 0 : index
    %get3A_0 = arith.constant 0 : index
    %get3A_1 = vector.load %arg1[%get3A, %get3A_0] : memref<1024x128xf32, #tpu.memory_space<vmem>>, vector<1024x128xf32>
    %get3A_2 = arith.constant 0 : index
    %get3A_3 = arith.constant 0 : index
    %get3A_4 = vector.load %arg2[%get3A_2, %get3A_3] : memref<1024x128xf32, #tpu.memory_space<vmem>>, vector<1024x128xf32>
    %add3A = arith.addf %get3A_1, %get3A_4 : vector<1024x128xf32>
    %get3A_5 = arith.constant 0 : index
    %get3A_6 = arith.constant 0 : index
    %get3A_7 = vector.load %arg3[%get3A_5, %get3A_6] : memref<1024x1xf32, #tpu.memory_space<vmem>>, vector<1024x1xf32>
    %mul3A = vector.broadcast %get3A_7 : vector<1024x1xf32> to vector<1024x128xf32>
    %mul3A_8 = arith.mulf %add3A, %mul3A : vector<1024x128xf32>
    %get3A_9 = arith.constant 0 : index
    %get3A_10 = arith.constant 0 : index
    %get3A_11 = vector.load %arg4[%get3A_9, %get3A_10] : memref<1x128xf32, #tpu.memory_space<vmem>>, vector<1x128xf32>
    %add3A_12 = vector.broadcast %get3A_11 : vector<1x128xf32> to vector<1024x128xf32>
    %add3A_13 = arith.addf %mul3A_8, %add3A_12 : vector<1024x128xf32>
    %swap3A = arith.constant 0 : index
    %swap3A_14 = arith.constant 0 : index
    %swap3A_15 = vector.load %arg5[%swap3A, %swap3A_14] : memref<1024x128xf32, #tpu.memory_space<vmem>>, vector<1024x128xf32>
    tpu.vector_store %arg5[%swap3A, %swap3A_14], %add3A_13 {strides = array<i32>} : memref<1024x128xf32, #tpu.memory_space<vmem>>, vector<1024x128xf32>,
    return
  }
  func.func @transform_0(%arg0: i32) -> (i32, i32) {
    %c0_i32 = arith.constant 0 : i32
    %c0_i32_0 = arith.constant 0 : i32
    return %arg0, %c0_i32 : i32, i32
  }
  func.func @transform_1(%arg0: i32) -> (i32, i32) {
    %c0_i32 = arith.constant 0 : i32
    %c0_i32_0 = arith.constant 0 : i32
    return %arg0, %c0_i32 : i32, i32
  }
  func.func @transform_2(%arg0: i32) -> (i32, i32) {
    %c0_i32 = arith.constant 0 : i32
    %c0_i32_0 = arith.constant 0 : i32
    return %arg0, %c0_i32 : i32, i32
  }
  func.func @transform_3(%arg0: i32) -> (i32, i32) {
    %c0_i32 = arith.constant 0 : i32
    %c0_i32_0 = arith.constant 0 : i32
    %c0_i32_1 = arith.constant 0 : i32
    return %c0_i32, %c0_i32_0 : i32, i32
  }
  func.func @transform_4(%arg0: i32) -> (i32, i32) {
    %c0_i32 = arith.constant 0 : i32
    %c0_i32_0 = arith.constant 0 : i32
    return %arg0, %c0_i32 : i32, i32
  }
}

</mosaic_0001>

<sc_bundles>
// kernel: kernel.10.cloned.1.call-start
scs
__scs_entry_jumppad:
0x0: {  	(pc) =	sbr.rel $0x88, $3  }
0x1: {  	(tag) =	ssettag $0x0;
	lr =	simm.s32 $0x1  }
0x2: {  	[smem:$0x3F99] =	sst lr;
	_ =	strace $0xD0000000  }
0x3: {  	_ = 	snop  }
0x4: {  	_ = 	snop  }
0x5: {  	_ = 	snop  }
0x6: {  	_ = 	snop  }
0x7: {  	_ = 	snop  }
__scs_overlays_trampoline_lowered:
0x8: {  	[smem:$0x3FA8] =	sst s0  }
0x9: {  	[smem:$0x3FA9] =	sst s1  }
0xa: {  	[smem:$0x3FAA] =	sst s2  }
0xb: {  	[smem:$0x3FAB] =	sst s3  }
0xc: {  	[smem:$0x3FAC] =	sst s4  }
0xd: {  	[smem:$0x3FAD] =	sst s5  }
0xe: {  	[smem:$0x3FAE] =	sst s6  }
0xf: {  	[smem:$0x3FAF] =	sst s7  }
0x10: {  	[smem:$0x3FB0] =	sst s8  }
0x11: {  	[smem:$0x3FB1] =	sst s9;
	s0 =	simm.s32 @!p0 $0x0  }
0x12: {  	s1 =	sld [smem:$0x3F97];
	s0 =	simm.s32 @p0 $0x1  }
0x13: {  	[smem:$0x3FB2] =	sst s0;
	s0 =	simm.s32 @!p1 $0x0  }
0x14: {  	s2 =	sld [smem:$0x3F96];
	s0 =	simm.s32 @p1 $0x1  }
0x15: {  	[smem:$0x3FB3] =	sst s0;
	s0 =	simm.s32 @!p2 $0x0  }
0x16: {  	s3 =	sld [smem:$0x3FDB];
	s0 =	simm.s32 @p2 $0x1  }
0x17: {  	s4 =	simm.s32 $0x1BF5;
	[smem:$0x3FB5] =	sst s0  }
0x18: {  	s0 =	sld [smem:$0x3F98];
	_ =	swait.ge [sflag:s4], $0x0  }
0x19: {  	s7 =	sld [smem:$0x3F99]  }
0x1a: {  	s8 =	sadd.s32 $0xFFFFE003, lr  }
0x1b: {  	s9 =	sadd.s32 $0xFFFFFEF7, lr;
	s5 =	simm.s32 $0xFFFFFFFF;
	p2 =	slt.u32 s8, $0xFFFFF086  }
0x1c: {  	p1 =	slt.u32 s9, $0xF7A;
	s5 =	simm.s32 @!p2 $0x0  }
0x1d: {  	s5 =	simm.s32 @p1 $0x1;
	p0 =	seq.s32 s7, s2  }
0x1e: {  	s7 =	smul.u32 @!p0 $0xF7A, s2;
	p2 =	seq.s32 @!p0 s5, $0x0  }
0x1f: {  	s9 =	smul.u32 $0xF7A, s1;
	s8 =	simm.s32 @!p0 $0x1BF5;
	p2 =	por !p2, p0  }
0x20: {  	[sflag:s8] =	ssyncset.s32 @!p0 $0xFFFFF086;
	s6 =	sadd.s32 @!p0 s3, s7;
	s7 =	simm.s32 @!p0 $0x108  }
0x21: {  	s3 =	sadd.s32 s3, s9;
	s6 =	sadd.s32 @!p0 $0x88, s6;
	s7 =	simm.s32 @p2 $0x1082  }
0x22: {  	[simem:s7], [sflag:s8] =	dma.local @!p0 [hbm:s6], $0xF7A  }
0x23: {  	s9 =	sor.u32 $0xD0000000, s2;
	s6 =	simm.s32 $0x108;
	_ =	swait.ge @!p0 [sflag:s8], $0x0  }
0x24: {  	s3 =	sadd.s32 $0x88, s3;
	s6 =	simm.s32 @!p1 $0x1082;
	[sflag:s4] =	ssyncset.s32 $0xFFFFF086  }
0x25: {  	[simem:s6], [sflag:s4] =	dma.local [hbm:s3], $0xF7A  }
0x26: {  	[smem:$0x3F99] =	sst s1;
	(tag) =	ssettag s2;
	_ =	strace s9  }
0x27: {  	s1 =	sld [smem:$0x3FA9]  }
0x28: {  	s2 =	sld [smem:$0x3FAA]  }
0x29: {  	s4 =	sld [smem:$0x3FAC]  }
0x2a: {  	p0 =	seq.s32 s5, $0x0;
	s5 =	sld [smem:$0x3FAD]  }
0x2b: {  	s6 =	sld [smem:$0x3FAE]  }
0x2c: {  	s7 =	sld [smem:$0x3FAF]  }
0x2d: {  	s3 =	simm.s32 $0x108;
	s8 =	sld [smem:$0x3FB0]  }
0x2e: {  	s3 =	simm.s32 @!p0 $0x1082;
	s9 =	sld [smem:$0x3FB1]  }
0x2f: {  	lr =	sadd.s32 s0, s3;
	s0 =	sld [smem:$0x3FA8]  }
0x30: {  	s3 =	sld [smem:$0x3FAB]  }
0x31: {  	[smem:$0x3FB4] =	sst s10  }
0x32: {  	s10 =	sld [smem:$0x3FB2];
	_ =	sdelay $0x3  }
0x33: {  	p0 =	seq.s32 s10, $0x1;
	s10 =	sld [smem:$0x3FB4];
	_ =	sdelay $0x3  }
0x34: {  	[smem:$0x3FB4] =	sst s10  }
0x35: {  	s10 =	sld [smem:$0x3FB3];
	_ =	sdelay $0x3  }
0x36: {  	p1 =	seq.s32 s10, $0x1;
	s10 =	sld [smem:$0x3FB4];
	_ =	sdelay $0x3  }
0x37: {  	[smem:$0x3FB4] =	sst s10  }
0x38: {  	s10 =	sld [smem:$0x3FB5]  }
0x39: {  	_ = 	snop;
	(pc) =	sbr.ind lr, $3  }
0x3a: {  	_ = 	snop  }
0x3b: {  	_ = 	snop  }
0x3c: {  	p2 =	seq.s32 s10, $0x1;
	s10 =	sld [smem:$0x3FB4]  }
0x3d: {  	_ =	shalt  }
0x3e: {  	_ =	shalt  }
0x3f: {  	_ =	shalt  }
0x40: {  	_ =	shalt  }
0x41: {  	_ =	shalt  }
0x42: {  	_ =	shalt  }
0x43: {  	_ =	shalt  }
0x44: {  	_ =	shalt  }
0x45: {  	_ =	shalt  }
0x46: {  	_ =	shalt  }
0x47: {  	_ =	shalt  }
0x48: {  	_ =	shalt  }
0x49: {  	_ =	shalt  }
0x4a: {  	_ =	shalt  }
0x4b: {  	_ =	shalt  }
0x4c: {  	_ =	shalt  }
0x4d: {  	_ =	shalt  }
0x4e: {  	_ =	shalt  }
0x4f: {  	_ =	shalt  }
0x50: {  	_ =	shalt  }
0x51: {  	_ =	shalt  }
0x52: {  	_ =	shalt  }
0x53: {  	_ =	shalt  }
0x54: {  	_ =	shalt  }
0x55: {  	_ =	shalt  }
0x56: {  	_ =	shalt  }
0x57: {  	_ =	shalt  }
0x58: {  	_ =	shalt  }
0x59: {  	_ =	shalt  }
0x5a: {  	_ =	shalt  }
0x5b: {  	_ =	shalt  }
0x5c: {  	_ =	shalt  }
0x5d: {  	_ =	shalt  }
0x5e: {  	_ =	shalt  }
0x5f: {  	_ =	shalt  }
0x60: {  	_ =	shalt  }
0x61: {  	_ =	shalt  }
0x62: {  	_ =	shalt  }
0x63: {  	_ =	shalt  }
0x64: {  	_ =	shalt  }
0x65: {  	_ =	shalt  }
0x66: {  	_ =	shalt  }
0x67: {  	_ =	shalt  }
0x68: {  	_ =	shalt  }
0x69: {  	_ =	shalt  }
0x6a: {  	_ =	shalt  }
0x6b: {  	_ =	shalt  }
0x6c: {  	_ =	shalt  }
0x6d: {  	_ =	shalt  }
0x6e: {  	_ =	shalt  }
0x6f: {  	_ =	shalt  }
0x70: {  	_ =	shalt  }
0x71: {  	_ =	shalt  }
0x72: {  	_ =	shalt  }
0x73: {  	_ =	shalt  }
0x74: {  	_ =	shalt  }
0x75: {  	_ =	shalt  }
0x76: {  	_ =	shalt  }
0x77: {  	_ =	shalt  }
0x78: {  	_ =	shalt  }
0x79: {  	_ =	shalt  }
0x7a: {  	_ =	shalt  }
0x7b: {  	_ =	shalt  }
0x7c: {  	_ =	shalt  }
0x7d: {  	_ =	shalt  }
0x7e: {  	_ =	shalt  }
0x7f: {  	_ =	shalt  }
0x80: {  	_ =	shalt  }
0x81: {  	_ =	shalt  }
0x82: {  	_ =	shalt  }
0x83: {  	_ =	shalt  }
0x84: {  	_ =	shalt  }
0x85: {  	_ =	shalt  }
0x86: {  	_ =	shalt  }
0x87: {  	_ =	shalt  }
.Lfunc_end0:
.L_simem_size_0:
called_computation_lowered:
.L_overlay_start_0:
0x88: {  	s2 =	sld [smem:$0x3FD9]  }
0x89: {  	s3 =	sld [smem:$0x3FFE];
	_ =	sdelay $0x1  }
0x8a: {  	s1 =	srdreg.scid  }
0x8b: {  	s0 =	sand.u32 $0x1, s1  }
0x8c: {  	s17 =	sshll.u32 s0, $0xA;
	s2 =	sadd.s32 s3, s2  }
0x8d: {  	s2 =	sadd.s32 s2, s17  }
0x8e: {  	[smem:$0x3FC0] =	sst s2  }
0x8f: {  	_ = 	snop  }
0x90: {  	s2 =	sld [smem:$0x3FD0];
	(tm) =	ssettm $0x1  }
0x91: {  	s18 =	sld [smem:$0x3FFB];
	_ =	sdelay $0x3  }
0x92: {  	_ =	strace s18  }
0x93: {  	s3 =	sld [smem:$0x3FFC];
	_ =	sdelay $0x3  }
0x94: {  	_ =	strace s3  }
0x95: {  	s3 =	sld [smem:$0x3FFD];
	_ =	sdelay $0x3  }
0x96: {  	_ =	strace s3  }
0x97: {  	_ =	strace $0x8FFFFFFF  }
0x98: {  	s19 =	sld [smem:$0x3FDB];
	_ =	sdelay $0x1  }
0x99: {  	s4 =	simm.s32 $_scs_section_size  }
0x9a: {  	s5 =	simm.s32 $_size__tile_overlayer_lowered;
	s6 =	simm.s32 $_tile_overlayer_lowered  }
0x9b: {  	s22 =	simm.s32 $0x1BFF;
	s21 =	sshll.u32 s6, $0x1;
	s3 =	sadd.s32 s4, s19  }
0x9c: {  	s7 =	simm.s32 $0x0;
	s20 =	sshll.u32 s5, $0x1;
	s5 =	sadd.s32 s21, s3  }
0x9d: {  	[timem:s7], [sflag:s22] =	dma.local [hbm:s5], s20  }
0x9e: {  	_ =	swait.ge [sflag:s22], s20  }
0x9f: {  	s4 =	ssub.s32 $0x0, s20;
	[sflag:s22] =	ssyncset.done $0x0  }
0xa0: {  	[sflag:s22] =	ssyncadd.s32 s4;
	_ =	sdelay $0x1  }
0xa1: {  	s23 =	simm.s32 $0x1B8B  }
0xa2: {  	_ =	swait.ge [sflag:s23], $0x1  }
0xa3: {  	[sflag:s23] =	ssyncset.done $0x0  }
0xa4: {  	s25 =	simm.s32 $0x1B8E;
	s24 =	sld [smem:$0x3FFE];
	[sflag:s23] =	ssyncadd.s32 $0xFFFFFFFF  }
0xa5: {  	s26 =	simm.s32 $execute0_lowered;
	[smem:$0x3FD2] =	sst s25  }
0xa6: {  	s5 =	sshll.u32 s26, $0x1;
	_ =	strace $0x80000046;
	[dreg:$0x1] =	wrdreg $0xFFFFFFFF  }
0xa7: {  	s28 =	simm.s32 $_size_execute0_lowered;
	s3 =	sadd.s32 s3, s5;
	[dreg:$0x0] =	wrdreg $0x0  }
0xa8: {  	s5 =	sshll.u32 s28, $0x1;
	[dreg:$0x2] =	wrdreg s3  }
0xa9: {  	[dreg:$0x3] =	wrdreg s5  }
0xaa: {  	[dreg:$0x4] =	wrdreg $0xC0  }
0xab: {  	_ =	task [dreg:s7], $0x5FFFF  }
0xac: {  	[dreg:$0x1] =	wrdreg $0xFFFFFFFF  }
0xad: {  	[dreg:$0x0] =	wrdreg $0x60  }
0xae: {  	[dreg:$0x2] =	wrdreg s2  }
0xaf: {  	[dreg:$0x3] =	wrdreg s24  }
0xb0: {  	[dreg:$0x4] =	wrdreg $0x32000  }
0xb1: {  	[dreg:$0x5] =	wrdreg $0x9  }
0xb2: {  	_ =	task.clear_ibuf [dreg:s7], $0x6FFFF;
	_ =	strace $0x90000046  }
0xb3: {  	s29 =	simm.s32 $0x9;
	_ =	strace $0x80000048  }
0xb4: {  	_ =	swait.ge [sflag:s29], $0x1  }
0xb5: {  	[sflag:s29] =	ssyncadd.s32 $0xFFFFFFFF  }
0xb6: {  	_ =	strace $0x90000048  }
0xb7: {  	_ =	sfence  }
0xb8: {  	s30 =	sld [smem:$0x0];
	_ =	sdelay $0x2  }
0xb9: {  	s31 =	sshll.u32 s1, $0xD;
	s1 =	sshrl.u32 s1, $0x2  }
0xba: {  	s3 =	sand.u32 $0x4000, s31;
	s1 =	sadd.s32 s1, s30  }
0xbb: {  	s0 =	sor.u32 s3, s0;
	s1 =	sshll.u32 s1, $0x11  }
0xbc: {  	s0 =	sor.u32 s1, s0  }
0xbd: {  	s0 =	sadd.s32 $0x8F2B, s0  }
0xbe: {  	[sflag:s0] =	ssyncadd.remote.s32 $0x1  }
0xbf: {  	_ =	sfence.sel $0xFFFF  }
0xc0: {  	[dreg:$0x0] =	wrdreg $0xFFFFFFFF;
	(pc) =	sbr.abs _section_cstart, $3  }
0xc1: {  	[dreg:$0x1] =	wrdreg $0xFFFFFFFF  }
0xc2: {  	_ =	task.clear_ibuf [dreg:s7], $0x2FFFF;
	_ =	strace $0x9FFFFFFF  }
0xc3: {  	(tm) =	ssettm $0x7FFFFFFF  }
tec
execute0_lowered:
.L_overlay_start_1:
0x0: {  	(tag) =	ssettag $0x1  }
0x1: {  	s0 =	rddreg [dreg:$0x0]  }
0x2: {  	s1 =	rddreg [dreg:$0x1]  }
0x3: {  	s2 =	rddreg [dreg:$0x2];
	s4 =	srdreg.scid  }
0x4: {  	s10 =	stileid.u32;
	s3 =	simm.s32 $0x0;
	s17 =	simm.s32 $0x9  }
0x5: {  	s18 =	simm.s32 $0x80;
	s19 =	simm.s32 $0x1;
	s20 =	simm.s32 $0x200  }
0x6: {  	s21 =	simm.s32 $0x100;
	s22 =	simm.s32 $0x2;
	s23 =	simm.s32 $0x180  }
0x7: {  	s24 =	simm.s32 $0x3;
	s28 =	simm.s32 $0x6;
	s5 =	smul.u32 $0x2800, s10  }
0x8: {  	s29 =	simm.s32 $0x7;
	s4 =	sand.u32 $0x1, s4;
	s8 =	smul.u32 $0xA000, s10  }
0x9: {  	s30 =	simm.s32 $0x8;
	[smem:$0x7FF] =	sst s3;
	s6 =	smul.u32 $0x28000, s4  }
0xa: {  	s7 =	sshll.u32 s4, $0x4;
	_ =	strace $0x80000047;
	s25 =	ssub.s32 $0x2, s4  }
0xb: {  	s9 =	smul.u32 $0x500, s4;
	s7 =	sor.u32 s10, s7;
	s26 =	sshrl.u32 s25, $0x1  }
0xc: {  	s8 =	sshrl.u32 s8, $0x2;
	s10 =	smul.u32 $0x50, s10;
	s5 =	sadd.s32 s5, s6  }
0xd: {  	s7 =	smul.u32 $0x500, s7;
	s11 =	ssub.s32 s25, s26;
	s25 =	simm.s32 $0x5  }
0xe: {  	s26 =	simm.s32 $0x4;
	s1 =	sadd.s32 s5, s1;
	s5 =	sadd.s32 s8, s2  }
.Ltmp0:
0xf: {  	s8 =	smax.u32 s11, $0x1;
	s31 =	sadd.s32 s10, s9;
	(pc) =	sbr.rel .LBB2_1-.Ltmp0, $4  }
0x10: {  	s4 =	sadd.s32 s0, s7;
	s7 =	sadd.s32 $0x3000, s1;
	s1 =	sshll.u32 s31, $0x4  }
0x11: {  	s6 =	sadd.s32 $0x10, s4;
	s9 =	sadd.s32 $0x20, s4;
	s10 =	sadd.s32 $0x30, s4  }
0x12: {  	s11 =	sadd.s32 $0x40, s4;
	s12 =	sadd.s32 $0x50, s4;
	s13 =	sadd.s32 s1, s0  }
0x13: {  	v0 =	vimm.f32 $1.000000000e+00;
	v1 =	vimm.f32 $0.0e+00;
	s0 =	simm.s32 $0x0;
	s14 =	sadd.s32 $0x80, s13;
	s15 =	sadd.s32 $0x60, s13  }
.LBB2_8:
0x14: {  	_ =	swait.ge [sflag:s26], $0x80  }
0x15: {  	[sflag:s26] =	ssyncset.done $0x0  }
0x16: {  	[sflag:s26] =	ssyncadd.s32 $0xFFFFFF80  }
0x17: {  	_ =	swait.ge [sflag:s28], $0x800  }
0x18: {  	[sflag:s28] =	ssyncset.done $0x0  }
0x19: {  	[sflag:s28] =	ssyncadd.s32 $0xFFFFF800  }
0x1a: {  	[spmem:s2] =	stream.indirect.scatter.add.f32 [tilespmem:s20], [sflag:$0x8], $0x10, s23, s18, $0xb8;
	[tilespmem:$0x5A00] =	vst v63  }
0x1b: {  	_ =	swait.ge [sflag:s29], $0x800  }
0x1c: {  	[sflag:s29] =	ssyncset.done $0x0  }
0x1d: {  	[sflag:s29] =	ssyncadd.s32 $0xFFFFF800  }
0x1e: {  	s1 =	stileid.u32;
	s16 =	sshrl.u32 s5, $0x3;
	_ =	swait.ge [sflag:s30], $0x800  }
0x1f: {  	s31 =	simm.s32 $0x10;
	s0 =	sadd.s32 $0x1, s0;
	[sflag:s30] =	ssyncset.done $0x0  }
0x20: {  	s1 =	sshll.u32 s1, $0x6;
	p0 =	sne.s32 s0, s8;
	[sflag:s30] =	ssyncadd.s32 $0xFFFFF800  }
.Ltmp1:
0x21: {  	s1 =	sor.u32 $0x1C09, s1;
	[bflag:$0x0] =	sbarrier.arrive $0xFFFF;
	(pc) =	sbr.rel @!p0 .LBB2_9-.Ltmp1, $4  }
0x22: {  	[hbm:s7@s31], [sflag:s1] =	dma.strided [spmem:s16@s22], $0x500, s19, $0x2   }
0x23: {  	_ =	swait.ge [sflag:s17], $0x500  }
0x24: {  	[sflag:s17] =	ssyncset.done $0x0  }
0x25: {  	[sflag:s17] =	ssyncadd.s32 $0xFFFFFB00  }
.LBB2_1:
0x26: {  	s1 =	simm.s32 $0x0  }
.LBB2_2:
0x27: {  	p0 =	sne.s32 s1, $0x1FC0  }
.Ltmp2:
0x28: {  	_ = 	snop;
	(pc) =	sbr.rel @p0 .LBB2_2-.Ltmp2, $3  }
0x29: {  	_ =	sdelay $0x1  }
0x2a: {  	s16 =	sshra.s32 s1, $0x2  }
0x2b: {  	s1 =	sadd.s32 $0x40, s1;
	[tilespmem:s16+$0x200] =	vst v0  }
0x2c: {  	s1 =	simm.s32 $0x40;
	s16 =	simm.s32 $0x0  }
.LBB2_4:
0x2d: {  	p0 =	sne.s32 s1, $0x9FC0;
	[tilespmem:s16+$0xA00] =	vst v1;
	s16 =	smov.u32 s1;
	s1 =	sadd.s32 $0x40, s1  }
.Ltmp3:
0x2e: {  	(pc) =	sbr.rel @p0 .LBB2_4-.Ltmp3, $2  }
0x2f: {  	_ =	sdelay $0x2  }
0x30: {  	s16 =	sshra.s32 s16, $0x2  }
0x31: {  	[tilespmem:s16+$0xA00] =	vst v1;
	s1 =	simm.s32 $0xA00  }
0x32: {  	[spmem:s5] =	stream.linear.scatter [tilespmem:s1], [sflag:$0x9], $0x2800, $0x38;
	[tilespmem:$0x5A00] =	vst v63  }
0x33: {  	_ =	swait.ge [sflag:s17], $0x2800  }
0x34: {  	[sflag:s17] =	ssyncset.done $0x0  }
0x35: {  	[sflag:s17] =	ssyncadd.s32 $0xFFFFD800  }
0x36: {  	s1 =	simm.s32 $0x0;
	[bflag:$0x0] =	sbarrier.arrive $0xFFFF  }
0x37: {  	[tilespmem:s1], [sflag:$0x1] =	stream.linear.gather [hbm4b:s4+s1], $0x80, $0x38;
	[tilespmem:$0x5A00] =	vst v63  }
0x38: {  	_ = 	snop  }
0x39: {  	[tilespmem:s18], [sflag:$0x2] =	stream.linear.gather [hbm4b:s6+s1], $0x80, $0x38;
	[tilespmem:$0x5A00] =	vst v63  }
0x3a: {  	_ =	swait.ge [sflag:s19], $0x80  }
0x3b: {  	[sflag:s19] =	ssyncset.done $0x0  }
0x3c: {  	[sflag:s19] =	ssyncadd.s32 $0xFFFFFF80  }
0x3d: {  	[spmem:s2] =	stream.indirect.scatter.add.f32 [tilespmem:s20], [sflag:$0x5], $0x10, s1, s18, $0xb8;
	[tilespmem:$0x5A00] =	vst v63  }
0x3e: {  	_ = 	snop  }
0x3f: {  	[tilespmem:s21], [sflag:$0x3] =	stream.linear.gather [hbm4b:s9+s1], $0x80, $0x38;
	[tilespmem:$0x5A00] =	vst v63  }
0x40: {  	_ =	swait.ge [sflag:s22], $0x80  }
0x41: {  	[sflag:s22] =	ssyncset.done $0x0  }
0x42: {  	[sflag:s22] =	ssyncadd.s32 $0xFFFFFF80  }
0x43: {  	[spmem:s2] =	stream.indirect.scatter.add.f32 [tilespmem:s20], [sflag:$0x6], $0x10, s18, s18, $0xb8;
	[tilespmem:$0x5A00] =	vst v63  }
0x44: {  	_ = 	snop  }
0x45: {  	[tilespmem:s23], [sflag:$0x4] =	stream.linear.gather [hbm4b:s10+s1], $0x80, $0x38;
	[tilespmem:$0x5A00] =	vst v63  }
0x46: {  	_ =	swait.ge [sflag:s24], $0x80  }
0x47: {  	[sflag:s24] =	ssyncset.done $0x0  }
0x48: {  	[sflag:s24] =	ssyncadd.s32 $0xFFFFFF80  }
0x49: {  	_ =	swait.ge [sflag:s25], $0x800  }
0x4a: {  	[sflag:s25] =	ssyncset.done $0x0  }
0x4b: {  	[sflag:s25] =	ssyncadd.s32 $0xFFFFF800  }
0x4c: {  	[spmem:s2] =	stream.indirect.scatter.add.f32 [tilespmem:s20], [sflag:$0x7], $0x10, s21, s18, $0xb8;
	[tilespmem:$0x5A00] =	vst v63  }
0x4d: {  	_ = 	snop  }
0x4e: {  	[tilespmem:s1], [sflag:$0x1] =	stream.linear.gather [hbm4b:s11+s1], $0x80, $0x38;
	[tilespmem:$0x5A00] =	vst v63  }
0x4f: {  	_ =	swait.ge [sflag:s26], $0x80  }
0x50: {  	[sflag:s26] =	ssyncset.done $0x0  }
0x51: {  	[sflag:s26] =	ssyncadd.s32 $0xFFFFFF80  }
0x52: {  	_ =	swait.ge [sflag:s28], $0x800  }
0x53: {  	[sflag:s28] =	ssyncset.done $0x0  }
0x54: {  	[sflag:s28] =	ssyncadd.s32 $0xFFFFF800  }
0x55: {  	[spmem:s2] =	stream.indirect.scatter.add.f32 [tilespmem:s20], [sflag:$0x8], $0x10, s23, s18, $0xb8;
	[tilespmem:$0x5A00] =	vst v63  }
0x56: {  	_ = 	snop  }
0x57: {  	[tilespmem:s18], [sflag:$0x2] =	stream.linear.gather [hbm4b:s12+s1], $0x80, $0x38;
	[tilespmem:$0x5A00] =	vst v63  }
.LBB2_6:
0x58: {  	_ =	swait.ge [sflag:s19], $0x80  }
0x59: {  	[sflag:s19] =	ssyncset.done $0x0  }
0x5a: {  	[sflag:s19] =	ssyncadd.s32 $0xFFFFFF80  }
0x5b: {  	_ =	swait.ge [sflag:s29], $0x800  }
0x5c: {  	[sflag:s29] =	ssyncset.done $0x0  }
0x5d: {  	[sflag:s29] =	ssyncadd.s32 $0xFFFFF800  }
0x5e: {  	[spmem:s2] =	stream.indirect.scatter.add.f32 [tilespmem:s20], [sflag:$0x5], $0x10, s3, s18, $0xb8;
	[tilespmem:$0x5A00] =	vst v63  }
0x5f: {  	s16 =	sadd.s32 s1, s15  }
0x60: {  	[tilespmem:s21], [sflag:$0x3] =	stream.linear.gather [hbm4b:s16+s3], $0x80, $0x38;
	[tilespmem:$0x5A00] =	vst v63  }
0x61: {  	_ =	swait.ge [sflag:s22], $0x80  }
0x62: {  	[sflag:s22] =	ssyncset.done $0x0  }
0x63: {  	[sflag:s22] =	ssyncadd.s32 $0xFFFFFF80  }
0x64: {  	_ =	swait.ge [sflag:s30], $0x800  }
0x65: {  	[sflag:s30] =	ssyncset.done $0x0  }
0x66: {  	s16 =	sadd.s32 s1, s13;
	[sflag:s30] =	ssyncadd.s32 $0xFFFFF800  }
0x67: {  	[spmem:s2] =	stream.indirect.scatter.add.f32 [tilespmem:s20], [sflag:$0x6], $0x10, s18, s18, $0xb8;
	[tilespmem:$0x5A00] =	vst v63  }
0x68: {  	s31 =	sadd.s32 $0x70, s16  }
0x69: {  	[tilespmem:s23], [sflag:$0x4] =	stream.linear.gather [hbm4b:s31+s3], $0x80, $0x38;
	[tilespmem:$0x5A00] =	vst v63  }
0x6a: {  	_ =	swait.ge [sflag:s24], $0x80  }
0x6b: {  	p0 =	seq.s32 s1, $0x480;
	[sflag:s24] =	ssyncset.done $0x0  }
.Ltmp4:
0x6c: {  	[sflag:s24] =	ssyncadd.s32 $0xFFFFFF80;
	(pc) =	sbr.rel @p0 .LBB2_8-.Ltmp4, $4  }
0x6d: {  	_ =	swait.ge [sflag:s25], $0x800  }
0x6e: {  	[sflag:s25] =	ssyncset.done $0x0  }
0x6f: {  	[sflag:s25] =	ssyncadd.s32 $0xFFFFF800  }
0x70: {  	[spmem:s2] =	stream.indirect.scatter.add.f32 [tilespmem:s20], [sflag:$0x7], $0x10, s21, s18, $0xb8;
	[tilespmem:$0x5A00] =	vst v63  }
0x71: {  	s31 =	sadd.s32 s1, s14  }
0x72: {  	[tilespmem:s3], [sflag:$0x1] =	stream.linear.gather [hbm4b:s31+s3], $0x80, $0x38;
	[tilespmem:$0x5A00] =	vst v63  }
0x73: {  	_ =	swait.ge [sflag:s26], $0x80  }
0x74: {  	[sflag:s26] =	ssyncset.done $0x0  }
0x75: {  	[sflag:s26] =	ssyncadd.s32 $0xFFFFFF80  }
0x76: {  	_ =	swait.ge [sflag:s28], $0x800  }
.Ltmp5:
0x77: {  	[sflag:s28] =	ssyncset.done $0x0;
	(pc) =	sbr.rel .LBB2_6-.Ltmp5, $4  }
0x78: {  	[sflag:s28] =	ssyncadd.s32 $0xFFFFF800  }
0x79: {  	[spmem:s2] =	stream.indirect.scatter.add.f32 [tilespmem:s20], [sflag:$0x8], $0x10, s23, s18, $0xb8;
	[tilespmem:$0x5A00] =	vst v63  }
0x7a: {  	s16 =	sadd.s32 $0x90, s16;
	s1 =	sadd.s32 $0x40, s1  }
0x7b: {  	[tilespmem:s18], [sflag:$0x2] =	stream.linear.gather [hbm4b:s16+s3], $0x80, $0x38;
	[tilespmem:$0x5A00] =	vst v63  }
.LBB2_9:
0x7c: {  	_ =	sfence.sel $0x180000  }
0x7d: {  	[bflag:$0x0] =	sbarrier.arrive $0xFFFF  }
0x7e: {  	_ =	strace $0x90000047  }
0x7f: {  	s0 =	stileid.u32;
	[bflag:$0x2] =	sbarrier.arrive $0xFFFF  }
0x80: {  	p0 =	sne.s32 s0, $0x0;
	s0 =	rddreg [dreg:$0x3]  }
0x81: {  	s0 =	sadd.s32 @!p0 $0x100000, s0  }
0x82: {  	[sflag:s0] =	ssyncadd.tile.s32 @!p0 $0x1;
	_ =	shalt  }
.Lfunc_end2:
_tile_overlayer_lowered:
.L_overlay_start_2:
0x83: {  	(tag) =	ssettag $0x2  }
0x84: {  	s0 =	rddreg [dreg:$0x0];
	s2 =	stileid.u32  }
0x85: {  	s1 =	rddreg [dreg:$0x1];
	p0 =	sne.s32 s2, $0x0  }
0x86: {  	s3 =	rddreg [dreg:$0x2];
	[bflag:$0x3] =	sbarrier.arrive $0xFFFF;
	s2 =	simm.s32 @!p0 $0x1C09  }
0x87: {  	[timem:s3], [sflag:s2] =	dma.local @!p0 [hbm:s0], s1  }
0x88: {  	s0 =	simm.s32 @!p0 $0x9  }
0x89: {  	_ =	swait.ge @!p0 [sflag:s0], s1  }
0x8a: {  	s1 =	ssub.s32 @!p0 $0x0, s1;
	[sflag:s0] =	ssyncset.done @!p0 $0x0  }
0x8b: {  	[sflag:s0] =	ssyncadd.s32 @!p0 s1  }
0x8c: {  	[bflag:$0x3] =	sbarrier.arrive $0xFFFF  }
0x8d: {  	_ =	shalt  }

// kernel: kernel.13.cloned.1.call-start
scs
__scs_entry_jumppad:
0x0: {  	(pc) =	sbr.rel $0x88, $3  }
0x1: {  	(tag) =	ssettag $0x0;
	lr =	simm.s32 $0x1  }
0x2: {  	[smem:$0x3F99] =	sst lr;
	_ =	strace $0xD0000000  }
0x3: {  	_ = 	snop  }
0x4: {  	_ = 	snop  }
0x5: {  	_ = 	snop  }
0x6: {  	_ = 	snop  }
0x7: {  	_ = 	snop  }
__scs_overlays_trampoline_lowered:
0x8: {  	[smem:$0x3FA8] =	sst s0  }
0x9: {  	[smem:$0x3FA9] =	sst s1  }
0xa: {  	[smem:$0x3FAA] =	sst s2  }
0xb: {  	[smem:$0x3FAB] =	sst s3  }
0xc: {  	[smem:$0x3FAC] =	sst s4  }
0xd: {  	[smem:$0x3FAD] =	sst s5  }
0xe: {  	[smem:$0x3FAE] =	sst s6  }
0xf: {  	[smem:$0x3FAF] =	sst s7  }
0x10: {  	[smem:$0x3FB0] =	sst s8  }
0x11: {  	[smem:$0x3FB1] =	sst s9;
	s0 =	simm.s32 @!p0 $0x0  }
0x12: {  	s1 =	sld [smem:$0x3F97];
	s0 =	simm.s32 @p0 $0x1  }
0x13: {  	[smem:$0x3FB2] =	sst s0;
	s0 =	simm.s32 @!p1 $0x0  }
0x14: {  	s2 =	sld [smem:$0x3F96];
	s0 =	simm.s32 @p1 $0x1  }
0x15: {  	[smem:$0x3FB3] =	sst s0;
	s0 =	simm.s32 @!p2 $0x0  }
0x16: {  	s3 =	sld [smem:$0x3FDB];
	s0 =	simm.s32 @p2 $0x1  }
0x17: {  	s4 =	simm.s32 $0x1BF5;
	[smem:$0x3FB5] =	sst s0  }
0x18: {  	s0 =	sld [smem:$0x3F98];
	_ =	swait.ge [sflag:s4], $0x0  }
0x19: {  	s7 =	sld [smem:$0x3F99]  }
0x1a: {  	s8 =	sadd.s32 $0xFFFFE003, lr  }
0x1b: {  	s9 =	sadd.s32 $0xFFFFFEF7, lr;
	s5 =	simm.s32 $0xFFFFFFFF;
	p2 =	slt.u32 s8, $0xFFFFF086  }
0x1c: {  	p1 =	slt.u32 s9, $0xF7A;
	s5 =	simm.s32 @!p2 $0x0  }
0x1d: {  	s5 =	simm.s32 @p1 $0x1;
	p0 =	seq.s32 s7, s2  }
0x1e: {  	s7 =	smul.u32 @!p0 $0xF7A, s2;
	p2 =	seq.s32 @!p0 s5, $0x0  }
0x1f: {  	s9 =	smul.u32 $0xF7A, s1;
	s8 =	simm.s32 @!p0 $0x1BF5;
	p2 =	por !p2, p0  }
0x20: {  	[sflag:s8] =	ssyncset.s32 @!p0 $0xFFFFF086;
	s6 =	sadd.s32 @!p0 s3, s7;
	s7 =	simm.s32 @!p0 $0x108  }
0x21: {  	s3 =	sadd.s32 s3, s9;
	s6 =	sadd.s32 @!p0 $0x88, s6;
	s7 =	simm.s32 @p2 $0x1082  }
0x22: {  	[simem:s7], [sflag:s8] =	dma.local @!p0 [hbm:s6], $0xF7A  }
0x23: {  	s9 =	sor.u32 $0xD0000000, s2;
	s6 =	simm.s32 $0x108;
	_ =	swait.ge @!p0 [sflag:s8], $0x0  }
0x24: {  	s3 =	sadd.s32 $0x88, s3;
	s6 =	simm.s32 @!p1 $0x1082;
	[sflag:s4] =	ssyncset.s32 $0xFFFFF086  }
0x25: {  	[simem:s6], [sflag:s4] =	dma.local [hbm:s3], $0xF7A  }
0x26: {  	[smem:$0x3F99] =	sst s1;
	(tag) =	ssettag s2;
	_ =	strace s9  }
0x27: {  	s1 =	sld [smem:$0x3FA9]  }
0x28: {  	s2 =	sld [smem:$0x3FAA]  }
0x29: {  	s4 =	sld [smem:$0x3FAC]  }
0x2a: {  	p0 =	seq.s32 s5, $0x0;
	s5 =	sld [smem:$0x3FAD]  }
0x2b: {  	s6 =	sld [smem:$0x3FAE]  }
0x2c: {  	s7 =	sld [smem:$0x3FAF]  }
0x2d: {  	s3 =	simm.s32 $0x108;
	s8 =	sld [smem:$0x3FB0]  }
0x2e: {  	s3 =	simm.s32 @!p0 $0x1082;
	s9 =	sld [smem:$0x3FB1]  }
0x2f: {  	lr =	sadd.s32 s0, s3;
	s0 =	sld [smem:$0x3FA8]  }
0x30: {  	s3 =	sld [smem:$0x3FAB]  }
0x31: {  	[smem:$0x3FB4] =	sst s10  }
0x32: {  	s10 =	sld [smem:$0x3FB2];
	_ =	sdelay $0x3  }
0x33: {  	p0 =	seq.s32 s10, $0x1;
	s10 =	sld [smem:$0x3FB4];
	_ =	sdelay $0x3  }
0x34: {  	[smem:$0x3FB4] =	sst s10  }
0x35: {  	s10 =	sld [smem:$0x3FB3];
	_ =	sdelay $0x3  }
0x36: {  	p1 =	seq.s32 s10, $0x1;
	s10 =	sld [smem:$0x3FB4];
	_ =	sdelay $0x3  }
0x37: {  	[smem:$0x3FB4] =	sst s10  }
0x38: {  	s10 =	sld [smem:$0x3FB5]  }
0x39: {  	_ = 	snop;
	(pc) =	sbr.ind lr, $3  }
0x3a: {  	_ = 	snop  }
0x3b: {  	_ = 	snop  }
0x3c: {  	p2 =	seq.s32 s10, $0x1;
	s10 =	sld [smem:$0x3FB4]  }
0x3d: {  	_ =	shalt  }
0x3e: {  	_ =	shalt  }
0x3f: {  	_ =	shalt  }
0x40: {  	_ =	shalt  }
0x41: {  	_ =	shalt  }
0x42: {  	_ =	shalt  }
0x43: {  	_ =	shalt  }
0x44: {  	_ =	shalt  }
0x45: {  	_ =	shalt  }
0x46: {  	_ =	shalt  }
0x47: {  	_ =	shalt  }
0x48: {  	_ =	shalt  }
0x49: {  	_ =	shalt  }
0x4a: {  	_ =	shalt  }
0x4b: {  	_ =	shalt  }
0x4c: {  	_ =	shalt  }
0x4d: {  	_ =	shalt  }
0x4e: {  	_ =	shalt  }
0x4f: {  	_ =	shalt  }
0x50: {  	_ =	shalt  }
0x51: {  	_ =	shalt  }
0x52: {  	_ =	shalt  }
0x53: {  	_ =	shalt  }
0x54: {  	_ =	shalt  }
0x55: {  	_ =	shalt  }
0x56: {  	_ =	shalt  }
0x57: {  	_ =	shalt  }
0x58: {  	_ =	shalt  }
0x59: {  	_ =	shalt  }
0x5a: {  	_ =	shalt  }
0x5b: {  	_ =	shalt  }
0x5c: {  	_ =	shalt  }
0x5d: {  	_ =	shalt  }
0x5e: {  	_ =	shalt  }
0x5f: {  	_ =	shalt  }
0x60: {  	_ =	shalt  }
0x61: {  	_ =	shalt  }
0x62: {  	_ =	shalt  }
0x63: {  	_ =	shalt  }
0x64: {  	_ =	shalt  }
0x65: {  	_ =	shalt  }
0x66: {  	_ =	shalt  }
0x67: {  	_ =	shalt  }
0x68: {  	_ =	shalt  }
0x69: {  	_ =	shalt  }
0x6a: {  	_ =	shalt  }
0x6b: {  	_ =	shalt  }
0x6c: {  	_ =	shalt  }
0x6d: {  	_ =	shalt  }
0x6e: {  	_ =	shalt  }
0x6f: {  	_ =	shalt  }
0x70: {  	_ =	shalt  }
0x71: {  	_ =	shalt  }
0x72: {  	_ =	shalt  }
0x73: {  	_ =	shalt  }
0x74: {  	_ =	shalt  }
0x75: {  	_ =	shalt  }
0x76: {  	_ =	shalt  }
0x77: {  	_ =	shalt  }
0x78: {  	_ =	shalt  }
0x79: {  	_ =	shalt  }
0x7a: {  	_ =	shalt  }
0x7b: {  	_ =	shalt  }
0x7c: {  	_ =	shalt  }
0x7d: {  	_ =	shalt  }
0x7e: {  	_ =	shalt  }
0x7f: {  	_ =	shalt  }
0x80: {  	_ =	shalt  }
0x81: {  	_ =	shalt  }
0x82: {  	_ =	shalt  }
0x83: {  	_ =	shalt  }
0x84: {  	_ =	shalt  }
0x85: {  	_ =	shalt  }
0x86: {  	_ =	shalt  }
0x87: {  	_ =	shalt  }
.Lfunc_end0:
.L_simem_size_0:
called_computation.1_lowered:
.L_overlay_start_0:
0x88: {  	s2 =	sld [smem:$0x3FD9]  }
0x89: {  	s3 =	sld [smem:$0x3FFE];
	_ =	sdelay $0x1  }
0x8a: {  	s1 =	srdreg.scid  }
0x8b: {  	s0 =	sand.u32 $0x1, s1  }
0x8c: {  	s17 =	sshll.u32 s0, $0xA;
	s2 =	sadd.s32 s3, s2  }
0x8d: {  	s2 =	sadd.s32 s2, s17  }
0x8e: {  	[smem:$0x3FC0] =	sst s2  }
0x8f: {  	_ = 	snop  }
0x90: {  	s2 =	sld [smem:$0x3FD0];
	(tm) =	ssettm $0x1  }
0x91: {  	s18 =	sld [smem:$0x3FFB];
	_ =	sdelay $0x3  }
0x92: {  	_ =	strace s18  }
0x93: {  	s3 =	sld [smem:$0x3FFC];
	_ =	sdelay $0x3  }
0x94: {  	_ =	strace s3  }
0x95: {  	s3 =	sld [smem:$0x3FFD];
	_ =	sdelay $0x3  }
0x96: {  	_ =	strace s3  }
0x97: {  	_ =	strace $0x8FFFFFFF  }
0x98: {  	s19 =	sld [smem:$0x3FDB];
	_ =	sdelay $0x1  }
0x99: {  	s4 =	simm.s32 $_scs_section_size  }
0x9a: {  	s5 =	simm.s32 $_size__tile_overlayer_lowered;
	s6 =	simm.s32 $_tile_overlayer_lowered  }
0x9b: {  	s22 =	simm.s32 $0x1BFF;
	s21 =	sshll.u32 s6, $0x1;
	s3 =	sadd.s32 s4, s19  }
0x9c: {  	s7 =	simm.s32 $0x0;
	s20 =	sshll.u32 s5, $0x1;
	s5 =	sadd.s32 s21, s3  }
0x9d: {  	[timem:s7], [sflag:s22] =	dma.local [hbm:s5], s20  }
0x9e: {  	_ =	swait.ge [sflag:s22], s20  }
0x9f: {  	s4 =	ssub.s32 $0x0, s20;
	[sflag:s22] =	ssyncset.done $0x0  }
0xa0: {  	[sflag:s22] =	ssyncadd.s32 s4;
	_ =	sdelay $0x1  }
0xa1: {  	s23 =	simm.s32 $0x1B8B  }
0xa2: {  	_ =	swait.ge [sflag:s23], $0x1  }
0xa3: {  	[sflag:s23] =	ssyncset.done $0x0  }
0xa4: {  	s25 =	simm.s32 $0x1B8E;
	s24 =	sld [smem:$0x3FFE];
	[sflag:s23] =	ssyncadd.s32 $0xFFFFFFFF  }
0xa5: {  	s26 =	simm.s32 $execute0_lowered;
	[smem:$0x3FD2] =	sst s25  }
0xa6: {  	s5 =	sshll.u32 s26, $0x1;
	_ =	strace $0x80000049;
	[dreg:$0x1] =	wrdreg $0xFFFFFFFF  }
0xa7: {  	s28 =	simm.s32 $_size_execute0_lowered;
	s3 =	sadd.s32 s3, s5;
	[dreg:$0x0] =	wrdreg $0x0  }
0xa8: {  	s5 =	sshll.u32 s28, $0x1;
	[dreg:$0x2] =	wrdreg s3  }
0xa9: {  	[dreg:$0x3] =	wrdreg s5  }
0xaa: {  	[dreg:$0x4] =	wrdreg $0xC0  }
0xab: {  	_ =	task [dreg:s7], $0x5FFFF  }
0xac: {  	[dreg:$0x1] =	wrdreg $0xFFFFFFFF  }
0xad: {  	[dreg:$0x0] =	wrdreg $0x60  }
0xae: {  	[dreg:$0x2] =	wrdreg s24  }
0xaf: {  	[dreg:$0x3] =	wrdreg s2  }
0xb0: {  	[dreg:$0x4] =	wrdreg $0x84000  }
0xb1: {  	[dreg:$0x5] =	wrdreg $0x124000  }
0xb2: {  	[dreg:$0x6] =	wrdreg $0x9  }
0xb3: {  	_ =	task.clear_ibuf [dreg:s7], $0x7FFFF;
	_ =	strace $0x90000049  }
0xb4: {  	s29 =	simm.s32 $0x9;
	_ =	strace $0x8000004B  }
0xb5: {  	_ =	swait.ge [sflag:s29], $0x1  }
0xb6: {  	[sflag:s29] =	ssyncadd.s32 $0xFFFFFFFF  }
0xb7: {  	_ =	strace $0x9000004B  }
0xb8: {  	_ =	sfence  }
0xb9: {  	s30 =	sld [smem:$0x0];
	_ =	sdelay $0x2  }
0xba: {  	s31 =	sshll.u32 s1, $0xD;
	s1 =	sshrl.u32 s1, $0x2  }
0xbb: {  	s3 =	sand.u32 $0x4000, s31;
	s1 =	sadd.s32 s1, s30  }
0xbc: {  	s0 =	sor.u32 s3, s0;
	s1 =	sshll.u32 s1, $0x11  }
0xbd: {  	s0 =	sor.u32 s1, s0  }
0xbe: {  	s0 =	sadd.s32 $0x8F2B, s0  }
0xbf: {  	[sflag:s0] =	ssyncadd.remote.s32 $0x1  }
0xc0: {  	_ =	sfence.sel $0xFFFF  }
0xc1: {  	[dreg:$0x0] =	wrdreg $0xFFFFFFFF;
	(pc) =	sbr.abs _section_cstart, $3  }
0xc2: {  	[dreg:$0x1] =	wrdreg $0xFFFFFFFF  }
0xc3: {  	_ =	task.clear_ibuf [dreg:s7], $0x2FFFF;
	_ =	strace $0x9FFFFFFF  }
0xc4: {  	(tm) =	ssettm $0x7FFFFFFF  }
0xc5: {  	_ =	shalt  }
tec
execute0_lowered:
.L_overlay_start_1:
0x0: {  	(tag) =	ssettag $0x1  }
0x1: {  	s0 =	rddreg [dreg:$0x0]  }
0x2: {  	s1 =	rddreg [dreg:$0x1]  }
0x3: {  	s2 =	rddreg [dreg:$0x2]  }
0x4: {  	s3 =	rddreg [dreg:$0x3];
	s5 =	srdreg.scid  }
0x5: {  	s11 =	stileid.u32;
	s4 =	simm.s32 $0x0;
	s19 =	simm.s32 $0x1  }
0x6: {  	s28 =	simm.s32 $0x180;
	s29 =	simm.s32 $0x9;
	s6 =	smul.u32 $0x14000, s11  }
0x7: {  	s30 =	simm.s32 $0xA;
	s31 =	simm.s32 $0x2400;
	s13 =	smul.u32 $0xA000, s11  }
0x8: {  	s5 =	sand.u32 $0x1, s5;
	[smem:$0x7FF] =	sst s4;
	s8 =	smul.u32 $0x28000, s11  }
0x9: {  	s10 =	sadd.s32 $0x53000, s0;
	s9 =	smul.u32 $0xA00, s11;
	s11 =	sshll.u32 s11, $0x6  }
0xa: {  	s7 =	sshll.u32 s5, $0x6;
	_ =	strace $0x8000004A;
	s5 =	ssub.s32 $0x2, s5  }
0xb: {  	s20 =	sor.u32 $0x1C0D, s11;
	s11 =	simm.s32 $0x4400;
	s6 =	sor.u32 s7, s6  }
0xc: {  	s14 =	sshrl.u32 s5, $0x1;
	s15 =	sadd.s32 s13, s2;
	s8 =	sshrl.u32 s8, $0x2  }
0xd: {  	s17 =	sor.u32 $0x10, s9;
	s18 =	sadd.s32 s13, s3;
	s13 =	simm.s32 $0x380  }
0xe: {  	s7 =	simm.s32 $0x0;
	[dreg:$0x6] =	wrdreg s20;
	s6 =	sshrl.u32 s6, $0x3  }
0xf: {  	s5 =	ssub.s32 s5, s14;
	s16 =	sadd.s32 s8, s3;
	s8 =	sadd.s32 s10, s9  }
0x10: {  	s9 =	sadd.s32 s1, s9;
	s10 =	sadd.s32 s10, s17;
	s1 =	sadd.s32 s1, s17  }
0x11: {  	s26 =	sshrl.u32 s15, $0x3;
	s14 =	simm.s32 $0x3;
	[dreg:$0x8] =	wrdreg s10  }
0x12: {  	s15 =	simm.s32 $0xC;
	s17 =	simm.s32 $0x6400;
	[dreg:$0x9] =	wrdreg s1  }
0x13: {  	s0 =	sadd.s32 s6, s0;
	s21 =	smax.u32 s5, $0x1;
	[dreg:$0x7] =	wrdreg s16  }
0x14: {  	s22 =	sadd.s32 $0x2000, s16;
	s23 =	sadd.s32 $0x4000, s16;
	[dreg:$0x10] =	wrdreg s26  }
0x15: {  	s24 =	sadd.s32 $0x6000, s16;
	s25 =	sadd.s32 $0x8000, s16;
	[dreg:$0x13] =	wrdreg s8  }
0x16: {  	s26 =	simm.s32 $0x100;
	s1 =	simm.s32 $0x280;
	[dreg:$0xb] =	wrdreg s21  }
0x17: {  	s5 =	simm.s32 $0x2;
	s10 =	simm.s32 $0xB;
	[dreg:$0xc] =	wrdreg s22  }
0x18: {  	s16 =	simm.s32 $0x5;
	s12 =	sadd.s32 $0x3000, s0;
	[dreg:$0xd] =	wrdreg s23  }
.Ltmp0:
0x19: {  	s0 =	sadd.s32 $0x2B000, s0;
	[dreg:$0xe] =	wrdreg s24;
	(pc) =	sbr.rel .LBB2_1-.Ltmp0, $4  }
0x1a: {  	[dreg:$0xf] =	wrdreg s25;
	s22 =	simm.s32 $0xD;
	s23 =	simm.s32 $0x400  }
0x1b: {  	s24 =	simm.s32 $0x80;
	s21 =	simm.s32 $0x4;
	[dreg:$0x5] =	wrdreg s12  }
0x1c: {  	[dreg:$0xa] =	wrdreg s0;
	s0 =	sshrl.u32 s18, $0x3;
	s12 =	simm.s32 $0x300  }
0x1d: {  	v0 =	vimm.f32 $0.0e+00;
	s18 =	simm.s32 $0x6;
	[dreg:$0x11] =	wrdreg s0;
	s0 =	simm.s32 $0x200  }
.LBB2_6:
0x1e: {  	_ =	swait.ge [sflag:s21], $0x2000  }
0x1f: {  	[sflag:s21] =	ssyncset.done $0x0  }
0x20: {  	[sflag:s21] =	ssyncadd.s32 $0xFFFFE000  }
0x21: {  	_ =	swait.ge [sflag:s18], $0x2000  }
0x22: {  	[sflag:s18] =	ssyncset.done $0x0  }
0x23: {  	s6 =	simm.s32 $0x7;
	[sflag:s18] =	ssyncadd.s32 $0xFFFFE000  }
0x24: {  	[spmem:s3] =	stream.indirect.scatter.add.f32 [tilespmem:s17], [sflag:$0x8], $0x40, s13, s24, $0xb8;
	[tilespmem:$0x1C400] =	vst v63  }
0x25: {  	_ =	swait.ge [sflag:s6], $0x2000  }
0x26: {  	[sflag:s6] =	ssyncset.done $0x0  }
0x27: {  	s25 =	simm.s32 $0x8;
	[sflag:s6] =	ssyncadd.s32 $0xFFFFE000  }
0x28: {  	_ =	swait.ge [sflag:s25], $0x2000  }
0x29: {  	[sflag:s25] =	ssyncset.done $0x0  }
0x2a: {  	[sflag:s25] =	ssyncadd.s32 $0xFFFFE000  }
0x2b: {  	[bflag:$0x0] =	sbarrier.arrive $0xFFFF  }
0x2c: {  	s20 =	rddreg [dreg:$0x6]  }
0x2d: {  	s8 =	rddreg [dreg:$0xa]  }
0x2e: {  	s7 =	simm.s32 $0x10;
	s22 =	rddreg [dreg:$0x11]  }
0x2f: {  	[hbm:s8@s7], [sflag:s20] =	dma.strided [spmem:s22@s25], $0x1400, s19, $0x8   }
0x30: {  	s22 =	simm.s32 $0xD  }
0x31: {  	_ =	swait.ge [sflag:s22], $0x1400  }
0x32: {  	s20 =	rddreg [dreg:$0x12]  }
0x33: {  	s25 =	rddreg [dreg:$0xb];
	s7 =	sadd.s32 $0x1, s20  }
0x34: {  	p0 =	sne.s32 s7, s25  }
.Ltmp1:
0x35: {  	_ = 	snop;
	(pc) =	sbr.rel @!p0 .LBB2_7-.Ltmp1, $3  }
0x36: {  	_ =	sdelay $0x1  }
0x37: {  	[sflag:s22] =	ssyncset.done $0x0  }
0x38: {  	[sflag:s22] =	ssyncadd.s32 $0xFFFFEC00  }
.LBB2_1:
0x39: {  	[dreg:$0x12] =	wrdreg s7  }
0x3a: {  	s6 =	rddreg [dreg:$0x5]  }
0x3b: {  	s7 =	rddreg [dreg:$0x10]  }
0x3c: {  	s20 =	simm.s32 $0x10;
	s25 =	rddreg [dreg:$0x6];
	s8 =	simm.s32 $0x8  }
0x3d: {  	[spmem:s7@s8], [sflag:s25] =	dma.strided [hbm:s6@s20], $0x1400, s19, $0x8   }
0x3e: {  	_ =	swait.ge [sflag:s22], $0x1400  }
0x3f: {  	[sflag:s22] =	ssyncset.done $0x0  }
0x40: {  	s20 =	simm.s32 $0x100;
	s6 =	simm.s32 $0x0;
	[sflag:s22] =	ssyncadd.s32 $0xFFFFEC00  }
.LBB2_2:
0x41: {  	p0 =	sne.s32 s20, $0x7F00;
	[tilespmem:s6+$0x430] =	vst v0;
	s25 =	smov.u32 s20;
	s20 =	sadd.s32 $0x100, s20  }
.Ltmp2:
0x42: {  	[tilespmem:s6+$0x420] =	vst v0;
	(pc) =	sbr.rel @p0 .LBB2_2-.Ltmp2, $3  }
0x43: {  	[tilespmem:s6+$0x400] =	vst v0  }
0x44: {  	[tilespmem:s6+$0x410] =	vst v0;
	_ =	sdelay $0x1  }
0x45: {  	s6 =	sshra.s32 s25, $0x2  }
0x46: {  	[tilespmem:s6+$0x430] =	vst v0  }
0x47: {  	[tilespmem:s6+$0x420] =	vst v0  }
0x48: {  	[tilespmem:s6+$0x400] =	vst v0  }
0x49: {  	[tilespmem:s6+$0x410] =	vst v0;
	s8 =	rddreg [dreg:$0x7]  }
0x4a: {  	[spmem:s8] =	stream.linear.scatter [tilespmem:s23], [sflag:$0xD], $0x2000, $0x38;
	[tilespmem:$0x1C400] =	vst v63  }
0x4b: {  	_ =	swait.ge [sflag:s22], $0x2000  }
0x4c: {  	[sflag:s22] =	ssyncset.done $0x0  }
0x4d: {  	s20 =	rddreg [dreg:$0xc];
	[sflag:s22] =	ssyncadd.s32 $0xFFFFE000  }
0x4e: {  	[spmem:s20] =	stream.linear.scatter [tilespmem:s23], [sflag:$0xD], $0x2000, $0x38;
	[tilespmem:$0x1C400] =	vst v63  }
0x4f: {  	_ =	swait.ge [sflag:s22], $0x2000  }
0x50: {  	[sflag:s22] =	ssyncset.done $0x0  }
0x51: {  	s25 =	rddreg [dreg:$0xd];
	[sflag:s22] =	ssyncadd.s32 $0xFFFFE000  }
0x52: {  	[spmem:s25] =	stream.linear.scatter [tilespmem:s23], [sflag:$0xD], $0x2000, $0x38;
	[tilespmem:$0x1C400] =	vst v63  }
0x53: {  	_ =	swait.ge [sflag:s22], $0x2000  }
0x54: {  	[sflag:s22] =	ssyncset.done $0x0  }
0x55: {  	s7 =	rddreg [dreg:$0xe];
	[sflag:s22] =	ssyncadd.s32 $0xFFFFE000  }
0x56: {  	[spmem:s7] =	stream.linear.scatter [tilespmem:s23], [sflag:$0xD], $0x2000, $0x38;
	[tilespmem:$0x1C400] =	vst v63  }
0x57: {  	_ =	swait.ge [sflag:s22], $0x2000  }
0x58: {  	[sflag:s22] =	ssyncset.done $0x0  }
0x59: {  	s8 =	rddreg [dreg:$0xf];
	[sflag:s22] =	ssyncadd.s32 $0xFFFFE000  }
0x5a: {  	[spmem:s8] =	stream.linear.scatter [tilespmem:s23], [sflag:$0xD], $0x2000, $0x38;
	[tilespmem:$0x1C400] =	vst v63  }
0x5b: {  	_ =	swait.ge [sflag:s22], $0x2000  }
0x5c: {  	[sflag:s22] =	ssyncset.done $0x0  }
0x5d: {  	[sflag:s22] =	ssyncadd.s32 $0xFFFFE000  }
0x5e: {  	[bflag:$0x0] =	sbarrier.arrive $0xFFFF  }
0x5f: {  	s25 =	simm.s32 $0x0;
	s8 =	rddreg [dreg:$0x13]  }
0x60: {  	[tilespmem:s25], [sflag:$0x9] =	stream.linear.gather [hbm4b:s8+s25], $0x80, $0x38;
	[tilespmem:$0x1C400] =	vst v63  }
0x61: {  	_ = 	snop  }
0x62: {  	[tilespmem:s24], [sflag:$0x9] =	stream.linear.gather [hbm4b:s9+s25], $0x80, $0x38;
	[tilespmem:$0x1C400] =	vst v63  }
0x63: {  	s20 =	rddreg [dreg:$0x8]  }
0x64: {  	[tilespmem:s26], [sflag:$0xA] =	stream.linear.gather [hbm4b:s20+s25], $0x80, $0x38;
	[tilespmem:$0x1C400] =	vst v63  }
0x65: {  	s22 =	rddreg [dreg:$0x9]  }
0x66: {  	[tilespmem:s28], [sflag:$0xA] =	stream.linear.gather [hbm4b:s22+s25], $0x80, $0x38;
	[tilespmem:$0x1C400] =	vst v63  }
0x67: {  	_ =	swait.ge [sflag:s29], $0x80  }
0x68: {  	[sflag:s29] =	ssyncset.done $0x0  }
0x69: {  	[sflag:s29] =	ssyncadd.s32 $0xFFFFFF80  }
0x6a: {  	_ =	swait.ge [sflag:s29], $0x80  }
0x6b: {  	[sflag:s29] =	ssyncset.done $0x0  }
0x6c: {  	[sflag:s29] =	ssyncadd.s32 $0xFFFFFF80  }
0x6d: {  	[tilespmem:s23], [sflag:$0x1] =	stream.indirect.gather [spmem:s2], $0x40, s25, s24, $0xb8;
	[tilespmem:$0x1C400] =	vst v63  }
.LBB2_4:
0x6e: {  	_ =	swait.ge [sflag:s19], $0x2000  }
0x6f: {  	[sflag:s19] =	ssyncset.done $0x0  }
0x70: {  	[sflag:s19] =	ssyncadd.s32 $0xFFFFE000  }
0x71: {  	_ =	swait.ge [sflag:s30], $0x80  }
0x72: {  	[sflag:s30] =	ssyncset.done $0x0  }
0x73: {  	[sflag:s30] =	ssyncadd.s32 $0xFFFFFF80  }
0x74: {  	_ =	swait.ge [sflag:s30], $0x80  }
0x75: {  	p0 =	seq.s32 s25, $0x0;
	[sflag:s30] =	ssyncset.done $0x0  }
0x76: {  	s6 =	simm.s32 @!p0 $0x7;
	[sflag:s30] =	ssyncadd.s32 $0xFFFFFF80  }
0x77: {  	_ =	swait.ge @!p0 [sflag:s6], $0x2000  }
0x78: {  	[sflag:s6] =	ssyncset.done @!p0 $0x0  }
0x79: {  	[sflag:s6] =	ssyncadd.s32 @!p0 $0xFFFFE000  }
0x7a: {  	[tilespmem:s31], [sflag:$0x2] =	stream.indirect.gather [spmem:s2], $0x40, s26, s24, $0xb8;
	[tilespmem:$0x1C400] =	vst v63  }
0x7b: {  	s6 =	sadd.s32 s25, s8  }
0x7c: {  	[spmem:s3] =	stream.indirect.scatter.add.f32 [tilespmem:s23], [sflag:$0x5], $0x40, s24, s24, $0xb8;
	[tilespmem:$0x1C400] =	vst v63  }
0x7d: {  	s20 =	sadd.s32 $0x20, s6  }
0x7e: {  	[tilespmem:s0], [sflag:$0xB] =	stream.linear.gather [hbm4b:s20+s4], $0x80, $0x38;
	[tilespmem:$0x1C400] =	vst v63  }
0x7f: {  	s20 =	sadd.s32 s25, s9  }
0x80: {  	s7 =	sadd.s32 $0x20, s20  }
0x81: {  	[tilespmem:s1], [sflag:$0xB] =	stream.linear.gather [hbm4b:s7+s4], $0x80, $0x38;
	[tilespmem:$0x1C400] =	vst v63  }
0x82: {  	_ =	swait.ge [sflag:s5], $0x2000  }
0x83: {  	[sflag:s5] =	ssyncset.done $0x0  }
0x84: {  	[sflag:s5] =	ssyncadd.s32 $0xFFFFE000  }
0x85: {  	_ =	swait.ge [sflag:s10], $0x80  }
0x86: {  	[sflag:s10] =	ssyncset.done $0x0  }
0x87: {  	[sflag:s10] =	ssyncadd.s32 $0xFFFFFF80  }
0x88: {  	_ =	swait.ge [sflag:s10], $0x80  }
0x89: {  	[sflag:s10] =	ssyncset.done $0x0  }
0x8a: {  	s7 =	simm.s32 @!p0 $0x8;
	[sflag:s10] =	ssyncadd.s32 $0xFFFFFF80  }
0x8b: {  	_ =	swait.ge @!p0 [sflag:s7], $0x2000  }
0x8c: {  	[sflag:s7] =	ssyncset.done @!p0 $0x0  }
0x8d: {  	[sflag:s7] =	ssyncadd.s32 @!p0 $0xFFFFE000  }
0x8e: {  	[tilespmem:s11], [sflag:$0x3] =	stream.indirect.gather [spmem:s2], $0x40, s0, s24, $0xb8;
	[tilespmem:$0x1C400] =	vst v63  }
0x8f: {  	_ = 	snop  }
0x90: {  	[spmem:s3] =	stream.indirect.scatter.add.f32 [tilespmem:s31], [sflag:$0x6], $0x40, s28, s24, $0xb8;
	[tilespmem:$0x1C400] =	vst v63  }
0x91: {  	s22 =	sadd.s32 $0x30, s6  }
0x92: {  	[tilespmem:s12], [sflag:$0xC] =	stream.linear.gather [hbm4b:s22+s4], $0x80, $0x38;
	[tilespmem:$0x1C400] =	vst v63  }
0x93: {  	s22 =	sadd.s32 $0x30, s20  }
0x94: {  	[tilespmem:s13], [sflag:$0xC] =	stream.linear.gather [hbm4b:s22+s4], $0x80, $0x38;
	[tilespmem:$0x1C400] =	vst v63  }
0x95: {  	_ =	swait.ge [sflag:s14], $0x2000  }
0x96: {  	[sflag:s14] =	ssyncset.done $0x0  }
0x97: {  	[sflag:s14] =	ssyncadd.s32 $0xFFFFE000  }
0x98: {  	_ =	swait.ge [sflag:s15], $0x80  }
0x99: {  	[sflag:s15] =	ssyncset.done $0x0  }
0x9a: {  	[sflag:s15] =	ssyncadd.s32 $0xFFFFFF80  }
0x9b: {  	_ =	swait.ge [sflag:s15], $0x80  }
0x9c: {  	[sflag:s15] =	ssyncset.done $0x0  }
0x9d: {  	[sflag:s15] =	ssyncadd.s32 $0xFFFFFF80  }
0x9e: {  	p0 =	seq.s32 s25, $0x9C0;
	_ =	swait.ge [sflag:s16], $0x2000  }
.Ltmp3:
0x9f: {  	[sflag:s16] =	ssyncset.done $0x0;
	(pc) =	sbr.rel @p0 .LBB2_6-.Ltmp3, $4  }
0xa0: {  	[sflag:s16] =	ssyncadd.s32 $0xFFFFE000  }
0xa1: {  	[tilespmem:s17], [sflag:$0x4] =	stream.indirect.gather [spmem:s2], $0x40, s12, s24, $0xb8;
	[tilespmem:$0x1C400] =	vst v63  }
0xa2: {  	_ = 	snop  }
0xa3: {  	[spmem:s3] =	stream.indirect.scatter.add.f32 [tilespmem:s11], [sflag:$0x7], $0x40, s1, s24, $0xb8;
	[tilespmem:$0x1C400] =	vst v63  }
0xa4: {  	s7 =	sadd.s32 $0x40, s6  }
0xa5: {  	[tilespmem:s4], [sflag:$0x9] =	stream.linear.gather [hbm4b:s7+s4], $0x80, $0x38;
	[tilespmem:$0x1C400] =	vst v63  }
0xa6: {  	s22 =	sadd.s32 $0x40, s20  }
0xa7: {  	[tilespmem:s24], [sflag:$0x9] =	stream.linear.gather [hbm4b:s22+s4], $0x80, $0x38;
	[tilespmem:$0x1C400] =	vst v63  }
0xa8: {  	_ =	swait.ge [sflag:s21], $0x2000  }
0xa9: {  	[sflag:s21] =	ssyncset.done $0x0  }
0xaa: {  	[sflag:s21] =	ssyncadd.s32 $0xFFFFE000  }
0xab: {  	_ =	swait.ge [sflag:s29], $0x80  }
0xac: {  	[sflag:s29] =	ssyncset.done $0x0  }
0xad: {  	[sflag:s29] =	ssyncadd.s32 $0xFFFFFF80  }
0xae: {  	_ =	swait.ge [sflag:s29], $0x80  }
0xaf: {  	[sflag:s29] =	ssyncset.done $0x0  }
0xb0: {  	[sflag:s29] =	ssyncadd.s32 $0xFFFFFF80  }
0xb1: {  	_ =	swait.ge [sflag:s18], $0x2000  }
0xb2: {  	[sflag:s18] =	ssyncset.done $0x0  }
0xb3: {  	[sflag:s18] =	ssyncadd.s32 $0xFFFFE000  }
0xb4: {  	[tilespmem:s23], [sflag:$0x1] =	stream.indirect.gather [spmem:s2], $0x40, s4, s24, $0xb8;
	[tilespmem:$0x1C400] =	vst v63  }
0xb5: {  	_ = 	snop  }
0xb6: {  	[spmem:s3] =	stream.indirect.scatter.add.f32 [tilespmem:s17], [sflag:$0x8], $0x40, s13, s24, $0xb8;
	[tilespmem:$0x1C400] =	vst v63  }
.Ltmp4:
0xb7: {  	_ = 	snop;
	(pc) =	sbr.rel .LBB2_4-.Ltmp4, $4  }
0xb8: {  	s7 =	sadd.s32 $0x50, s6  }
0xb9: {  	[tilespmem:s26], [sflag:$0xA] =	stream.linear.gather [hbm4b:s7+s4], $0x80, $0x38;
	[tilespmem:$0x1C400] =	vst v63  }
0xba: {  	s25 =	sadd.s32 $0x40, s25;
	s22 =	sadd.s32 $0x50, s20  }
0xbb: {  	[tilespmem:s28], [sflag:$0xA] =	stream.linear.gather [hbm4b:s22+s4], $0x80, $0x38;
	[tilespmem:$0x1C400] =	vst v63  }
.LBB2_7:
0xbc: {  	_ =	sfence.sel $0x180000  }
0xbd: {  	[bflag:$0x0] =	sbarrier.arrive $0xFFFF  }
0xbe: {  	_ =	strace $0x9000004A  }
0xbf: {  	s0 =	stileid.u32;
	[bflag:$0x2] =	sbarrier.arrive $0xFFFF  }
0xc0: {  	p0 =	sne.s32 s0, $0x0;
	s0 =	rddreg [dreg:$0x4]  }
0xc1: {  	s0 =	sadd.s32 @!p0 $0x100000, s0  }
0xc2: {  	[sflag:s0] =	ssyncadd.tile.s32 @!p0 $0x1;
	_ =	shalt  }
.Lfunc_end2:
_tile_overlayer_lowered:
.L_overlay_start_2:
0xc3: {  	(tag) =	ssettag $0x2  }
0xc4: {  	s0 =	rddreg [dreg:$0x0];
	s2 =	stileid.u32  }
0xc5: {  	s1 =	rddreg [dreg:$0x1];
	p0 =	sne.s32 s2, $0x0  }
0xc6: {  	s3 =	rddreg [dreg:$0x2];
	[bflag:$0x3] =	sbarrier.arrive $0xFFFF;
	s2 =	simm.s32 @!p0 $0x1C0D  }
0xc7: {  	[timem:s3], [sflag:s2] =	dma.local @!p0 [hbm:s0], s1  }
0xc8: {  	s0 =	simm.s32 @!p0 $0xD  }
0xc9: {  	_ =	swait.ge @!p0 [sflag:s0], s1  }
0xca: {  	s1 =	ssub.s32 @!p0 $0x0, s1;
	[sflag:s0] =	ssyncset.done @!p0 $0x0  }
0xcb: {  	[sflag:s0] =	ssyncadd.s32 @!p0 s1  }
0xcc: {  	[bflag:$0x3] =	sbarrier.arrive $0xFFFF  }
0xcd: {  	_ =	shalt  }

// kernel: kernel.16.cloned.1.call-start
scs
__scs_entry_jumppad:
0x0: {  	(pc) =	sbr.rel $0x88, $3  }
0x1: {  	(tag) =	ssettag $0x0;
	lr =	simm.s32 $0x1  }
0x2: {  	[smem:$0x3F99] =	sst lr;
	_ =	strace $0xD0000000  }
0x3: {  	_ = 	snop  }
0x4: {  	_ = 	snop  }
0x5: {  	_ = 	snop  }
0x6: {  	_ = 	snop  }
0x7: {  	_ = 	snop  }
__scs_overlays_trampoline_lowered:
0x8: {  	[smem:$0x3FA8] =	sst s0  }
0x9: {  	[smem:$0x3FA9] =	sst s1  }
0xa: {  	[smem:$0x3FAA] =	sst s2  }
0xb: {  	[smem:$0x3FAB] =	sst s3  }
0xc: {  	[smem:$0x3FAC] =	sst s4  }
0xd: {  	[smem:$0x3FAD] =	sst s5  }
0xe: {  	[smem:$0x3FAE] =	sst s6  }
0xf: {  	[smem:$0x3FAF] =	sst s7  }
0x10: {  	[smem:$0x3FB0] =	sst s8  }
0x11: {  	[smem:$0x3FB1] =	sst s9;
	s0 =	simm.s32 @!p0 $0x0  }
0x12: {  	s1 =	sld [smem:$0x3F97];
	s0 =	simm.s32 @p0 $0x1  }
0x13: {  	[smem:$0x3FB2] =	sst s0;
	s0 =	simm.s32 @!p1 $0x0  }
0x14: {  	s2 =	sld [smem:$0x3F96];
	s0 =	simm.s32 @p1 $0x1  }
0x15: {  	[smem:$0x3FB3] =	sst s0;
	s0 =	simm.s32 @!p2 $0x0  }
0x16: {  	s3 =	sld [smem:$0x3FDB];
	s0 =	simm.s32 @p2 $0x1  }
0x17: {  	s4 =	simm.s32 $0x1BF5;
	[smem:$0x3FB5] =	sst s0  }
0x18: {  	s0 =	sld [smem:$0x3F98];
	_ =	swait.ge [sflag:s4], $0x0  }
0x19: {  	s7 =	sld [smem:$0x3F99]  }
0x1a: {  	s8 =	sadd.s32 $0xFFFFE003, lr  }
0x1b: {  	s9 =	sadd.s32 $0xFFFFFEF7, lr;
	s5 =	simm.s32 $0xFFFFFFFF;
	p2 =	slt.u32 s8, $0xFFFFF086  }
0x1c: {  	p1 =	slt.u32 s9, $0xF7A;
	s5 =	simm.s32 @!p2 $0x0  }
0x1d: {  	s5 =	simm.s32 @p1 $0x1;
	p0 =	seq.s32 s7, s2  }
0x1e: {  	s7 =	smul.u32 @!p0 $0xF7A, s2;
	p2 =	seq.s32 @!p0 s5, $0x0  }
0x1f: {  	s9 =	smul.u32 $0xF7A, s1;
	s8 =	simm.s32 @!p0 $0x1BF5;
	p2 =	por !p2, p0  }
0x20: {  	[sflag:s8] =	ssyncset.s32 @!p0 $0xFFFFF086;
	s6 =	sadd.s32 @!p0 s3, s7;
	s7 =	simm.s32 @!p0 $0x108  }
0x21: {  	s3 =	sadd.s32 s3, s9;
	s6 =	sadd.s32 @!p0 $0x88, s6;
	s7 =	simm.s32 @p2 $0x1082  }
0x22: {  	[simem:s7], [sflag:s8] =	dma.local @!p0 [hbm:s6], $0xF7A  }
0x23: {  	s9 =	sor.u32 $0xD0000000, s2;
	s6 =	simm.s32 $0x108;
	_ =	swait.ge @!p0 [sflag:s8], $0x0  }
0x24: {  	s3 =	sadd.s32 $0x88, s3;
	s6 =	simm.s32 @!p1 $0x1082;
	[sflag:s4] =	ssyncset.s32 $0xFFFFF086  }
0x25: {  	[simem:s6], [sflag:s4] =	dma.local [hbm:s3], $0xF7A  }
0x26: {  	[smem:$0x3F99] =	sst s1;
	(tag) =	ssettag s2;
	_ =	strace s9  }
0x27: {  	s1 =	sld [smem:$0x3FA9]  }
0x28: {  	s2 =	sld [smem:$0x3FAA]  }
0x29: {  	s4 =	sld [smem:$0x3FAC]  }
0x2a: {  	p0 =	seq.s32 s5, $0x0;
	s5 =	sld [smem:$0x3FAD]  }
0x2b: {  	s6 =	sld [smem:$0x3FAE]  }
0x2c: {  	s7 =	sld [smem:$0x3FAF]  }
0x2d: {  	s3 =	simm.s32 $0x108;
	s8 =	sld [smem:$0x3FB0]  }
0x2e: {  	s3 =	simm.s32 @!p0 $0x1082;
	s9 =	sld [smem:$0x3FB1]  }
0x2f: {  	lr =	sadd.s32 s0, s3;
	s0 =	sld [smem:$0x3FA8]  }
0x30: {  	s3 =	sld [smem:$0x3FAB]  }
0x31: {  	[smem:$0x3FB4] =	sst s10  }
0x32: {  	s10 =	sld [smem:$0x3FB2];
	_ =	sdelay $0x3  }
0x33: {  	p0 =	seq.s32 s10, $0x1;
	s10 =	sld [smem:$0x3FB4];
	_ =	sdelay $0x3  }
0x34: {  	[smem:$0x3FB4] =	sst s10  }
0x35: {  	s10 =	sld [smem:$0x3FB3];
	_ =	sdelay $0x3  }
0x36: {  	p1 =	seq.s32 s10, $0x1;
	s10 =	sld [smem:$0x3FB4];
	_ =	sdelay $0x3  }
0x37: {  	[smem:$0x3FB4] =	sst s10  }
0x38: {  	s10 =	sld [smem:$0x3FB5]  }
0x39: {  	_ = 	snop;
	(pc) =	sbr.ind lr, $3  }
0x3a: {  	_ = 	snop  }
0x3b: {  	_ = 	snop  }
0x3c: {  	p2 =	seq.s32 s10, $0x1;
	s10 =	sld [smem:$0x3FB4]  }
0x3d: {  	_ =	shalt  }
0x3e: {  	_ =	shalt  }
0x3f: {  	_ =	shalt  }
0x40: {  	_ =	shalt  }
0x41: {  	_ =	shalt  }
0x42: {  	_ =	shalt  }
0x43: {  	_ =	shalt  }
0x44: {  	_ =	shalt  }
0x45: {  	_ =	shalt  }
0x46: {  	_ =	shalt  }
0x47: {  	_ =	shalt  }
0x48: {  	_ =	shalt  }
0x49: {  	_ =	shalt  }
0x4a: {  	_ =	shalt  }
0x4b: {  	_ =	shalt  }
0x4c: {  	_ =	shalt  }
0x4d: {  	_ =	shalt  }
0x4e: {  	_ =	shalt  }
0x4f: {  	_ =	shalt  }
0x50: {  	_ =	shalt  }
0x51: {  	_ =	shalt  }
0x52: {  	_ =	shalt  }
0x53: {  	_ =	shalt  }
0x54: {  	_ =	shalt  }
0x55: {  	_ =	shalt  }
0x56: {  	_ =	shalt  }
0x57: {  	_ =	shalt  }
0x58: {  	_ =	shalt  }
0x59: {  	_ =	shalt  }
0x5a: {  	_ =	shalt  }
0x5b: {  	_ =	shalt  }
0x5c: {  	_ =	shalt  }
0x5d: {  	_ =	shalt  }
0x5e: {  	_ =	shalt  }
0x5f: {  	_ =	shalt  }
0x60: {  	_ =	shalt  }
0x61: {  	_ =	shalt  }
0x62: {  	_ =	shalt  }
0x63: {  	_ =	shalt  }
0x64: {  	_ =	shalt  }
0x65: {  	_ =	shalt  }
0x66: {  	_ =	shalt  }
0x67: {  	_ =	shalt  }
0x68: {  	_ =	shalt  }
0x69: {  	_ =	shalt  }
0x6a: {  	_ =	shalt  }
0x6b: {  	_ =	shalt  }
0x6c: {  	_ =	shalt  }
0x6d: {  	_ =	shalt  }
0x6e: {  	_ =	shalt  }
0x6f: {  	_ =	shalt  }
0x70: {  	_ =	shalt  }
0x71: {  	_ =	shalt  }
0x72: {  	_ =	shalt  }
0x73: {  	_ =	shalt  }
0x74: {  	_ =	shalt  }
0x75: {  	_ =	shalt  }
0x76: {  	_ =	shalt  }
0x77: {  	_ =	shalt  }
0x78: {  	_ =	shalt  }
0x79: {  	_ =	shalt  }
0x7a: {  	_ =	shalt  }
0x7b: {  	_ =	shalt  }
0x7c: {  	_ =	shalt  }
0x7d: {  	_ =	shalt  }
0x7e: {  	_ =	shalt  }
0x7f: {  	_ =	shalt  }
0x80: {  	_ =	shalt  }
0x81: {  	_ =	shalt  }
0x82: {  	_ =	shalt  }
0x83: {  	_ =	shalt  }
0x84: {  	_ =	shalt  }
0x85: {  	_ =	shalt  }
0x86: {  	_ =	shalt  }
0x87: {  	_ =	shalt  }
.Lfunc_end0:
.L_simem_size_0:
called_computation.2_lowered:
.L_overlay_start_0:
0x88: {  	s2 =	sld [smem:$0x3FD9]  }
0x89: {  	s3 =	sld [smem:$0x3FFE];
	_ =	sdelay $0x1  }
0x8a: {  	s1 =	srdreg.scid  }
0x8b: {  	s0 =	sand.u32 $0x1, s1  }
0x8c: {  	s17 =	sshll.u32 s0, $0xA;
	s2 =	sadd.s32 s3, s2  }
0x8d: {  	s2 =	sadd.s32 s2, s17  }
0x8e: {  	[smem:$0x3FC0] =	sst s2  }
0x8f: {  	_ = 	snop  }
0x90: {  	s2 =	sld [smem:$0x3FD0];
	(tm) =	ssettm $0x1  }
0x91: {  	s18 =	sld [smem:$0x3FFB];
	_ =	sdelay $0x3  }
0x92: {  	_ =	strace s18  }
0x93: {  	s3 =	sld [smem:$0x3FFC];
	_ =	sdelay $0x3  }
0x94: {  	_ =	strace s3  }
0x95: {  	s3 =	sld [smem:$0x3FFD];
	_ =	sdelay $0x3  }
0x96: {  	_ =	strace s3  }
0x97: {  	_ =	strace $0x8FFFFFFF  }
0x98: {  	s19 =	sld [smem:$0x3FDB];
	_ =	sdelay $0x1  }
0x99: {  	s4 =	simm.s32 $_scs_section_size  }
0x9a: {  	s5 =	simm.s32 $_size__tile_overlayer_lowered;
	s6 =	simm.s32 $_tile_overlayer_lowered  }
0x9b: {  	s22 =	simm.s32 $0x1BFF;
	s21 =	sshll.u32 s6, $0x1;
	s3 =	sadd.s32 s4, s19  }
0x9c: {  	s7 =	simm.s32 $0x0;
	s20 =	sshll.u32 s5, $0x1;
	s5 =	sadd.s32 s21, s3  }
0x9d: {  	[timem:s7], [sflag:s22] =	dma.local [hbm:s5], s20  }
0x9e: {  	_ =	swait.ge [sflag:s22], s20  }
0x9f: {  	s4 =	ssub.s32 $0x0, s20;
	[sflag:s22] =	ssyncset.done $0x0  }
0xa0: {  	[sflag:s22] =	ssyncadd.s32 s4;
	_ =	sdelay $0x1  }
0xa1: {  	s23 =	simm.s32 $0x1B8B  }
0xa2: {  	_ =	swait.ge [sflag:s23], $0x1  }
0xa3: {  	[sflag:s23] =	ssyncset.done $0x0  }
0xa4: {  	s25 =	simm.s32 $0x1B8E;
	s24 =	sld [smem:$0x3FFE];
	[sflag:s23] =	ssyncadd.s32 $0xFFFFFFFF  }
0xa5: {  	s26 =	simm.s32 $execute0_lowered;
	[smem:$0x3FD2] =	sst s25  }
0xa6: {  	s5 =	sshll.u32 s26, $0x1;
	_ =	strace $0x8000004C;
	[dreg:$0x1] =	wrdreg $0xFFFFFFFF  }
0xa7: {  	s28 =	simm.s32 $_size_execute0_lowered;
	s3 =	sadd.s32 s3, s5;
	[dreg:$0x0] =	wrdreg $0x0  }
0xa8: {  	s5 =	sshll.u32 s28, $0x1;
	[dreg:$0x2] =	wrdreg s3  }
0xa9: {  	[dreg:$0x3] =	wrdreg s5  }
0xaa: {  	[dreg:$0x4] =	wrdreg $0xC0  }
0xab: {  	_ =	task [dreg:s7], $0x5FFFF  }
0xac: {  	[dreg:$0x1] =	wrdreg $0xFFFFFFFF  }
0xad: {  	[dreg:$0x0] =	wrdreg $0x60  }
0xae: {  	[dreg:$0x2] =	wrdreg s24  }
0xaf: {  	[dreg:$0x3] =	wrdreg s2  }
0xb0: {  	[dreg:$0x4] =	wrdreg $0x84000  }
0xb1: {  	[dreg:$0x5] =	wrdreg $0x124000  }
0xb2: {  	[dreg:$0x6] =	wrdreg $0x9  }
0xb3: {  	_ =	task.clear_ibuf [dreg:s7], $0x7FFFF;
	_ =	strace $0x9000004C  }
0xb4: {  	s29 =	simm.s32 $0x9;
	_ =	strace $0x8000004E  }
0xb5: {  	_ =	swait.ge [sflag:s29], $0x1  }
0xb6: {  	[sflag:s29] =	ssyncadd.s32 $0xFFFFFFFF  }
0xb7: {  	_ =	strace $0x9000004E  }
0xb8: {  	_ =	sfence  }
0xb9: {  	s30 =	sld [smem:$0x0];
	_ =	sdelay $0x2  }
0xba: {  	s31 =	sshll.u32 s1, $0xD;
	s1 =	sshrl.u32 s1, $0x2  }
0xbb: {  	s3 =	sand.u32 $0x4000, s31;
	s1 =	sadd.s32 s1, s30  }
0xbc: {  	s0 =	sor.u32 s3, s0;
	s1 =	sshll.u32 s1, $0x11  }
0xbd: {  	s0 =	sor.u32 s1, s0  }
0xbe: {  	s0 =	sadd.s32 $0x8F2B, s0  }
0xbf: {  	[sflag:s0] =	ssyncadd.remote.s32 $0x1  }
0xc0: {  	_ =	sfence.sel $0xFFFF  }
0xc1: {  	[dreg:$0x0] =	wrdreg $0xFFFFFFFF;
	(pc) =	sbr.abs _section_cstart, $3  }
0xc2: {  	[dreg:$0x1] =	wrdreg $0xFFFFFFFF  }
0xc3: {  	_ =	task.clear_ibuf [dreg:s7], $0x2FFFF;
	_ =	strace $0x9FFFFFFF  }
0xc4: {  	(tm) =	ssettm $0x7FFFFFFF  }
0xc5: {  	_ =	shalt  }
tec
execute0_lowered:
.L_overlay_start_1:
0x0: {  	(tag) =	ssettag $0x1  }
0x1: {  	s0 =	rddreg [dreg:$0x0]  }
0x2: {  	s1 =	rddreg [dreg:$0x1]  }
0x3: {  	s2 =	rddreg [dreg:$0x2]  }
0x4: {  	s3 =	rddreg [dreg:$0x3];
	s5 =	srdreg.scid  }
0x5: {  	s11 =	stileid.u32;
	s4 =	simm.s32 $0x0;
	s19 =	simm.s32 $0x1  }
0x6: {  	s28 =	simm.s32 $0x180;
	s29 =	simm.s32 $0x9;
	s6 =	smul.u32 $0x14000, s11  }
0x7: {  	s30 =	simm.s32 $0xA;
	s31 =	simm.s32 $0x2400;
	s13 =	smul.u32 $0xA000, s11  }
0x8: {  	s5 =	sand.u32 $0x1, s5;
	[smem:$0x7FF] =	sst s4;
	s8 =	smul.u32 $0x28000, s11  }
0x9: {  	s10 =	sadd.s32 $0x53000, s0;
	s9 =	smul.u32 $0xA00, s11;
	s11 =	sshll.u32 s11, $0x6  }
0xa: {  	s7 =	sshll.u32 s5, $0x6;
	_ =	strace $0x8000004D;
	s5 =	ssub.s32 $0x2, s5  }
0xb: {  	s20 =	sor.u32 $0x1C0D, s11;
	s11 =	simm.s32 $0x4400;
	s6 =	sor.u32 s7, s6  }
0xc: {  	s14 =	sshrl.u32 s5, $0x1;
	s15 =	sadd.s32 s13, s2;
	s8 =	sshrl.u32 s8, $0x2  }
0xd: {  	s17 =	sor.u32 $0x10, s9;
	s18 =	sadd.s32 s13, s3;
	s13 =	simm.s32 $0x380  }
0xe: {  	s7 =	simm.s32 $0x0;
	[dreg:$0x6] =	wrdreg s20;
	s6 =	sshrl.u32 s6, $0x3  }
0xf: {  	s5 =	ssub.s32 s5, s14;
	s16 =	sadd.s32 s8, s3;
	s8 =	sadd.s32 s10, s9  }
0x10: {  	s9 =	sadd.s32 s1, s9;
	s10 =	sadd.s32 s10, s17;
	s1 =	sadd.s32 s1, s17  }
0x11: {  	s26 =	sshrl.u32 s15, $0x3;
	s14 =	simm.s32 $0x3;
	[dreg:$0x8] =	wrdreg s10  }
0x12: {  	s15 =	simm.s32 $0xC;
	s17 =	simm.s32 $0x6400;
	[dreg:$0x9] =	wrdreg s1  }
0x13: {  	s0 =	sadd.s32 s6, s0;
	s21 =	smax.u32 s5, $0x1;
	[dreg:$0x7] =	wrdreg s16  }
0x14: {  	s22 =	sadd.s32 $0x2000, s16;
	s23 =	sadd.s32 $0x4000, s16;
	[dreg:$0x10] =	wrdreg s26  }
0x15: {  	s24 =	sadd.s32 $0x6000, s16;
	s25 =	sadd.s32 $0x8000, s16;
	[dreg:$0x13] =	wrdreg s8  }
0x16: {  	s26 =	simm.s32 $0x100;
	s1 =	simm.s32 $0x280;
	[dreg:$0xb] =	wrdreg s21  }
0x17: {  	s5 =	simm.s32 $0x2;
	s10 =	simm.s32 $0xB;
	[dreg:$0xc] =	wrdreg s22  }
0x18: {  	s16 =	simm.s32 $0x5;
	s12 =	sadd.s32 $0x3000, s0;
	[dreg:$0xd] =	wrdreg s23  }
.Ltmp0:
0x19: {  	s0 =	sadd.s32 $0x2B000, s0;
	[dreg:$0xe] =	wrdreg s24;
	(pc) =	sbr.rel .LBB2_1-.Ltmp0, $4  }
0x1a: {  	[dreg:$0xf] =	wrdreg s25;
	s22 =	simm.s32 $0xD;
	s23 =	simm.s32 $0x400  }
0x1b: {  	s24 =	simm.s32 $0x80;
	s21 =	simm.s32 $0x4;
	[dreg:$0x5] =	wrdreg s12  }
0x1c: {  	[dreg:$0xa] =	wrdreg s0;
	s0 =	sshrl.u32 s18, $0x3;
	s12 =	simm.s32 $0x300  }
0x1d: {  	v0 =	vimm.f32 $0.0e+00;
	s18 =	simm.s32 $0x6;
	[dreg:$0x11] =	wrdreg s0;
	s0 =	simm.s32 $0x200  }
.LBB2_6:
0x1e: {  	_ =	swait.ge [sflag:s21], $0x2000  }
0x1f: {  	[sflag:s21] =	ssyncset.done $0x0  }
0x20: {  	[sflag:s21] =	ssyncadd.s32 $0xFFFFE000  }
0x21: {  	_ =	swait.ge [sflag:s18], $0x2000  }
0x22: {  	[sflag:s18] =	ssyncset.done $0x0  }
0x23: {  	s6 =	simm.s32 $0x7;
	[sflag:s18] =	ssyncadd.s32 $0xFFFFE000  }
0x24: {  	[spmem:s3] =	stream.indirect.scatter.add.f32 [tilespmem:s17], [sflag:$0x8], $0x40, s13, s24, $0xb8;
	[tilespmem:$0x1C400] =	vst v63  }
0x25: {  	_ =	swait.ge [sflag:s6], $0x2000  }
0x26: {  	[sflag:s6] =	ssyncset.done $0x0  }
0x27: {  	s25 =	simm.s32 $0x8;
	[sflag:s6] =	ssyncadd.s32 $0xFFFFE000  }
0x28: {  	_ =	swait.ge [sflag:s25], $0x2000  }
0x29: {  	[sflag:s25] =	ssyncset.done $0x0  }
0x2a: {  	[sflag:s25] =	ssyncadd.s32 $0xFFFFE000  }
0x2b: {  	[bflag:$0x0] =	sbarrier.arrive $0xFFFF  }
0x2c: {  	s20 =	rddreg [dreg:$0x6]  }
0x2d: {  	s8 =	rddreg [dreg:$0xa]  }
0x2e: {  	s7 =	simm.s32 $0x10;
	s22 =	rddreg [dreg:$0x11]  }
0x2f: {  	[hbm:s8@s7], [sflag:s20] =	dma.strided [spmem:s22@s25], $0x1400, s19, $0x8   }
0x30: {  	s22 =	simm.s32 $0xD  }
0x31: {  	_ =	swait.ge [sflag:s22], $0x1400  }
0x32: {  	s20 =	rddreg [dreg:$0x12]  }
0x33: {  	s25 =	rddreg [dreg:$0xb];
	s7 =	sadd.s32 $0x1, s20  }
0x34: {  	p0 =	sne.s32 s7, s25  }
.Ltmp1:
0x35: {  	_ = 	snop;
	(pc) =	sbr.rel @!p0 .LBB2_7-.Ltmp1, $3  }
0x36: {  	_ =	sdelay $0x1  }
0x37: {  	[sflag:s22] =	ssyncset.done $0x0  }
0x38: {  	[sflag:s22] =	ssyncadd.s32 $0xFFFFEC00  }
.LBB2_1:
0x39: {  	[dreg:$0x12] =	wrdreg s7  }
0x3a: {  	s6 =	rddreg [dreg:$0x5]  }
0x3b: {  	s7 =	rddreg [dreg:$0x10]  }
0x3c: {  	s20 =	simm.s32 $0x10;
	s25 =	rddreg [dreg:$0x6];
	s8 =	simm.s32 $0x8  }
0x3d: {  	[spmem:s7@s8], [sflag:s25] =	dma.strided [hbm:s6@s20], $0x1400, s19, $0x8   }
0x3e: {  	_ =	swait.ge [sflag:s22], $0x1400  }
0x3f: {  	[sflag:s22] =	ssyncset.done $0x0  }
0x40: {  	s20 =	simm.s32 $0x100;
	s6 =	simm.s32 $0x0;
	[sflag:s22] =	ssyncadd.s32 $0xFFFFEC00  }
.LBB2_2:
0x41: {  	p0 =	sne.s32 s20, $0x7F00;
	[tilespmem:s6+$0x430] =	vst v0;
	s25 =	smov.u32 s20;
	s20 =	sadd.s32 $0x100, s20  }
.Ltmp2:
0x42: {  	[tilespmem:s6+$0x420] =	vst v0;
	(pc) =	sbr.rel @p0 .LBB2_2-.Ltmp2, $3  }
0x43: {  	[tilespmem:s6+$0x400] =	vst v0  }
0x44: {  	[tilespmem:s6+$0x410] =	vst v0;
	_ =	sdelay $0x1  }
0x45: {  	s6 =	sshra.s32 s25, $0x2  }
0x46: {  	[tilespmem:s6+$0x430] =	vst v0  }
0x47: {  	[tilespmem:s6+$0x420] =	vst v0  }
0x48: {  	[tilespmem:s6+$0x400] =	vst v0  }
0x49: {  	[tilespmem:s6+$0x410] =	vst v0;
	s8 =	rddreg [dreg:$0x7]  }
0x4a: {  	[spmem:s8] =	stream.linear.scatter [tilespmem:s23], [sflag:$0xD], $0x2000, $0x38;
	[tilespmem:$0x1C400] =	vst v63  }
0x4b: {  	_ =	swait.ge [sflag:s22], $0x2000  }
0x4c: {  	[sflag:s22] =	ssyncset.done $0x0  }
0x4d: {  	s20 =	rddreg [dreg:$0xc];
	[sflag:s22] =	ssyncadd.s32 $0xFFFFE000  }
0x4e: {  	[spmem:s20] =	stream.linear.scatter [tilespmem:s23], [sflag:$0xD], $0x2000, $0x38;
	[tilespmem:$0x1C400] =	vst v63  }
0x4f: {  	_ =	swait.ge [sflag:s22], $0x2000  }
0x50: {  	[sflag:s22] =	ssyncset.done $0x0  }
0x51: {  	s25 =	rddreg [dreg:$0xd];
	[sflag:s22] =	ssyncadd.s32 $0xFFFFE000  }
0x52: {  	[spmem:s25] =	stream.linear.scatter [tilespmem:s23], [sflag:$0xD], $0x2000, $0x38;
	[tilespmem:$0x1C400] =	vst v63  }
0x53: {  	_ =	swait.ge [sflag:s22], $0x2000  }
0x54: {  	[sflag:s22] =	ssyncset.done $0x0  }
0x55: {  	s7 =	rddreg [dreg:$0xe];
	[sflag:s22] =	ssyncadd.s32 $0xFFFFE000  }
0x56: {  	[spmem:s7] =	stream.linear.scatter [tilespmem:s23], [sflag:$0xD], $0x2000, $0x38;
	[tilespmem:$0x1C400] =	vst v63  }
0x57: {  	_ =	swait.ge [sflag:s22], $0x2000  }
0x58: {  	[sflag:s22] =	ssyncset.done $0x0  }
0x59: {  	s8 =	rddreg [dreg:$0xf];
	[sflag:s22] =	ssyncadd.s32 $0xFFFFE000  }
0x5a: {  	[spmem:s8] =	stream.linear.scatter [tilespmem:s23], [sflag:$0xD], $0x2000, $0x38;
	[tilespmem:$0x1C400] =	vst v63  }
0x5b: {  	_ =	swait.ge [sflag:s22], $0x2000  }
0x5c: {  	[sflag:s22] =	ssyncset.done $0x0  }
0x5d: {  	[sflag:s22] =	ssyncadd.s32 $0xFFFFE000  }
0x5e: {  	[bflag:$0x0] =	sbarrier.arrive $0xFFFF  }
0x5f: {  	s25 =	simm.s32 $0x0;
	s8 =	rddreg [dreg:$0x13]  }
0x60: {  	[tilespmem:s25], [sflag:$0x9] =	stream.linear.gather [hbm4b:s8+s25], $0x80, $0x38;
	[tilespmem:$0x1C400] =	vst v63  }
0x61: {  	_ = 	snop  }
0x62: {  	[tilespmem:s24], [sflag:$0x9] =	stream.linear.gather [hbm4b:s9+s25], $0x80, $0x38;
	[tilespmem:$0x1C400] =	vst v63  }
0x63: {  	s20 =	rddreg [dreg:$0x8]  }
0x64: {  	[tilespmem:s26], [sflag:$0xA] =	stream.linear.gather [hbm4b:s20+s25], $0x80, $0x38;
	[tilespmem:$0x1C400] =	vst v63  }
0x65: {  	s22 =	rddreg [dreg:$0x9]  }
0x66: {  	[tilespmem:s28], [sflag:$0xA] =	stream.linear.gather [hbm4b:s22+s25], $0x80, $0x38;
	[tilespmem:$0x1C400] =	vst v63  }
0x67: {  	_ =	swait.ge [sflag:s29], $0x80  }
0x68: {  	[sflag:s29] =	ssyncset.done $0x0  }
0x69: {  	[sflag:s29] =	ssyncadd.s32 $0xFFFFFF80  }
0x6a: {  	_ =	swait.ge [sflag:s29], $0x80  }
0x6b: {  	[sflag:s29] =	ssyncset.done $0x0  }
0x6c: {  	[sflag:s29] =	ssyncadd.s32 $0xFFFFFF80  }
0x6d: {  	[tilespmem:s23], [sflag:$0x1] =	stream.indirect.gather [spmem:s2], $0x40, s25, s24, $0xb8;
	[tilespmem:$0x1C400] =	vst v63  }
.LBB2_4:
0x6e: {  	_ =	swait.ge [sflag:s19], $0x2000  }
0x6f: {  	[sflag:s19] =	ssyncset.done $0x0  }
0x70: {  	[sflag:s19] =	ssyncadd.s32 $0xFFFFE000  }
0x71: {  	_ =	swait.ge [sflag:s30], $0x80  }
0x72: {  	[sflag:s30] =	ssyncset.done $0x0  }
0x73: {  	[sflag:s30] =	ssyncadd.s32 $0xFFFFFF80  }
0x74: {  	_ =	swait.ge [sflag:s30], $0x80  }
0x75: {  	p0 =	seq.s32 s25, $0x0;
	[sflag:s30] =	ssyncset.done $0x0  }
0x76: {  	s6 =	simm.s32 @!p0 $0x7;
	[sflag:s30] =	ssyncadd.s32 $0xFFFFFF80  }
0x77: {  	_ =	swait.ge @!p0 [sflag:s6], $0x2000  }
0x78: {  	[sflag:s6] =	ssyncset.done @!p0 $0x0  }
0x79: {  	[sflag:s6] =	ssyncadd.s32 @!p0 $0xFFFFE000  }
0x7a: {  	[tilespmem:s31], [sflag:$0x2] =	stream.indirect.gather [spmem:s2], $0x40, s26, s24, $0xb8;
	[tilespmem:$0x1C400] =	vst v63  }
0x7b: {  	s6 =	sadd.s32 s25, s8  }
0x7c: {  	[spmem:s3] =	stream.indirect.scatter.add.f32 [tilespmem:s23], [sflag:$0x5], $0x40, s24, s24, $0xb8;
	[tilespmem:$0x1C400] =	vst v63  }
0x7d: {  	s20 =	sadd.s32 $0x20, s6  }
0x7e: {  	[tilespmem:s0], [sflag:$0xB] =	stream.linear.gather [hbm4b:s20+s4], $0x80, $0x38;
	[tilespmem:$0x1C400] =	vst v63  }
0x7f: {  	s20 =	sadd.s32 s25, s9  }
0x80: {  	s7 =	sadd.s32 $0x20, s20  }
0x81: {  	[tilespmem:s1], [sflag:$0xB] =	stream.linear.gather [hbm4b:s7+s4], $0x80, $0x38;
	[tilespmem:$0x1C400] =	vst v63  }
0x82: {  	_ =	swait.ge [sflag:s5], $0x2000  }
0x83: {  	[sflag:s5] =	ssyncset.done $0x0  }
0x84: {  	[sflag:s5] =	ssyncadd.s32 $0xFFFFE000  }
0x85: {  	_ =	swait.ge [sflag:s10], $0x80  }
0x86: {  	[sflag:s10] =	ssyncset.done $0x0  }
0x87: {  	[sflag:s10] =	ssyncadd.s32 $0xFFFFFF80  }
0x88: {  	_ =	swait.ge [sflag:s10], $0x80  }
0x89: {  	[sflag:s10] =	ssyncset.done $0x0  }
0x8a: {  	s7 =	simm.s32 @!p0 $0x8;
	[sflag:s10] =	ssyncadd.s32 $0xFFFFFF80  }
0x8b: {  	_ =	swait.ge @!p0 [sflag:s7], $0x2000  }
0x8c: {  	[sflag:s7] =	ssyncset.done @!p0 $0x0  }
0x8d: {  	[sflag:s7] =	ssyncadd.s32 @!p0 $0xFFFFE000  }
0x8e: {  	[tilespmem:s11], [sflag:$0x3] =	stream.indirect.gather [spmem:s2], $0x40, s0, s24, $0xb8;
	[tilespmem:$0x1C400] =	vst v63  }
0x8f: {  	_ = 	snop  }
0x90: {  	[spmem:s3] =	stream.indirect.scatter.add.f32 [tilespmem:s31], [sflag:$0x6], $0x40, s28, s24, $0xb8;
	[tilespmem:$0x1C400] =	vst v63  }
0x91: {  	s22 =	sadd.s32 $0x30, s6  }
0x92: {  	[tilespmem:s12], [sflag:$0xC] =	stream.linear.gather [hbm4b:s22+s4], $0x80, $0x38;
	[tilespmem:$0x1C400] =	vst v63  }
0x93: {  	s22 =	sadd.s32 $0x30, s20  }
0x94: {  	[tilespmem:s13], [sflag:$0xC] =	stream.linear.gather [hbm4b:s22+s4], $0x80, $0x38;
	[tilespmem:$0x1C400] =	vst v63  }
0x95: {  	_ =	swait.ge [sflag:s14], $0x2000  }
0x96: {  	[sflag:s14] =	ssyncset.done $0x0  }
0x97: {  	[sflag:s14] =	ssyncadd.s32 $0xFFFFE000  }
0x98: {  	_ =	swait.ge [sflag:s15], $0x80  }
0x99: {  	[sflag:s15] =	ssyncset.done $0x0  }
0x9a: {  	[sflag:s15] =	ssyncadd.s32 $0xFFFFFF80  }
0x9b: {  	_ =	swait.ge [sflag:s15], $0x80  }
0x9c: {  	[sflag:s15] =	ssyncset.done $0x0  }
0x9d: {  	[sflag:s15] =	ssyncadd.s32 $0xFFFFFF80  }
0x9e: {  	p0 =	seq.s32 s25, $0x9C0;
	_ =	swait.ge [sflag:s16], $0x2000  }
.Ltmp3:
0x9f: {  	[sflag:s16] =	ssyncset.done $0x0;
	(pc) =	sbr.rel @p0 .LBB2_6-.Ltmp3, $4  }
0xa0: {  	[sflag:s16] =	ssyncadd.s32 $0xFFFFE000  }
0xa1: {  	[tilespmem:s17], [sflag:$0x4] =	stream.indirect.gather [spmem:s2], $0x40, s12, s24, $0xb8;
	[tilespmem:$0x1C400] =	vst v63  }
0xa2: {  	_ = 	snop  }
0xa3: {  	[spmem:s3] =	stream.indirect.scatter.add.f32 [tilespmem:s11], [sflag:$0x7], $0x40, s1, s24, $0xb8;
	[tilespmem:$0x1C400] =	vst v63  }
0xa4: {  	s7 =	sadd.s32 $0x40, s6  }
0xa5: {  	[tilespmem:s4], [sflag:$0x9] =	stream.linear.gather [hbm4b:s7+s4], $0x80, $0x38;
	[tilespmem:$0x1C400] =	vst v63  }
0xa6: {  	s22 =	sadd.s32 $0x40, s20  }
0xa7: {  	[tilespmem:s24], [sflag:$0x9] =	stream.linear.gather [hbm4b:s22+s4], $0x80, $0x38;
	[tilespmem:$0x1C400] =	vst v63  }
0xa8: {  	_ =	swait.ge [sflag:s21], $0x2000  }
0xa9: {  	[sflag:s21] =	ssyncset.done $0x0  }
0xaa: {  	[sflag:s21] =	ssyncadd.s32 $0xFFFFE000  }
0xab: {  	_ =	swait.ge [sflag:s29], $0x80  }
0xac: {  	[sflag:s29] =	ssyncset.done $0x0  }
0xad: {  	[sflag:s29] =	ssyncadd.s32 $0xFFFFFF80  }
0xae: {  	_ =	swait.ge [sflag:s29], $0x80  }
0xaf: {  	[sflag:s29] =	ssyncset.done $0x0  }
0xb0: {  	[sflag:s29] =	ssyncadd.s32 $0xFFFFFF80  }
0xb1: {  	_ =	swait.ge [sflag:s18], $0x2000  }
0xb2: {  	[sflag:s18] =	ssyncset.done $0x0  }
0xb3: {  	[sflag:s18] =	ssyncadd.s32 $0xFFFFE000  }
0xb4: {  	[tilespmem:s23], [sflag:$0x1] =	stream.indirect.gather [spmem:s2], $0x40, s4, s24, $0xb8;
	[tilespmem:$0x1C400] =	vst v63  }
0xb5: {  	_ = 	snop  }
0xb6: {  	[spmem:s3] =	stream.indirect.scatter.add.f32 [tilespmem:s17], [sflag:$0x8], $0x40, s13, s24, $0xb8;
	[tilespmem:$0x1C400] =	vst v63  }
.Ltmp4:
0xb7: {  	_ = 	snop;
	(pc) =	sbr.rel .LBB2_4-.Ltmp4, $4  }
0xb8: {  	s7 =	sadd.s32 $0x50, s6  }
0xb9: {  	[tilespmem:s26], [sflag:$0xA] =	stream.linear.gather [hbm4b:s7+s4], $0x80, $0x38;
	[tilespmem:$0x1C400] =	vst v63  }
0xba: {  	s25 =	sadd.s32 $0x40, s25;
	s22 =	sadd.s32 $0x50, s20  }
0xbb: {  	[tilespmem:s28], [sflag:$0xA] =	stream.linear.gather [hbm4b:s22+s4], $0x80, $0x38;
	[tilespmem:$0x1C400] =	vst v63  }
.LBB2_7:
0xbc: {  	_ =	sfence.sel $0x180000  }
0xbd: {  	[bflag:$0x0] =	sbarrier.arrive $0xFFFF  }
0xbe: {  	_ =	strace $0x9000004D  }
0xbf: {  	s0 =	stileid.u32;
	[bflag:$0x2] =	sbarrier.arrive $0xFFFF  }
0xc0: {  	p0 =	sne.s32 s0, $0x0;
	s0 =	rddreg [dreg:$0x4]  }
0xc1: {  	s0 =	sadd.s32 @!p0 $0x100000, s0  }
0xc2: {  	[sflag:s0] =	ssyncadd.tile.s32 @!p0 $0x1;
	_ =	shalt  }
.Lfunc_end2:
_tile_overlayer_lowered:
.L_overlay_start_2:
0xc3: {  	(tag) =	ssettag $0x2  }
0xc4: {  	s0 =	rddreg [dreg:$0x0];
	s2 =	stileid.u32  }
0xc5: {  	s1 =	rddreg [dreg:$0x1];
	p0 =	sne.s32 s2, $0x0  }
0xc6: {  	s3 =	rddreg [dreg:$0x2];
	[bflag:$0x3] =	sbarrier.arrive $0xFFFF;
	s2 =	simm.s32 @!p0 $0x1C0D  }
0xc7: {  	[timem:s3], [sflag:s2] =	dma.local @!p0 [hbm:s0], s1  }
0xc8: {  	s0 =	simm.s32 @!p0 $0xD  }
0xc9: {  	_ =	swait.ge @!p0 [sflag:s0], s1  }
0xca: {  	s1 =	ssub.s32 @!p0 $0x0, s1;
	[sflag:s0] =	ssyncset.done @!p0 $0x0  }
0xcb: {  	[sflag:s0] =	ssyncadd.s32 @!p0 s1  }
0xcc: {  	[bflag:$0x3] =	sbarrier.arrive $0xFFFF  }
0xcd: {  	_ =	shalt  }

// kernel: kernel.19.cloned.1.call-start
scs
__scs_entry_jumppad:
0x0: {  	(pc) =	sbr.rel $0x88, $3  }
0x1: {  	(tag) =	ssettag $0x0;
	lr =	simm.s32 $0x1  }
0x2: {  	[smem:$0x3F99] =	sst lr;
	_ =	strace $0xD0000000  }
0x3: {  	_ = 	snop  }
0x4: {  	_ = 	snop  }
0x5: {  	_ = 	snop  }
0x6: {  	_ = 	snop  }
0x7: {  	_ = 	snop  }
__scs_overlays_trampoline_lowered:
0x8: {  	[smem:$0x3FA8] =	sst s0  }
0x9: {  	[smem:$0x3FA9] =	sst s1  }
0xa: {  	[smem:$0x3FAA] =	sst s2  }
0xb: {  	[smem:$0x3FAB] =	sst s3  }
0xc: {  	[smem:$0x3FAC] =	sst s4  }
0xd: {  	[smem:$0x3FAD] =	sst s5  }
0xe: {  	[smem:$0x3FAE] =	sst s6  }
0xf: {  	[smem:$0x3FAF] =	sst s7  }
0x10: {  	[smem:$0x3FB0] =	sst s8  }
0x11: {  	[smem:$0x3FB1] =	sst s9;
	s0 =	simm.s32 @!p0 $0x0  }
0x12: {  	s1 =	sld [smem:$0x3F97];
	s0 =	simm.s32 @p0 $0x1  }
0x13: {  	[smem:$0x3FB2] =	sst s0;
	s0 =	simm.s32 @!p1 $0x0  }
0x14: {  	s2 =	sld [smem:$0x3F96];
	s0 =	simm.s32 @p1 $0x1  }
0x15: {  	[smem:$0x3FB3] =	sst s0;
	s0 =	simm.s32 @!p2 $0x0  }
0x16: {  	s3 =	sld [smem:$0x3FDB];
	s0 =	simm.s32 @p2 $0x1  }
0x17: {  	s4 =	simm.s32 $0x1BF5;
	[smem:$0x3FB5] =	sst s0  }
0x18: {  	s0 =	sld [smem:$0x3F98];
	_ =	swait.ge [sflag:s4], $0x0  }
0x19: {  	s7 =	sld [smem:$0x3F99]  }
0x1a: {  	s8 =	sadd.s32 $0xFFFFE003, lr  }
0x1b: {  	s9 =	sadd.s32 $0xFFFFFEF7, lr;
	s5 =	simm.s32 $0xFFFFFFFF;
	p2 =	slt.u32 s8, $0xFFFFF086  }
0x1c: {  	p1 =	slt.u32 s9, $0xF7A;
	s5 =	simm.s32 @!p2 $0x0  }
0x1d: {  	s5 =	simm.s32 @p1 $0x1;
	p0 =	seq.s32 s7, s2  }
0x1e: {  	s7 =	smul.u32 @!p0 $0xF7A, s2;
	p2 =	seq.s32 @!p0 s5, $0x0  }
0x1f: {  	s9 =	smul.u32 $0xF7A, s1;
	s8 =	simm.s32 @!p0 $0x1BF5;
	p2 =	por !p2, p0  }
0x20: {  	[sflag:s8] =	ssyncset.s32 @!p0 $0xFFFFF086;
	s6 =	sadd.s32 @!p0 s3, s7;
	s7 =	simm.s32 @!p0 $0x108  }
0x21: {  	s3 =	sadd.s32 s3, s9;
	s6 =	sadd.s32 @!p0 $0x88, s6;
	s7 =	simm.s32 @p2 $0x1082  }
0x22: {  	[simem:s7], [sflag:s8] =	dma.local @!p0 [hbm:s6], $0xF7A  }
0x23: {  	s9 =	sor.u32 $0xD0000000, s2;
	s6 =	simm.s32 $0x108;
	_ =	swait.ge @!p0 [sflag:s8], $0x0  }
0x24: {  	s3 =	sadd.s32 $0x88, s3;
	s6 =	simm.s32 @!p1 $0x1082;
	[sflag:s4] =	ssyncset.s32 $0xFFFFF086  }
0x25: {  	[simem:s6], [sflag:s4] =	dma.local [hbm:s3], $0xF7A  }
0x26: {  	[smem:$0x3F99] =	sst s1;
	(tag) =	ssettag s2;
	_ =	strace s9  }
0x27: {  	s1 =	sld [smem:$0x3FA9]  }
0x28: {  	s2 =	sld [smem:$0x3FAA]  }
0x29: {  	s4 =	sld [smem:$0x3FAC]  }
0x2a: {  	p0 =	seq.s32 s5, $0x0;
	s5 =	sld [smem:$0x3FAD]  }
0x2b: {  	s6 =	sld [smem:$0x3FAE]  }
0x2c: {  	s7 =	sld [smem:$0x3FAF]  }
0x2d: {  	s3 =	simm.s32 $0x108;
	s8 =	sld [smem:$0x3FB0]  }
0x2e: {  	s3 =	simm.s32 @!p0 $0x1082;
	s9 =	sld [smem:$0x3FB1]  }
0x2f: {  	lr =	sadd.s32 s0, s3;
	s0 =	sld [smem:$0x3FA8]  }
0x30: {  	s3 =	sld [smem:$0x3FAB]  }
0x31: {  	[smem:$0x3FB4] =	sst s10  }
0x32: {  	s10 =	sld [smem:$0x3FB2];
	_ =	sdelay $0x3  }
0x33: {  	p0 =	seq.s32 s10, $0x1;
	s10 =	sld [smem:$0x3FB4];
	_ =	sdelay $0x3  }
0x34: {  	[smem:$0x3FB4] =	sst s10  }
0x35: {  	s10 =	sld [smem:$0x3FB3];
	_ =	sdelay $0x3  }
0x36: {  	p1 =	seq.s32 s10, $0x1;
	s10 =	sld [smem:$0x3FB4];
	_ =	sdelay $0x3  }
0x37: {  	[smem:$0x3FB4] =	sst s10  }
0x38: {  	s10 =	sld [smem:$0x3FB5]  }
0x39: {  	_ = 	snop;
	(pc) =	sbr.ind lr, $3  }
0x3a: {  	_ = 	snop  }
0x3b: {  	_ = 	snop  }
0x3c: {  	p2 =	seq.s32 s10, $0x1;
	s10 =	sld [smem:$0x3FB4]  }
0x3d: {  	_ =	shalt  }
0x3e: {  	_ =	shalt  }
0x3f: {  	_ =	shalt  }
0x40: {  	_ =	shalt  }
0x41: {  	_ =	shalt  }
0x42: {  	_ =	shalt  }
0x43: {  	_ =	shalt  }
0x44: {  	_ =	shalt  }
0x45: {  	_ =	shalt  }
0x46: {  	_ =	shalt  }
0x47: {  	_ =	shalt  }
0x48: {  	_ =	shalt  }
0x49: {  	_ =	shalt  }
0x4a: {  	_ =	shalt  }
0x4b: {  	_ =	shalt  }
0x4c: {  	_ =	shalt  }
0x4d: {  	_ =	shalt  }
0x4e: {  	_ =	shalt  }
0x4f: {  	_ =	shalt  }
0x50: {  	_ =	shalt  }
0x51: {  	_ =	shalt  }
0x52: {  	_ =	shalt  }
0x53: {  	_ =	shalt  }
0x54: {  	_ =	shalt  }
0x55: {  	_ =	shalt  }
0x56: {  	_ =	shalt  }
0x57: {  	_ =	shalt  }
0x58: {  	_ =	shalt  }
0x59: {  	_ =	shalt  }
0x5a: {  	_ =	shalt  }
0x5b: {  	_ =	shalt  }
0x5c: {  	_ =	shalt  }
0x5d: {  	_ =	shalt  }
0x5e: {  	_ =	shalt  }
0x5f: {  	_ =	shalt  }
0x60: {  	_ =	shalt  }
0x61: {  	_ =	shalt  }
0x62: {  	_ =	shalt  }
0x63: {  	_ =	shalt  }
0x64: {  	_ =	shalt  }
0x65: {  	_ =	shalt  }
0x66: {  	_ =	shalt  }
0x67: {  	_ =	shalt  }
0x68: {  	_ =	shalt  }
0x69: {  	_ =	shalt  }
0x6a: {  	_ =	shalt  }
0x6b: {  	_ =	shalt  }
0x6c: {  	_ =	shalt  }
0x6d: {  	_ =	shalt  }
0x6e: {  	_ =	shalt  }
0x6f: {  	_ =	shalt  }
0x70: {  	_ =	shalt  }
0x71: {  	_ =	shalt  }
0x72: {  	_ =	shalt  }
0x73: {  	_ =	shalt  }
0x74: {  	_ =	shalt  }
0x75: {  	_ =	shalt  }
0x76: {  	_ =	shalt  }
0x77: {  	_ =	shalt  }
0x78: {  	_ =	shalt  }
0x79: {  	_ =	shalt  }
0x7a: {  	_ =	shalt  }
0x7b: {  	_ =	shalt  }
0x7c: {  	_ =	shalt  }
0x7d: {  	_ =	shalt  }
0x7e: {  	_ =	shalt  }
0x7f: {  	_ =	shalt  }
0x80: {  	_ =	shalt  }
0x81: {  	_ =	shalt  }
0x82: {  	_ =	shalt  }
0x83: {  	_ =	shalt  }
0x84: {  	_ =	shalt  }
0x85: {  	_ =	shalt  }
0x86: {  	_ =	shalt  }
0x87: {  	_ =	shalt  }
.Lfunc_end0:
.L_simem_size_0:
called_computation.3_lowered:
.L_overlay_start_0:
0x88: {  	s2 =	sld [smem:$0x3FD9]  }
0x89: {  	s3 =	sld [smem:$0x3FFE];
	_ =	sdelay $0x1  }
0x8a: {  	s1 =	srdreg.scid  }
0x8b: {  	s0 =	sand.u32 $0x1, s1  }
0x8c: {  	s17 =	sshll.u32 s0, $0xA;
	s2 =	sadd.s32 s3, s2  }
0x8d: {  	s2 =	sadd.s32 s2, s17  }
0x8e: {  	[smem:$0x3FC0] =	sst s2  }
0x8f: {  	_ = 	snop  }
0x90: {  	s2 =	sld [smem:$0x3FD0];
	(tm) =	ssettm $0x1  }
0x91: {  	s18 =	sld [smem:$0x3FFB];
	_ =	sdelay $0x3  }
0x92: {  	_ =	strace s18  }
0x93: {  	s3 =	sld [smem:$0x3FFC];
	_ =	sdelay $0x3  }
0x94: {  	_ =	strace s3  }
0x95: {  	s3 =	sld [smem:$0x3FFD];
	_ =	sdelay $0x3  }
0x96: {  	_ =	strace s3  }
0x97: {  	_ =	strace $0x8FFFFFFF  }
0x98: {  	s19 =	sld [smem:$0x3FDB];
	_ =	sdelay $0x1  }
0x99: {  	s4 =	simm.s32 $_scs_section_size  }
0x9a: {  	s5 =	simm.s32 $_size__tile_overlayer_lowered;
	s6 =	simm.s32 $_tile_overlayer_lowered  }
0x9b: {  	s22 =	simm.s32 $0x1BFF;
	s21 =	sshll.u32 s6, $0x1;
	s3 =	sadd.s32 s4, s19  }
0x9c: {  	s7 =	simm.s32 $0x0;
	s20 =	sshll.u32 s5, $0x1;
	s5 =	sadd.s32 s21, s3  }
0x9d: {  	[timem:s7], [sflag:s22] =	dma.local [hbm:s5], s20  }
0x9e: {  	_ =	swait.ge [sflag:s22], s20  }
0x9f: {  	s4 =	ssub.s32 $0x0, s20;
	[sflag:s22] =	ssyncset.done $0x0  }
0xa0: {  	[sflag:s22] =	ssyncadd.s32 s4;
	_ =	sdelay $0x1  }
0xa1: {  	s23 =	simm.s32 $0x1B8B  }
0xa2: {  	_ =	swait.ge [sflag:s23], $0x1  }
0xa3: {  	[sflag:s23] =	ssyncset.done $0x0  }
0xa4: {  	s25 =	simm.s32 $0x1B8E;
	s24 =	sld [smem:$0x3FFE];
	[sflag:s23] =	ssyncadd.s32 $0xFFFFFFFF  }
0xa5: {  	s26 =	simm.s32 $execute0_lowered;
	[smem:$0x3FD2] =	sst s25  }
0xa6: {  	s5 =	sshll.u32 s26, $0x1;
	_ =	strace $0x8000004F;
	[dreg:$0x1] =	wrdreg $0xFFFFFFFF  }
0xa7: {  	s28 =	simm.s32 $_size_execute0_lowered;
	s3 =	sadd.s32 s3, s5;
	[dreg:$0x0] =	wrdreg $0x0  }
0xa8: {  	s5 =	sshll.u32 s28, $0x1;
	[dreg:$0x2] =	wrdreg s3  }
0xa9: {  	[dreg:$0x3] =	wrdreg s5  }
0xaa: {  	[dreg:$0x4] =	wrdreg $0xC0  }
0xab: {  	_ =	task [dreg:s7], $0x5FFFF  }
0xac: {  	[dreg:$0x1] =	wrdreg $0xFFFFFFFF  }
0xad: {  	[dreg:$0x0] =	wrdreg $0x60  }
0xae: {  	[dreg:$0x2] =	wrdreg s24  }
0xaf: {  	[dreg:$0x3] =	wrdreg s2  }
0xb0: {  	[dreg:$0x4] =	wrdreg $0x84000  }
0xb1: {  	[dreg:$0x5] =	wrdreg $0x124000  }
0xb2: {  	[dreg:$0x6] =	wrdreg $0x9  }
0xb3: {  	_ =	task.clear_ibuf [dreg:s7], $0x7FFFF;
	_ =	strace $0x9000004F  }
0xb4: {  	s29 =	simm.s32 $0x9;
	_ =	strace $0x80000051  }
0xb5: {  	_ =	swait.ge [sflag:s29], $0x1  }
0xb6: {  	[sflag:s29] =	ssyncadd.s32 $0xFFFFFFFF  }
0xb7: {  	_ =	strace $0x90000051  }
0xb8: {  	_ =	sfence  }
0xb9: {  	s30 =	sld [smem:$0x0];
	_ =	sdelay $0x2  }
0xba: {  	s31 =	sshll.u32 s1, $0xD;
	s1 =	sshrl.u32 s1, $0x2  }
0xbb: {  	s3 =	sand.u32 $0x4000, s31;
	s1 =	sadd.s32 s1, s30  }
0xbc: {  	s0 =	sor.u32 s3, s0;
	s1 =	sshll.u32 s1, $0x11  }
0xbd: {  	s0 =	sor.u32 s1, s0  }
0xbe: {  	s0 =	sadd.s32 $0x8F2B, s0  }
0xbf: {  	[sflag:s0] =	ssyncadd.remote.s32 $0x1  }
0xc0: {  	_ =	sfence.sel $0xFFFF  }
0xc1: {  	[dreg:$0x0] =	wrdreg $0xFFFFFFFF;
	(pc) =	sbr.abs _section_cstart, $3  }
0xc2: {  	[dreg:$0x1] =	wrdreg $0xFFFFFFFF  }
0xc3: {  	_ =	task.clear_ibuf [dreg:s7], $0x2FFFF;
	_ =	strace $0x9FFFFFFF  }
0xc4: {  	(tm) =	ssettm $0x7FFFFFFF  }
0xc5: {  	_ =	shalt  }
tec
execute0_lowered:
.L_overlay_start_1:
0x0: {  	(tag) =	ssettag $0x1  }
0x1: {  	s0 =	rddreg [dreg:$0x0]  }
0x2: {  	s1 =	rddreg [dreg:$0x1]  }
0x3: {  	s2 =	rddreg [dreg:$0x2]  }
0x4: {  	s3 =	rddreg [dreg:$0x3];
	s5 =	srdreg.scid  }
0x5: {  	s11 =	stileid.u32;
	s4 =	simm.s32 $0x0;
	s19 =	simm.s32 $0x1  }
0x6: {  	s28 =	simm.s32 $0x180;
	s29 =	simm.s32 $0x9;
	s6 =	smul.u32 $0x14000, s11  }
0x7: {  	s30 =	simm.s32 $0xA;
	s31 =	simm.s32 $0x2400;
	s13 =	smul.u32 $0xA000, s11  }
0x8: {  	s5 =	sand.u32 $0x1, s5;
	[smem:$0x7FF] =	sst s4;
	s8 =	smul.u32 $0x28000, s11  }
0x9: {  	s10 =	sadd.s32 $0x53000, s0;
	s9 =	smul.u32 $0xA00, s11;
	s11 =	sshll.u32 s11, $0x6  }
0xa: {  	s7 =	sshll.u32 s5, $0x6;
	_ =	strace $0x80000050;
	s5 =	ssub.s32 $0x2, s5  }
0xb: {  	s20 =	sor.u32 $0x1C0D, s11;
	s11 =	simm.s32 $0x4400;
	s6 =	sor.u32 s7, s6  }
0xc: {  	s14 =	sshrl.u32 s5, $0x1;
	s15 =	sadd.s32 s13, s2;
	s8 =	sshrl.u32 s8, $0x2  }
0xd: {  	s17 =	sor.u32 $0x10, s9;
	s18 =	sadd.s32 s13, s3;
	s13 =	simm.s32 $0x380  }
0xe: {  	s7 =	simm.s32 $0x0;
	[dreg:$0x6] =	wrdreg s20;
	s6 =	sshrl.u32 s6, $0x3  }
0xf: {  	s5 =	ssub.s32 s5, s14;
	s16 =	sadd.s32 s8, s3;
	s8 =	sadd.s32 s10, s9  }
0x10: {  	s9 =	sadd.s32 s1, s9;
	s10 =	sadd.s32 s10, s17;
	s1 =	sadd.s32 s1, s17  }
0x11: {  	s26 =	sshrl.u32 s15, $0x3;
	s14 =	simm.s32 $0x3;
	[dreg:$0x8] =	wrdreg s10  }
0x12: {  	s15 =	simm.s32 $0xC;
	s17 =	simm.s32 $0x6400;
	[dreg:$0x9] =	wrdreg s1  }
0x13: {  	s0 =	sadd.s32 s6, s0;
	s21 =	smax.u32 s5, $0x1;
	[dreg:$0x7] =	wrdreg s16  }
0x14: {  	s22 =	sadd.s32 $0x2000, s16;
	s23 =	sadd.s32 $0x4000, s16;
	[dreg:$0x10] =	wrdreg s26  }
0x15: {  	s24 =	sadd.s32 $0x6000, s16;
	s25 =	sadd.s32 $0x8000, s16;
	[dreg:$0x13] =	wrdreg s8  }
0x16: {  	s26 =	simm.s32 $0x100;
	s1 =	simm.s32 $0x280;
	[dreg:$0xb] =	wrdreg s21  }
0x17: {  	s5 =	simm.s32 $0x2;
	s10 =	simm.s32 $0xB;
	[dreg:$0xc] =	wrdreg s22  }
0x18: {  	s16 =	simm.s32 $0x5;
	s12 =	sadd.s32 $0x3000, s0;
	[dreg:$0xd] =	wrdreg s23  }
.Ltmp0:
0x19: {  	s0 =	sadd.s32 $0x2B000, s0;
	[dreg:$0xe] =	wrdreg s24;
	(pc) =	sbr.rel .LBB2_1-.Ltmp0, $4  }
0x1a: {  	[dreg:$0xf] =	wrdreg s25;
	s22 =	simm.s32 $0xD;
	s23 =	simm.s32 $0x400  }
0x1b: {  	s24 =	simm.s32 $0x80;
	s21 =	simm.s32 $0x4;
	[dreg:$0x5] =	wrdreg s12  }
0x1c: {  	[dreg:$0xa] =	wrdreg s0;
	s0 =	sshrl.u32 s18, $0x3;
	s12 =	simm.s32 $0x300  }
0x1d: {  	v0 =	vimm.f32 $0.0e+00;
	s18 =	simm.s32 $0x6;
	[dreg:$0x11] =	wrdreg s0;
	s0 =	simm.s32 $0x200  }
.LBB2_6:
0x1e: {  	_ =	swait.ge [sflag:s21], $0x2000  }
0x1f: {  	[sflag:s21] =	ssyncset.done $0x0  }
0x20: {  	[sflag:s21] =	ssyncadd.s32 $0xFFFFE000  }
0x21: {  	_ =	swait.ge [sflag:s18], $0x2000  }
0x22: {  	[sflag:s18] =	ssyncset.done $0x0  }
0x23: {  	s6 =	simm.s32 $0x7;
	[sflag:s18] =	ssyncadd.s32 $0xFFFFE000  }
0x24: {  	[spmem:s3] =	stream.indirect.scatter.add.f32 [tilespmem:s17], [sflag:$0x8], $0x40, s13, s24, $0xb8;
	[tilespmem:$0x1C400] =	vst v63  }
0x25: {  	_ =	swait.ge [sflag:s6], $0x2000  }
0x26: {  	[sflag:s6] =	ssyncset.done $0x0  }
0x27: {  	s25 =	simm.s32 $0x8;
	[sflag:s6] =	ssyncadd.s32 $0xFFFFE000  }
0x28: {  	_ =	swait.ge [sflag:s25], $0x2000  }
0x29: {  	[sflag:s25] =	ssyncset.done $0x0  }
0x2a: {  	[sflag:s25] =	ssyncadd.s32 $0xFFFFE000  }
0x2b: {  	[bflag:$0x0] =	sbarrier.arrive $0xFFFF  }
0x2c: {  	s20 =	rddreg [dreg:$0x6]  }
0x2d: {  	s8 =	rddreg [dreg:$0xa]  }
0x2e: {  	s7 =	simm.s32 $0x10;
	s22 =	rddreg [dreg:$0x11]  }
0x2f: {  	[hbm:s8@s7], [sflag:s20] =	dma.strided [spmem:s22@s25], $0x1400, s19, $0x8   }
0x30: {  	s22 =	simm.s32 $0xD  }
0x31: {  	_ =	swait.ge [sflag:s22], $0x1400  }
0x32: {  	s20 =	rddreg [dreg:$0x12]  }
0x33: {  	s25 =	rddreg [dreg:$0xb];
	s7 =	sadd.s32 $0x1, s20  }
0x34: {  	p0 =	sne.s32 s7, s25  }
.Ltmp1:
0x35: {  	_ = 	snop;
	(pc) =	sbr.rel @!p0 .LBB2_7-.Ltmp1, $3  }
0x36: {  	_ =	sdelay $0x1  }
0x37: {  	[sflag:s22] =	ssyncset.done $0x0  }
0x38: {  	[sflag:s22] =	ssyncadd.s32 $0xFFFFEC00  }
.LBB2_1:
0x39: {  	[dreg:$0x12] =	wrdreg s7  }
0x3a: {  	s6 =	rddreg [dreg:$0x5]  }
0x3b: {  	s7 =	rddreg [dreg:$0x10]  }
0x3c: {  	s20 =	simm.s32 $0x10;
	s25 =	rddreg [dreg:$0x6];
	s8 =	simm.s32 $0x8  }
0x3d: {  	[spmem:s7@s8], [sflag:s25] =	dma.strided [hbm:s6@s20], $0x1400, s19, $0x8   }
0x3e: {  	_ =	swait.ge [sflag:s22], $0x1400  }
0x3f: {  	[sflag:s22] =	ssyncset.done $0x0  }
0x40: {  	s20 =	simm.s32 $0x100;
	s6 =	simm.s32 $0x0;
	[sflag:s22] =	ssyncadd.s32 $0xFFFFEC00  }
.LBB2_2:
0x41: {  	p0 =	sne.s32 s20, $0x7F00;
	[tilespmem:s6+$0x430] =	vst v0;
	s25 =	smov.u32 s20;
	s20 =	sadd.s32 $0x100, s20  }
.Ltmp2:
0x42: {  	[tilespmem:s6+$0x420] =	vst v0;
	(pc) =	sbr.rel @p0 .LBB2_2-.Ltmp2, $3  }
0x43: {  	[tilespmem:s6+$0x400] =	vst v0  }
0x44: {  	[tilespmem:s6+$0x410] =	vst v0;
	_ =	sdelay $0x1  }
0x45: {  	s6 =	sshra.s32 s25, $0x2  }
0x46: {  	[tilespmem:s6+$0x430] =	vst v0  }
0x47: {  	[tilespmem:s6+$0x420] =	vst v0  }
0x48: {  	[tilespmem:s6+$0x400] =	vst v0  }
0x49: {  	[tilespmem:s6+$0x410] =	vst v0;
	s8 =	rddreg [dreg:$0x7]  }
0x4a: {  	[spmem:s8] =	stream.linear.scatter [tilespmem:s23], [sflag:$0xD], $0x2000, $0x38;
	[tilespmem:$0x1C400] =	vst v63  }
0x4b: {  	_ =	swait.ge [sflag:s22], $0x2000  }
0x4c: {  	[sflag:s22] =	ssyncset.done $0x0  }
0x4d: {  	s20 =	rddreg [dreg:$0xc];
	[sflag:s22] =	ssyncadd.s32 $0xFFFFE000  }
0x4e: {  	[spmem:s20] =	stream.linear.scatter [tilespmem:s23], [sflag:$0xD], $0x2000, $0x38;
	[tilespmem:$0x1C400] =	vst v63  }
0x4f: {  	_ =	swait.ge [sflag:s22], $0x2000  }
0x50: {  	[sflag:s22] =	ssyncset.done $0x0  }
0x51: {  	s25 =	rddreg [dreg:$0xd];
	[sflag:s22] =	ssyncadd.s32 $0xFFFFE000  }
0x52: {  	[spmem:s25] =	stream.linear.scatter [tilespmem:s23], [sflag:$0xD], $0x2000, $0x38;
	[tilespmem:$0x1C400] =	vst v63  }
0x53: {  	_ =	swait.ge [sflag:s22], $0x2000  }
0x54: {  	[sflag:s22] =	ssyncset.done $0x0  }
0x55: {  	s7 =	rddreg [dreg:$0xe];
	[sflag:s22] =	ssyncadd.s32 $0xFFFFE000  }
0x56: {  	[spmem:s7] =	stream.linear.scatter [tilespmem:s23], [sflag:$0xD], $0x2000, $0x38;
	[tilespmem:$0x1C400] =	vst v63  }
0x57: {  	_ =	swait.ge [sflag:s22], $0x2000  }
0x58: {  	[sflag:s22] =	ssyncset.done $0x0  }
0x59: {  	s8 =	rddreg [dreg:$0xf];
	[sflag:s22] =	ssyncadd.s32 $0xFFFFE000  }
0x5a: {  	[spmem:s8] =	stream.linear.scatter [tilespmem:s23], [sflag:$0xD], $0x2000, $0x38;
	[tilespmem:$0x1C400] =	vst v63  }
0x5b: {  	_ =	swait.ge [sflag:s22], $0x2000  }
0x5c: {  	[sflag:s22] =	ssyncset.done $0x0  }
0x5d: {  	[sflag:s22] =	ssyncadd.s32 $0xFFFFE000  }
0x5e: {  	[bflag:$0x0] =	sbarrier.arrive $0xFFFF  }
0x5f: {  	s25 =	simm.s32 $0x0;
	s8 =	rddreg [dreg:$0x13]  }
0x60: {  	[tilespmem:s25], [sflag:$0x9] =	stream.linear.gather [hbm4b:s8+s25], $0x80, $0x38;
	[tilespmem:$0x1C400] =	vst v63  }
0x61: {  	_ = 	snop  }
0x62: {  	[tilespmem:s24], [sflag:$0x9] =	stream.linear.gather [hbm4b:s9+s25], $0x80, $0x38;
	[tilespmem:$0x1C400] =	vst v63  }
0x63: {  	s20 =	rddreg [dreg:$0x8]  }
0x64: {  	[tilespmem:s26], [sflag:$0xA] =	stream.linear.gather [hbm4b:s20+s25], $0x80, $0x38;
	[tilespmem:$0x1C400] =	vst v63  }
0x65: {  	s22 =	rddreg [dreg:$0x9]  }
0x66: {  	[tilespmem:s28], [sflag:$0xA] =	stream.linear.gather [hbm4b:s22+s25], $0x80, $0x38;
	[tilespmem:$0x1C400] =	vst v63  }
0x67: {  	_ =	swait.ge [sflag:s29], $0x80  }
0x68: {  	[sflag:s29] =	ssyncset.done $0x0  }
0x69: {  	[sflag:s29] =	ssyncadd.s32 $0xFFFFFF80  }
0x6a: {  	_ =	swait.ge [sflag:s29], $0x80  }
0x6b: {  	[sflag:s29] =	ssyncset.done $0x0  }
0x6c: {  	[sflag:s29] =	ssyncadd.s32 $0xFFFFFF80  }
0x6d: {  	[tilespmem:s23], [sflag:$0x1] =	stream.indirect.gather [spmem:s2], $0x40, s25, s24, $0xb8;
	[tilespmem:$0x1C400] =	vst v63  }
.LBB2_4:
0x6e: {  	_ =	swait.ge [sflag:s19], $0x2000  }
0x6f: {  	[sflag:s19] =	ssyncset.done $0x0  }
0x70: {  	[sflag:s19] =	ssyncadd.s32 $0xFFFFE000  }
0x71: {  	_ =	swait.ge [sflag:s30], $0x80  }
0x72: {  	[sflag:s30] =	ssyncset.done $0x0  }
0x73: {  	[sflag:s30] =	ssyncadd.s32 $0xFFFFFF80  }
0x74: {  	_ =	swait.ge [sflag:s30], $0x80  }
0x75: {  	p0 =	seq.s32 s25, $0x0;
	[sflag:s30] =	ssyncset.done $0x0  }
0x76: {  	s6 =	simm.s32 @!p0 $0x7;
	[sflag:s30] =	ssyncadd.s32 $0xFFFFFF80  }
0x77: {  	_ =	swait.ge @!p0 [sflag:s6], $0x2000  }
0x78: {  	[sflag:s6] =	ssyncset.done @!p0 $0x0  }
0x79: {  	[sflag:s6] =	ssyncadd.s32 @!p0 $0xFFFFE000  }
0x7a: {  	[tilespmem:s31], [sflag:$0x2] =	stream.indirect.gather [spmem:s2], $0x40, s26, s24, $0xb8;
	[tilespmem:$0x1C400] =	vst v63  }
0x7b: {  	s6 =	sadd.s32 s25, s8  }
0x7c: {  	[spmem:s3] =	stream.indirect.scatter.add.f32 [tilespmem:s23], [sflag:$0x5], $0x40, s24, s24, $0xb8;
	[tilespmem:$0x1C400] =	vst v63  }
0x7d: {  	s20 =	sadd.s32 $0x20, s6  }
0x7e: {  	[tilespmem:s0], [sflag:$0xB] =	stream.linear.gather [hbm4b:s20+s4], $0x80, $0x38;
	[tilespmem:$0x1C400] =	vst v63  }
0x7f: {  	s20 =	sadd.s32 s25, s9  }
0x80: {  	s7 =	sadd.s32 $0x20, s20  }
0x81: {  	[tilespmem:s1], [sflag:$0xB] =	stream.linear.gather [hbm4b:s7+s4], $0x80, $0x38;
	[tilespmem:$0x1C400] =	vst v63  }
0x82: {  	_ =	swait.ge [sflag:s5], $0x2000  }
0x83: {  	[sflag:s5] =	ssyncset.done $0x0  }
0x84: {  	[sflag:s5] =	ssyncadd.s32 $0xFFFFE000  }
0x85: {  	_ =	swait.ge [sflag:s10], $0x80  }
0x86: {  	[sflag:s10] =	ssyncset.done $0x0  }
0x87: {  	[sflag:s10] =	ssyncadd.s32 $0xFFFFFF80  }
0x88: {  	_ =	swait.ge [sflag:s10], $0x80  }
0x89: {  	[sflag:s10] =	ssyncset.done $0x0  }
0x8a: {  	s7 =	simm.s32 @!p0 $0x8;
	[sflag:s10] =	ssyncadd.s32 $0xFFFFFF80  }
0x8b: {  	_ =	swait.ge @!p0 [sflag:s7], $0x2000  }
0x8c: {  	[sflag:s7] =	ssyncset.done @!p0 $0x0  }
0x8d: {  	[sflag:s7] =	ssyncadd.s32 @!p0 $0xFFFFE000  }
0x8e: {  	[tilespmem:s11], [sflag:$0x3] =	stream.indirect.gather [spmem:s2], $0x40, s0, s24, $0xb8;
	[tilespmem:$0x1C400] =	vst v63  }
0x8f: {  	_ = 	snop  }
0x90: {  	[spmem:s3] =	stream.indirect.scatter.add.f32 [tilespmem:s31], [sflag:$0x6], $0x40, s28, s24, $0xb8;
	[tilespmem:$0x1C400] =	vst v63  }
0x91: {  	s22 =	sadd.s32 $0x30, s6  }
0x92: {  	[tilespmem:s12], [sflag:$0xC] =	stream.linear.gather [hbm4b:s22+s4], $0x80, $0x38;
	[tilespmem:$0x1C400] =	vst v63  }
0x93: {  	s22 =	sadd.s32 $0x30, s20  }
0x94: {  	[tilespmem:s13], [sflag:$0xC] =	stream.linear.gather [hbm4b:s22+s4], $0x80, $0x38;
	[tilespmem:$0x1C400] =	vst v63  }
0x95: {  	_ =	swait.ge [sflag:s14], $0x2000  }
0x96: {  	[sflag:s14] =	ssyncset.done $0x0  }
0x97: {  	[sflag:s14] =	ssyncadd.s32 $0xFFFFE000  }
0x98: {  	_ =	swait.ge [sflag:s15], $0x80  }
0x99: {  	[sflag:s15] =	ssyncset.done $0x0  }
0x9a: {  	[sflag:s15] =	ssyncadd.s32 $0xFFFFFF80  }
0x9b: {  	_ =	swait.ge [sflag:s15], $0x80  }
0x9c: {  	[sflag:s15] =	ssyncset.done $0x0  }
0x9d: {  	[sflag:s15] =	ssyncadd.s32 $0xFFFFFF80  }
0x9e: {  	p0 =	seq.s32 s25, $0x9C0;
	_ =	swait.ge [sflag:s16], $0x2000  }
.Ltmp3:
0x9f: {  	[sflag:s16] =	ssyncset.done $0x0;
	(pc) =	sbr.rel @p0 .LBB2_6-.Ltmp3, $4  }
0xa0: {  	[sflag:s16] =	ssyncadd.s32 $0xFFFFE000  }
0xa1: {  	[tilespmem:s17], [sflag:$0x4] =	stream.indirect.gather [spmem:s2], $0x40, s12, s24, $0xb8;
	[tilespmem:$0x1C400] =	vst v63  }
0xa2: {  	_ = 	snop  }
0xa3: {  	[spmem:s3] =	stream.indirect.scatter.add.f32 [tilespmem:s11], [sflag:$0x7], $0x40, s1, s24, $0xb8;
	[tilespmem:$0x1C400] =	vst v63  }
0xa4: {  	s7 =	sadd.s32 $0x40, s6  }
0xa5: {  	[tilespmem:s4], [sflag:$0x9] =	stream.linear.gather [hbm4b:s7+s4], $0x80, $0x38;
	[tilespmem:$0x1C400] =	vst v63  }
0xa6: {  	s22 =	sadd.s32 $0x40, s20  }
0xa7: {  	[tilespmem:s24], [sflag:$0x9] =	stream.linear.gather [hbm4b:s22+s4], $0x80, $0x38;
	[tilespmem:$0x1C400] =	vst v63  }
0xa8: {  	_ =	swait.ge [sflag:s21], $0x2000  }
0xa9: {  	[sflag:s21] =	ssyncset.done $0x0  }
0xaa: {  	[sflag:s21] =	ssyncadd.s32 $0xFFFFE000  }
0xab: {  	_ =	swait.ge [sflag:s29], $0x80  }
0xac: {  	[sflag:s29] =	ssyncset.done $0x0  }
0xad: {  	[sflag:s29] =	ssyncadd.s32 $0xFFFFFF80  }
0xae: {  	_ =	swait.ge [sflag:s29], $0x80  }
0xaf: {  	[sflag:s29] =	ssyncset.done $0x0  }
0xb0: {  	[sflag:s29] =	ssyncadd.s32 $0xFFFFFF80  }
0xb1: {  	_ =	swait.ge [sflag:s18], $0x2000  }
0xb2: {  	[sflag:s18] =	ssyncset.done $0x0  }
0xb3: {  	[sflag:s18] =	ssyncadd.s32 $0xFFFFE000  }
0xb4: {  	[tilespmem:s23], [sflag:$0x1] =	stream.indirect.gather [spmem:s2], $0x40, s4, s24, $0xb8;
	[tilespmem:$0x1C400] =	vst v63  }
0xb5: {  	_ = 	snop  }
0xb6: {  	[spmem:s3] =	stream.indirect.scatter.add.f32 [tilespmem:s17], [sflag:$0x8], $0x40, s13, s24, $0xb8;
	[tilespmem:$0x1C400] =	vst v63  }
.Ltmp4:
0xb7: {  	_ = 	snop;
	(pc) =	sbr.rel .LBB2_4-.Ltmp4, $4  }
0xb8: {  	s7 =	sadd.s32 $0x50, s6  }
0xb9: {  	[tilespmem:s26], [sflag:$0xA] =	stream.linear.gather [hbm4b:s7+s4], $0x80, $0x38;
	[tilespmem:$0x1C400] =	vst v63  }
0xba: {  	s25 =	sadd.s32 $0x40, s25;
	s22 =	sadd.s32 $0x50, s20  }
0xbb: {  	[tilespmem:s28], [sflag:$0xA] =	stream.linear.gather [hbm4b:s22+s4], $0x80, $0x38;
	[tilespmem:$0x1C400] =	vst v63  }
.LBB2_7:
0xbc: {  	_ =	sfence.sel $0x180000  }
0xbd: {  	[bflag:$0x0] =	sbarrier.arrive $0xFFFF  }
0xbe: {  	_ =	strace $0x90000050  }
0xbf: {  	s0 =	stileid.u32;
	[bflag:$0x2] =	sbarrier.arrive $0xFFFF  }
0xc0: {  	p0 =	sne.s32 s0, $0x0;
	s0 =	rddreg [dreg:$0x4]  }
0xc1: {  	s0 =	sadd.s32 @!p0 $0x100000, s0  }
0xc2: {  	[sflag:s0] =	ssyncadd.tile.s32 @!p0 $0x1;
	_ =	shalt  }
.Lfunc_end2:
_tile_overlayer_lowered:
.L_overlay_start_2:
0xc3: {  	(tag) =	ssettag $0x2  }
0xc4: {  	s0 =	rddreg [dreg:$0x0];
	s2 =	stileid.u32  }
0xc5: {  	s1 =	rddreg [dreg:$0x1];
	p0 =	sne.s32 s2, $0x0  }
0xc6: {  	s3 =	rddreg [dreg:$0x2];
	[bflag:$0x3] =	sbarrier.arrive $0xFFFF;
	s2 =	simm.s32 @!p0 $0x1C0D  }
0xc7: {  	[timem:s3], [sflag:s2] =	dma.local @!p0 [hbm:s0], s1  }
0xc8: {  	s0 =	simm.s32 @!p0 $0xD  }
0xc9: {  	_ =	swait.ge @!p0 [sflag:s0], s1  }
0xca: {  	s1 =	ssub.s32 @!p0 $0x0, s1;
	[sflag:s0] =	ssyncset.done @!p0 $0x0  }
0xcb: {  	[sflag:s0] =	ssyncadd.s32 @!p0 s1  }
0xcc: {  	[bflag:$0x3] =	sbarrier.arrive $0xFFFF  }
0xcd: {  	_ =	shalt  }

</sc_bundles>
